<compile_context>
chip_gen: v7x
topology: tpu7x:2x2x1
jax: 0.10.2.dev20260603
libtpu: 0.0.44.dev20260713+nightly
codegen_flags: <defaults>
</compile_context>

<pallas_src>
import functools
import math

import jax
import jax.numpy as jnp
from jax import lax
from jax.experimental import pallas as pl
from jax.experimental.pallas import tpu as pltpu
from jax.experimental.pallas import tpu_sc as plsc

_TOKEN_EMBED_DIM = 64
_SCALE = math.sqrt(_TOKEN_EMBED_DIM)

_NC = 2
_NS = 16
_NW = _NC * _NS

_CHUNK = 512
_IDXW = 128
_K = _CHUNK // _IDXW
_NBUF = 2


def _make_embed(n_rows, vocab, d):
    assert n_rows % (_NW * _CHUNK * _NBUF) == 0
    b_per_w = n_rows // _NW
    nchunk = b_per_w // _CHUNK
    nouter = nchunk // _NBUF
    mesh = plsc.VectorSubcoreMesh(core_axis_name="c", subcore_axis_name="s")

    @functools.partial(
        pl.kernel,
        mesh=mesh,
        compiler_params=pltpu.CompilerParams(use_tc_tiling_on_sc=False),
        out_type=jax.ShapeDtypeStruct((n_rows, d), jnp.float32),
        scratch_types=[
            pltpu.VMEM((_NBUF, _K, _IDXW), jnp.int32),
            pltpu.VMEM((_NBUF * _CHUNK, d), jnp.float32),
            pltpu.SemaphoreType.DMA,
            pltpu.SemaphoreType.DMA,
            pltpu.SemaphoreType.DMA,
            pltpu.SemaphoreType.DMA,
            pltpu.SemaphoreType.DMA,
            pltpu.SemaphoreType.DMA,
        ],
    )
    def embed(idx_hbm, table_hbm, out_hbm, idx_v, rows_v, g0, g1, o0, o1,
              i0, i1):
        gsems, osems, isems = (g0, g1), (o0, o1), (i0, i1)
        wid = lax.axis_index("s") * _NC + lax.axis_index("c")
        idx_row0 = wid * (nchunk * _K)
        out_row0 = wid * b_per_w

        def rows_sl(b):
            return rows_v.at[pl.ds(b * _CHUNK, _CHUNK)]

        def fire_gathers(b):
            for j in range(_K):
                pltpu.async_copy(
                    table_hbm.at[idx_v.at[b, j]],
                    rows_v.at[pl.ds(b * _CHUNK + j * _IDXW, _IDXW)],
                    gsems[b],
                )

        def drain_gathers(b):
            pltpu.make_async_copy(
                table_hbm.at[pl.ds(0, _CHUNK)], rows_sl(b), gsems[b]
            ).wait()

        def fire_idx(b, n):
            pltpu.async_copy(
                idx_hbm.at[pl.ds(idx_row0 + n * _K, _K)], idx_v.at[b],
                isems[b],
            )

        def wait_idx(b):
            pltpu.make_async_copy(
                idx_hbm.at[pl.ds(0, _K)], idx_v.at[b], isems[b]
            ).wait()

        def fire_out(b, n):
            pltpu.async_copy(
                rows_sl(b), out_hbm.at[pl.ds(out_row0 + n * _CHUNK, _CHUNK)],
                osems[b],
            )

        def wait_out(b):
            pltpu.make_async_copy(
                rows_sl(b), out_hbm.at[pl.ds(0, _CHUNK)], osems[b]
            ).wait()

        def scale(b):
            base = b * _CHUNK

            def body(r, c):
                for u in range(4):
                    row = base + r * 4 + u
                    for s in range(d // 16):
                        sl = pl.ds(s * 16, 16)
                        rows_v[row, sl] = rows_v[row, sl] * _SCALE
                return c

            lax.fori_loop(0, _CHUNK // 4, body, 0, unroll=False)

        def visit(n, b, prefetch=True, fire_next=True, first=False):
            drain_gathers(b)
            if prefetch:
                fire_idx(b, n + _NBUF)
            scale(b)
            fire_out(b, n)
            if fire_next:
                bp = (b - 1) % _NBUF
                if not first:
                    wait_out(bp)
                wait_idx(bp)
                fire_gathers(bp)

        pltpu.sync_copy(idx_hbm.at[pl.ds(idx_row0, _K)], idx_v.at[0])
        fire_gathers(0)
        fire_idx(1, 1)

        visit(0, 0, first=True)
        for b in range(1, _NBUF):
            visit(b, b)

        def group(g2, c):
            n0 = g2 * _NBUF
            for b in range(_NBUF):
                visit(n0 + b, b)
            return c

        lax.fori_loop(1, nouter - 1, group, 0, unroll=False)

        n0 = (nouter - 1) * _NBUF
        visit(n0, 0, prefetch=False)
        for b in range(1, _NBUF - 1):
            visit(n0 + b, b, prefetch=False)
        bl = _NBUF - 1
        drain_gathers(bl)
        scale(bl)
        fire_out(bl, n0 + bl)
        for b in range(_NBUF):
            wait_out(b)

    return embed


def kernel(x, table):
    lead_shape = x.shape
    n_rows = x.size
    vocab, d = table.shape
    idx = x.reshape(-1, _IDXW).astype(jnp.int32)
    out = _make_embed(n_rows, vocab, d)(idx, table)
    return out.reshape(*lead_shape, d)

# --- scband reference (transcript-rebuilt; emitter-appended) ---
"""Pipeline reference for scband-input-embedding-28784870818277 (READ-ONLY COPY).

The authoritative reference and input builder live on the scoring server;
editing this copy changes nothing except your own understanding.
"""

import jax, jax.numpy as jnp
import numpy as np
import math

VOCAB_SIZE = 1000000
TOKEN_EMBED_DIM = 64

def setup_inputs(seed: int = 0) -> dict:
    key = jax.random.key(seed)
    k1, k2 = jax.random.split(key)
    x = jax.random.randint(k1, (16384, 200), 0, VOCAB_SIZE, dtype=jnp.int64 if jax.config.jax_enable_x64 else jnp.int32)
    # nn.Embedding default init: N(0, 1)
    table = jax.random.normal(k2, (VOCAB_SIZE, TOKEN_EMBED_DIM), dtype=jnp.float32)
    return {"x": x, "table": table}

def reference(x, table):
    # InputEmbedding.forward: embedding(x) * sqrt(token_embed_dim)
    emb = jnp.take(table, x, axis=0)
    return emb * math.sqrt(TOKEN_EMBED_DIM)

if __name__ == "__main__":
    import jax
    _d = setup_inputs()
    print(jax.jit(kernel)(*tuple(_d.values())))

</pallas_src>

<mosaic_0001>
#map = affine_map<(d0, d1) -> (0, 0)>
module attributes {stable_mosaic.version = 14 : i64} {
  func.func @embed(%arg0: i32, %arg1: i32, %arg2: memref<25600x128xi32, #tpu.memory_space<hbm>>, %arg3: memref<1000000x64xf32, #tpu.memory_space<hbm>>, %arg4: memref<3276800x64xf32, #tpu.memory_space<hbm>>, %arg5: memref<2x4x128xi32, #tpu.memory_space<vmem>>, %arg6: memref<1024x64xf32, #tpu.memory_space<vmem>>, %arg7: memref<!tpu.dma_semaphore, #tpu.memory_space<semaphore_mem>>, %arg8: memref<!tpu.dma_semaphore, #tpu.memory_space<semaphore_mem>>, %arg9: memref<!tpu.dma_semaphore, #tpu.memory_space<semaphore_mem>>, %arg10: memref<!tpu.dma_semaphore, #tpu.memory_space<semaphore_mem>>, %arg11: memref<!tpu.dma_semaphore, #tpu.memory_space<semaphore_mem>>, %arg12: memref<!tpu.dma_semaphore, #tpu.memory_space<semaphore_mem>>) attributes {dimension_semantics = [#tpu.dimension_semantics<core_parallel>, #tpu.dimension_semantics<subcore_parallel>], iteration_bounds = array<i64: 2, 16>, scalar_prefetch = 0 : i64, scratch_operands = 8 : i64, tpu.core_type = #tpu.core_type<sc_vector_subcore>, window_params = [{transform_indices = #map}, {transform_indices = #map}, {transform_indices = #map}]} {
    %mul3A = arith.constant 2 : i32
    %mul3A_0 = arith.muli %arg1, %mul3A : i32
    %add3A = arith.addi %mul3A_0, %arg0 : i32
    %mul3A_1 = arith.constant 800 : i32
    %mul3A_2 = arith.muli %add3A, %mul3A_1 : i32
    %mul3A_3 = arith.constant 102400 : i32
    %mul3A_4 = arith.muli %add3A, %mul3A_3 : i32
    %run_scoped3A = arith.constant 0 : i32
    "tpu.region"() ({
      %run_scoped3A_442 = tpu.sem_alloc : memref<!tpu.dma_semaphore, #tpu.memory_space<semaphore_mem>>
      %dma_start3A_443 = arith.constant 0 : i32
      %dma_start3A_444 = arith.constant 0 : i32
      %dma_start3A_445 = tpu.memref_slice %arg5[%run_scoped3A, %dma_start3A_443, %dma_start3A_444] : memref<2x4x128xi32, #tpu.memory_space<vmem>> -> memref<1x4x128xi32, #tpu.memory_space<vmem>>
      %dma_start3A_446 = tpu.memref_squeeze %dma_start3A_445 : memref<1x4x128xi32, #tpu.memory_space<vmem>> -> memref<4x128xi32, #tpu.memory_space<vmem>>
      %dma_start3A_447 = arith.constant 0 : i32
      %dma_start3A_448 = tpu.memref_slice %arg2[%mul3A_2, %dma_start3A_447] : memref<25600x128xi32, #tpu.memory_space<hbm>> -> memref<4x128xi32, #tpu.memory_space<hbm>>
      %dma_start3A_449 = arith.constant 0 : i32
      %dma_start3A_450 = arith.constant 0 : i32
      %dma_start3A_451 = tpu.memref_slice %arg5[%run_scoped3A, %dma_start3A_449, %dma_start3A_450] : memref<2x4x128xi32, #tpu.memory_space<vmem>> -> memref<1x4x128xi32, #tpu.memory_space<vmem>>
      %dma_start3A_452 = tpu.memref_squeeze %dma_start3A_451 : memref<1x4x128xi32, #tpu.memory_space<vmem>> -> memref<4x128xi32, #tpu.memory_space<vmem>>
      %dma_start3A_453 = arith.constant 0 : i32
      %dma_start3A_454 = tpu.memref_slice %arg2[%mul3A_2, %dma_start3A_453] : memref<25600x128xi32, #tpu.memory_space<hbm>> -> memref<4x128xi32, #tpu.memory_space<hbm>>
      tpu.enqueue_dma source(%dma_start3A_454 : memref<4x128xi32, #tpu.memory_space<hbm>>) target(%dma_start3A_452 : memref<4x128xi32, #tpu.memory_space<vmem>>) target_semaphore(%run_scoped3A_442 : memref<!tpu.dma_semaphore, #tpu.memory_space<semaphore_mem>>)
      %dma_wait3A_455 = arith.constant 0 : i32
      %dma_wait3A_456 = arith.constant 0 : i32
      %dma_wait3A_457 = tpu.memref_slice %arg5[%run_scoped3A, %dma_wait3A_455, %dma_wait3A_456] : memref<2x4x128xi32, #tpu.memory_space<vmem>> -> memref<1x4x128xi32, #tpu.memory_space<vmem>>
      %dma_wait3A_458 = tpu.memref_squeeze %dma_wait3A_457 : memref<1x4x128xi32, #tpu.memory_space<vmem>> -> memref<4x128xi32, #tpu.memory_space<vmem>>
      %dma_wait3A_459 = arith.constant 0 : i32
      %dma_wait3A_460 = tpu.memref_slice %arg2[%mul3A_2, %dma_wait3A_459] : memref<25600x128xi32, #tpu.memory_space<hbm>> -> memref<4x128xi32, #tpu.memory_space<hbm>>
      %dma_wait3A_461 = arith.constant 0 : i32
      %dma_wait3A_462 = arith.constant 0 : i32
      %dma_wait3A_463 = tpu.memref_slice %arg5[%run_scoped3A, %dma_wait3A_461, %dma_wait3A_462] : memref<2x4x128xi32, #tpu.memory_space<vmem>> -> memref<1x4x128xi32, #tpu.memory_space<vmem>>
      %dma_wait3A_464 = tpu.memref_squeeze %dma_wait3A_463 : memref<1x4x128xi32, #tpu.memory_space<vmem>> -> memref<4x128xi32, #tpu.memory_space<vmem>>
      %dma_wait3A_465 = arith.constant 0 : i32
      %dma_wait3A_466 = tpu.memref_slice %arg2[%mul3A_2, %dma_wait3A_465] : memref<25600x128xi32, #tpu.memory_space<hbm>> -> memref<4x128xi32, #tpu.memory_space<hbm>>
      tpu.wait_dma2 semaphore(%run_scoped3A_442 : memref<!tpu.dma_semaphore, #tpu.memory_space<semaphore_mem>>) src(%dma_wait3A_466 : memref<4x128xi32, #tpu.memory_space<hbm>>) dst(%dma_wait3A_464 : memref<4x128xi32, #tpu.memory_space<vmem>>)
      tpu.yield
    }) : () -> ()
    %dma_start3A = arith.constant 0 : i32
    %dma_start3A_5 = arith.constant 0 : i32
    %dma_start3A_6 = arith.constant 0 : i32
    %dma_start3A_7 = arith.constant 0 : i32
    %dma_start3A_8 = tpu.memref_slice %arg6[%dma_start3A_6, %dma_start3A_7] : memref<1024x64xf32, #tpu.memory_space<vmem>> -> memref<128x64xf32, #tpu.memory_space<vmem>>
    %dma_start3A_9 = arith.constant 0 : i32
    %dma_start3A_10 = tpu.memref_slice %arg5[%dma_start3A, %dma_start3A_5, %dma_start3A_9] : memref<2x4x128xi32, #tpu.memory_space<vmem>> -> memref<1x1x128xi32, #tpu.memory_space<vmem>>
    %dma_start3A_11 = tpu.memref_squeeze %dma_start3A_10 : memref<1x1x128xi32, #tpu.memory_space<vmem>> -> memref<128xi32, #tpu.memory_space<vmem>>
    %dma_start3A_12 = arith.constant 0 : i32
    %dma_start3A_13 = arith.constant 0 : i32
    %dma_start3A_14 = tpu.memref_slice %arg3[%dma_start3A_12, %dma_start3A_13] : memref<1000000x64xf32, #tpu.memory_space<hbm>> -> memref<1000000x64xf32, #tpu.memory_space<hbm>>
    tpu.enqueue_indirect_dma source(%dma_start3A_14 : memref<1000000x64xf32, #tpu.memory_space<hbm>>) target(%dma_start3A_8 : memref<128x64xf32, #tpu.memory_space<vmem>>) offsets(%dma_start3A_11 : memref<128xi32, #tpu.memory_space<vmem>>) semaphore(%arg7 : memref<!tpu.dma_semaphore, #tpu.memory_space<semaphore_mem>>)
    %dma_start3A_15 = arith.constant 0 : i32
    %dma_start3A_16 = arith.constant 1 : i32
    %dma_start3A_17 = arith.constant 128 : i32
    %dma_start3A_18 = arith.constant 0 : i32
    %dma_start3A_19 = tpu.memref_slice %arg6[%dma_start3A_17, %dma_start3A_18] : memref<1024x64xf32, #tpu.memory_space<vmem>> -> memref<128x64xf32, #tpu.memory_space<vmem>>
    %dma_start3A_20 = arith.constant 0 : i32
    %dma_start3A_21 = tpu.memref_slice %arg5[%dma_start3A_15, %dma_start3A_16, %dma_start3A_20] : memref<2x4x128xi32, #tpu.memory_space<vmem>> -> memref<1x1x128xi32, #tpu.memory_space<vmem>>
    %dma_start3A_22 = tpu.memref_squeeze %dma_start3A_21 : memref<1x1x128xi32, #tpu.memory_space<vmem>> -> memref<128xi32, #tpu.memory_space<vmem>>
    %dma_start3A_23 = arith.constant 0 : i32
    %dma_start3A_24 = arith.constant 0 : i32
    %dma_start3A_25 = tpu.memref_slice %arg3[%dma_start3A_23, %dma_start3A_24] : memref<1000000x64xf32, #tpu.memory_space<hbm>> -> memref<1000000x64xf32, #tpu.memory_space<hbm>>
    tpu.enqueue_indirect_dma source(%dma_start3A_25 : memref<1000000x64xf32, #tpu.memory_space<hbm>>) target(%dma_start3A_19 : memref<128x64xf32, #tpu.memory_space<vmem>>) offsets(%dma_start3A_22 : memref<128xi32, #tpu.memory_space<vmem>>) semaphore(%arg7 : memref<!tpu.dma_semaphore, #tpu.memory_space<semaphore_mem>>)
    %dma_start3A_26 = arith.constant 0 : i32
    %dma_start3A_27 = arith.constant 2 : i32
    %dma_start3A_28 = arith.constant 256 : i32
    %dma_start3A_29 = arith.constant 0 : i32
    %dma_start3A_30 = tpu.memref_slice %arg6[%dma_start3A_28, %dma_start3A_29] : memref<1024x64xf32, #tpu.memory_space<vmem>> -> memref<128x64xf32, #tpu.memory_space<vmem>>
    %dma_start3A_31 = arith.constant 0 : i32
    %dma_start3A_32 = tpu.memref_slice %arg5[%dma_start3A_26, %dma_start3A_27, %dma_start3A_31] : memref<2x4x128xi32, #tpu.memory_space<vmem>> -> memref<1x1x128xi32, #tpu.memory_space<vmem>>
    %dma_start3A_33 = tpu.memref_squeeze %dma_start3A_32 : memref<1x1x128xi32, #tpu.memory_space<vmem>> -> memref<128xi32, #tpu.memory_space<vmem>>
    %dma_start3A_34 = arith.constant 0 : i32
    %dma_start3A_35 = arith.constant 0 : i32
    %dma_start3A_36 = tpu.memref_slice %arg3[%dma_start3A_34, %dma_start3A_35] : memref<1000000x64xf32, #tpu.memory_space<hbm>> -> memref<1000000x64xf32, #tpu.memory_space<hbm>>
    tpu.enqueue_indirect_dma source(%dma_start3A_36 : memref<1000000x64xf32, #tpu.memory_space<hbm>>) target(%dma_start3A_30 : memref<128x64xf32, #tpu.memory_space<vmem>>) offsets(%dma_start3A_33 : memref<128xi32, #tpu.memory_space<vmem>>) semaphore(%arg7 : memref<!tpu.dma_semaphore, #tpu.memory_space<semaphore_mem>>)
    %dma_start3A_37 = arith.constant 0 : i32
    %dma_start3A_38 = arith.constant 3 : i32
    %dma_start3A_39 = arith.constant 384 : i32
    %dma_start3A_40 = arith.constant 0 : i32
    %dma_start3A_41 = tpu.memref_slice %arg6[%dma_start3A_39, %dma_start3A_40] : memref<1024x64xf32, #tpu.memory_space<vmem>> -> memref<128x64xf32, #tpu.memory_space<vmem>>
    %dma_start3A_42 = arith.constant 0 : i32
    %dma_start3A_43 = tpu.memref_slice %arg5[%dma_start3A_37, %dma_start3A_38, %dma_start3A_42] : memref<2x4x128xi32, #tpu.memory_space<vmem>> -> memref<1x1x128xi32, #tpu.memory_space<vmem>>
    %dma_start3A_44 = tpu.memref_squeeze %dma_start3A_43 : memref<1x1x128xi32, #tpu.memory_space<vmem>> -> memref<128xi32, #tpu.memory_space<vmem>>
    %dma_start3A_45 = arith.constant 0 : i32
    %dma_start3A_46 = arith.constant 0 : i32
    %dma_start3A_47 = tpu.memref_slice %arg3[%dma_start3A_45, %dma_start3A_46] : memref<1000000x64xf32, #tpu.memory_space<hbm>> -> memref<1000000x64xf32, #tpu.memory_space<hbm>>
    tpu.enqueue_indirect_dma source(%dma_start3A_47 : memref<1000000x64xf32, #tpu.memory_space<hbm>>) target(%dma_start3A_41 : memref<128x64xf32, #tpu.memory_space<vmem>>) offsets(%dma_start3A_44 : memref<128xi32, #tpu.memory_space<vmem>>) semaphore(%arg7 : memref<!tpu.dma_semaphore, #tpu.memory_space<semaphore_mem>>)
    %add3A_48 = arith.constant 4 : i32
    %add3A_49 = arith.addi %mul3A_2, %add3A_48 : i32
    %dma_start3A_50 = arith.constant 1 : i32
    %dma_start3A_51 = arith.constant 0 : i32
    %dma_start3A_52 = arith.constant 0 : i32
    %dma_start3A_53 = tpu.memref_slice %arg5[%dma_start3A_50, %dma_start3A_51, %dma_start3A_52] : memref<2x4x128xi32, #tpu.memory_space<vmem>> -> memref<1x4x128xi32, #tpu.memory_space<vmem>>
    %dma_start3A_54 = tpu.memref_squeeze %dma_start3A_53 : memref<1x4x128xi32, #tpu.memory_space<vmem>> -> memref<4x128xi32, #tpu.memory_space<vmem>>
    %dma_start3A_55 = arith.constant 0 : i32
    %dma_start3A_56 = tpu.memref_slice %arg2[%add3A_49, %dma_start3A_55] : memref<25600x128xi32, #tpu.memory_space<hbm>> -> memref<4x128xi32, #tpu.memory_space<hbm>>
    %dma_start3A_57 = arith.constant 0 : i32
    %dma_start3A_58 = arith.constant 0 : i32
    %dma_start3A_59 = tpu.memref_slice %arg5[%dma_start3A_50, %dma_start3A_57, %dma_start3A_58] : memref<2x4x128xi32, #tpu.memory_space<vmem>> -> memref<1x4x128xi32, #tpu.memory_space<vmem>>
    %dma_start3A_60 = tpu.memref_squeeze %dma_start3A_59 : memref<1x4x128xi32, #tpu.memory_space<vmem>> -> memref<4x128xi32, #tpu.memory_space<vmem>>
    %dma_start3A_61 = arith.constant 0 : i32
    %dma_start3A_62 = tpu.memref_slice %arg2[%add3A_49, %dma_start3A_61] : memref<25600x128xi32, #tpu.memory_space<hbm>> -> memref<4x128xi32, #tpu.memory_space<hbm>>
    tpu.enqueue_dma source(%dma_start3A_62 : memref<4x128xi32, #tpu.memory_space<hbm>>) target(%dma_start3A_60 : memref<4x128xi32, #tpu.memory_space<vmem>>) target_semaphore(%arg12 : memref<!tpu.dma_semaphore, #tpu.memory_space<semaphore_mem>>)
    %dma_wait3A = arith.constant 0 : i32
    %dma_wait3A_63 = arith.constant 0 : i32
    %dma_wait3A_64 = tpu.memref_slice %arg6[%dma_wait3A, %dma_wait3A_63] : memref<1024x64xf32, #tpu.memory_space<vmem>> -> memref<512x64xf32, #tpu.memory_space<vmem>>
    %dma_wait3A_65 = arith.constant 0 : i32
    %dma_wait3A_66 = arith.constant 0 : i32
    %dma_wait3A_67 = tpu.memref_slice %arg3[%dma_wait3A_65, %dma_wait3A_66] : memref<1000000x64xf32, #tpu.memory_space<hbm>> -> memref<512x64xf32, #tpu.memory_space<hbm>>
    %dma_wait3A_68 = arith.constant 0 : i32
    %dma_wait3A_69 = arith.constant 0 : i32
    %dma_wait3A_70 = tpu.memref_slice %arg6[%dma_wait3A_68, %dma_wait3A_69] : memref<1024x64xf32, #tpu.memory_space<vmem>> -> memref<512x64xf32, #tpu.memory_space<vmem>>
    %dma_wait3A_71 = arith.constant 0 : i32
    %dma_wait3A_72 = arith.constant 0 : i32
    %dma_wait3A_73 = tpu.memref_slice %arg3[%dma_wait3A_71, %dma_wait3A_72] : memref<1000000x64xf32, #tpu.memory_space<hbm>> -> memref<512x64xf32, #tpu.memory_space<hbm>>
    tpu.wait_dma2 semaphore(%arg7 : memref<!tpu.dma_semaphore, #tpu.memory_space<semaphore_mem>>) src(%dma_wait3A_73 : memref<512x64xf32, #tpu.memory_space<hbm>>) dst(%dma_wait3A_70 : memref<512x64xf32, #tpu.memory_space<vmem>>)
    %add3A_74 = arith.constant 8 : i32
    %add3A_75 = arith.addi %mul3A_2, %add3A_74 : i32
    %dma_start3A_76 = arith.constant 0 : i32
    %dma_start3A_77 = arith.constant 0 : i32
    %dma_start3A_78 = arith.constant 0 : i32
    %dma_start3A_79 = tpu.memref_slice %arg5[%dma_start3A_76, %dma_start3A_77, %dma_start3A_78] : memref<2x4x128xi32, #tpu.memory_space<vmem>> -> memref<1x4x128xi32, #tpu.memory_space<vmem>>
    %dma_start3A_80 = tpu.memref_squeeze %dma_start3A_79 : memref<1x4x128xi32, #tpu.memory_space<vmem>> -> memref<4x128xi32, #tpu.memory_space<vmem>>
    %dma_start3A_81 = arith.constant 0 : i32
    %dma_start3A_82 = tpu.memref_slice %arg2[%add3A_75, %dma_start3A_81] : memref<25600x128xi32, #tpu.memory_space<hbm>> -> memref<4x128xi32, #tpu.memory_space<hbm>>
    %dma_start3A_83 = arith.constant 0 : i32
    %dma_start3A_84 = arith.constant 0 : i32
    %dma_start3A_85 = tpu.memref_slice %arg5[%dma_start3A_76, %dma_start3A_83, %dma_start3A_84] : memref<2x4x128xi32, #tpu.memory_space<vmem>> -> memref<1x4x128xi32, #tpu.memory_space<vmem>>
    %dma_start3A_86 = tpu.memref_squeeze %dma_start3A_85 : memref<1x4x128xi32, #tpu.memory_space<vmem>> -> memref<4x128xi32, #tpu.memory_space<vmem>>
    %dma_start3A_87 = arith.constant 0 : i32
    %dma_start3A_88 = tpu.memref_slice %arg2[%add3A_75, %dma_start3A_87] : memref<25600x128xi32, #tpu.memory_space<hbm>> -> memref<4x128xi32, #tpu.memory_space<hbm>>
    tpu.enqueue_dma source(%dma_start3A_88 : memref<4x128xi32, #tpu.memory_space<hbm>>) target(%dma_start3A_86 : memref<4x128xi32, #tpu.memory_space<vmem>>) target_semaphore(%arg11 : memref<!tpu.dma_semaphore, #tpu.memory_space<semaphore_mem>>)
    %scan3A = arith.constant 0 : i32
    %scan3A_89 = arith.constant 0 : i32
    %scan3A_90 = arith.constant 128 : i32
    %scan3A_91 = arith.addi %scan3A_89, %scan3A_90 : i32
    %scan3A_92 = arith.constant 1 : i32
    scf.for %scan3A_442 = %scan3A_89 to %scan3A_91 step %scan3A_92  : i32 {
      %mul3A_443 = arith.constant 4 : i32
      %mul3A_444 = arith.muli %scan3A_442, %mul3A_443 : i32
      %add3A_445 = arith.constant 0 : i32
      %add3A_446 = arith.addi %add3A_445, %mul3A_444 : i32
      %add3A_447 = arith.constant 0 : i32
      %add3A_448 = arith.addi %add3A_446, %add3A_447 : i32
      %get3A = arith.index_cast %add3A_448 : i32 to index
      %get3A_449 = arith.constant 0 : index
      %get3A_450 = tpu.vector_load %arg6[%get3A, %get3A_449] {strides = array<i32>} : memref<1024x64xf32, #tpu.memory_space<vmem>>, vector<1x16xf32>,
      %get3A_451 = vector.shape_cast %get3A_450 : vector<1x16xf32> to vector<16xf32>
      %mul3A_452 = arith.constant 8.000000e+00 : f32
      %mul3A_453 = vector.broadcast %mul3A_452 : f32 to vector<16xf32>
      %mul3A_454 = arith.mulf %get3A_451, %mul3A_453 : vector<16xf32>
      %swap3A = arith.index_cast %add3A_448 : i32 to index
      %swap3A_455 = arith.constant 0 : index
      %swap3A_456 = tpu.vector_load %arg6[%swap3A, %swap3A_455] {strides = array<i32>} : memref<1024x64xf32, #tpu.memory_space<vmem>>, vector<1x16xf32>,
      %swap3A_457 = vector.shape_cast %swap3A_456 : vector<1x16xf32> to vector<16xf32>
      %swap3A_458 = vector.shape_cast %mul3A_454 : vector<16xf32> to vector<1x16xf32>
      tpu.vector_store %arg6[%swap3A, %swap3A_455], %swap3A_458 {strides = array<i32>} : memref<1024x64xf32, #tpu.memory_space<vmem>>, vector<1x16xf32>,
      %get3A_459 = arith.index_cast %add3A_448 : i32 to index
      %get3A_460 = arith.constant 16 : index
      %get3A_461 = tpu.vector_load %arg6[%get3A_459, %get3A_460] {strides = array<i32>} : memref<1024x64xf32, #tpu.memory_space<vmem>>, vector<1x16xf32>,
      %get3A_462 = vector.shape_cast %get3A_461 : vector<1x16xf32> to vector<16xf32>
      %mul3A_463 = arith.constant 8.000000e+00 : f32
      %mul3A_464 = vector.broadcast %mul3A_463 : f32 to vector<16xf32>
      %mul3A_465 = arith.mulf %get3A_462, %mul3A_464 : vector<16xf32>
      %swap3A_466 = arith.index_cast %add3A_448 : i32 to index
      %swap3A_467 = arith.constant 16 : index
      %swap3A_468 = tpu.vector_load %arg6[%swap3A_466, %swap3A_467] {strides = array<i32>} : memref<1024x64xf32, #tpu.memory_space<vmem>>, vector<1x16xf32>,
      %swap3A_469 = vector.shape_cast %swap3A_468 : vector<1x16xf32> to vector<16xf32>
      %swap3A_470 = vector.shape_cast %mul3A_465 : vector<16xf32> to vector<1x16xf32>
      tpu.vector_store %arg6[%swap3A_466, %swap3A_467], %swap3A_470 {strides = array<i32>} : memref<1024x64xf32, #tpu.memory_space<vmem>>, vector<1x16xf32>,
      %get3A_471 = arith.index_cast %add3A_448 : i32 to index
      %get3A_472 = arith.constant 32 : index
      %get3A_473 = tpu.vector_load %arg6[%get3A_471, %get3A_472] {strides = array<i32>} : memref<1024x64xf32, #tpu.memory_space<vmem>>, vector<1x16xf32>,
      %get3A_474 = vector.shape_cast %get3A_473 : vector<1x16xf32> to vector<16xf32>
      %mul3A_475 = arith.constant 8.000000e+00 : f32
      %mul3A_476 = vector.broadcast %mul3A_475 : f32 to vector<16xf32>
      %mul3A_477 = arith.mulf %get3A_474, %mul3A_476 : vector<16xf32>
      %swap3A_478 = arith.index_cast %add3A_448 : i32 to index
      %swap3A_479 = arith.constant 32 : index
      %swap3A_480 = tpu.vector_load %arg6[%swap3A_478, %swap3A_479] {strides = array<i32>} : memref<1024x64xf32, #tpu.memory_space<vmem>>, vector<1x16xf32>,
      %swap3A_481 = vector.shape_cast %swap3A_480 : vector<1x16xf32> to vector<16xf32>
      %swap3A_482 = vector.shape_cast %mul3A_477 : vector<16xf32> to vector<1x16xf32>
      tpu.vector_store %arg6[%swap3A_478, %swap3A_479], %swap3A_482 {strides = array<i32>} : memref<1024x64xf32, #tpu.memory_space<vmem>>, vector<1x16xf32>,
      %get3A_483 = arith.index_cast %add3A_448 : i32 to index
      %get3A_484 = arith.constant 48 : index
      %get3A_485 = tpu.vector_load %arg6[%get3A_483, %get3A_484] {strides = array<i32>} : memref<1024x64xf32, #tpu.memory_space<vmem>>, vector<1x16xf32>,
      %get3A_486 = vector.shape_cast %get3A_485 : vector<1x16xf32> to vector<16xf32>
      %mul3A_487 = arith.constant 8.000000e+00 : f32
      %mul3A_488 = vector.broadcast %mul3A_487 : f32 to vector<16xf32>
      %mul3A_489 = arith.mulf %get3A_486, %mul3A_488 : vector<16xf32>
      %swap3A_490 = arith.index_cast %add3A_448 : i32 to index
      %swap3A_491 = arith.constant 48 : index
      %swap3A_492 = tpu.vector_load %arg6[%swap3A_490, %swap3A_491] {strides = array<i32>} : memref<1024x64xf32, #tpu.memory_space<vmem>>, vector<1x16xf32>,
      %swap3A_493 = vector.shape_cast %swap3A_492 : vector<1x16xf32> to vector<16xf32>
      %swap3A_494 = vector.shape_cast %mul3A_489 : vector<16xf32> to vector<1x16xf32>
      tpu.vector_store %arg6[%swap3A_490, %swap3A_491], %swap3A_494 {strides = array<i32>} : memref<1024x64xf32, #tpu.memory_space<vmem>>, vector<1x16xf32>,
      %mul3A_495 = arith.constant 4 : i32
      %mul3A_496 = arith.muli %scan3A_442, %mul3A_495 : i32
      %add3A_497 = arith.constant 0 : i32
      %add3A_498 = arith.addi %add3A_497, %mul3A_496 : i32
      %add3A_499 = arith.constant 1 : i32
      %add3A_500 = arith.addi %add3A_498, %add3A_499 : i32
      %get3A_501 = arith.index_cast %add3A_500 : i32 to index
      %get3A_502 = arith.constant 0 : index
      %get3A_503 = tpu.vector_load %arg6[%get3A_501, %get3A_502] {strides = array<i32>} : memref<1024x64xf32, #tpu.memory_space<vmem>>, vector<1x16xf32>,
      %get3A_504 = vector.shape_cast %get3A_503 : vector<1x16xf32> to vector<16xf32>
      %mul3A_505 = arith.constant 8.000000e+00 : f32
      %mul3A_506 = vector.broadcast %mul3A_505 : f32 to vector<16xf32>
      %mul3A_507 = arith.mulf %get3A_504, %mul3A_506 : vector<16xf32>
      %swap3A_508 = arith.index_cast %add3A_500 : i32 to index
      %swap3A_509 = arith.constant 0 : index
      %swap3A_510 = tpu.vector_load %arg6[%swap3A_508, %swap3A_509] {strides = array<i32>} : memref<1024x64xf32, #tpu.memory_space<vmem>>, vector<1x16xf32>,
      %swap3A_511 = vector.shape_cast %swap3A_510 : vector<1x16xf32> to vector<16xf32>
      %swap3A_512 = vector.shape_cast %mul3A_507 : vector<16xf32> to vector<1x16xf32>
      tpu.vector_store %arg6[%swap3A_508, %swap3A_509], %swap3A_512 {strides = array<i32>} : memref<1024x64xf32, #tpu.memory_space<vmem>>, vector<1x16xf32>,
      %get3A_513 = arith.index_cast %add3A_500 : i32 to index
      %get3A_514 = arith.constant 16 : index
      %get3A_515 = tpu.vector_load %arg6[%get3A_513, %get3A_514] {strides = array<i32>} : memref<1024x64xf32, #tpu.memory_space<vmem>>, vector<1x16xf32>,
      %get3A_516 = vector.shape_cast %get3A_515 : vector<1x16xf32> to vector<16xf32>
      %mul3A_517 = arith.constant 8.000000e+00 : f32
      %mul3A_518 = vector.broadcast %mul3A_517 : f32 to vector<16xf32>
      %mul3A_519 = arith.mulf %get3A_516, %mul3A_518 : vector<16xf32>
      %swap3A_520 = arith.index_cast %add3A_500 : i32 to index
      %swap3A_521 = arith.constant 16 : index
      %swap3A_522 = tpu.vector_load %arg6[%swap3A_520, %swap3A_521] {strides = array<i32>} : memref<1024x64xf32, #tpu.memory_space<vmem>>, vector<1x16xf32>,
      %swap3A_523 = vector.shape_cast %swap3A_522 : vector<1x16xf32> to vector<16xf32>
      %swap3A_524 = vector.shape_cast %mul3A_519 : vector<16xf32> to vector<1x16xf32>
      tpu.vector_store %arg6[%swap3A_520, %swap3A_521], %swap3A_524 {strides = array<i32>} : memref<1024x64xf32, #tpu.memory_space<vmem>>, vector<1x16xf32>,
      %get3A_525 = arith.index_cast %add3A_500 : i32 to index
      %get3A_526 = arith.constant 32 : index
      %get3A_527 = tpu.vector_load %arg6[%get3A_525, %get3A_526] {strides = array<i32>} : memref<1024x64xf32, #tpu.memory_space<vmem>>, vector<1x16xf32>,
      %get3A_528 = vector.shape_cast %get3A_527 : vector<1x16xf32> to vector<16xf32>
      %mul3A_529 = arith.constant 8.000000e+00 : f32
      %mul3A_530 = vector.broadcast %mul3A_529 : f32 to vector<16xf32>
      %mul3A_531 = arith.mulf %get3A_528, %mul3A_530 : vector<16xf32>
      %swap3A_532 = arith.index_cast %add3A_500 : i32 to index
      %swap3A_533 = arith.constant 32 : index
      %swap3A_534 = tpu.vector_load %arg6[%swap3A_532, %swap3A_533] {strides = array<i32>} : memref<1024x64xf32, #tpu.memory_space<vmem>>, vector<1x16xf32>,
      %swap3A_535 = vector.shape_cast %swap3A_534 : vector<1x16xf32> to vector<16xf32>
      %swap3A_536 = vector.shape_cast %mul3A_531 : vector<16xf32> to vector<1x16xf32>
      tpu.vector_store %arg6[%swap3A_532, %swap3A_533], %swap3A_536 {strides = array<i32>} : memref<1024x64xf32, #tpu.memory_space<vmem>>, vector<1x16xf32>,
      %get3A_537 = arith.index_cast %add3A_500 : i32 to index
      %get3A_538 = arith.constant 48 : index
      %get3A_539 = tpu.vector_load %arg6[%get3A_537, %get3A_538] {strides = array<i32>} : memref<1024x64xf32, #tpu.memory_space<vmem>>, vector<1x16xf32>,
      %get3A_540 = vector.shape_cast %get3A_539 : vector<1x16xf32> to vector<16xf32>
      %mul3A_541 = arith.constant 8.000000e+00 : f32
      %mul3A_542 = vector.broadcast %mul3A_541 : f32 to vector<16xf32>
      %mul3A_543 = arith.mulf %get3A_540, %mul3A_542 : vector<16xf32>
      %swap3A_544 = arith.index_cast %add3A_500 : i32 to index
      %swap3A_545 = arith.constant 48 : index
      %swap3A_546 = tpu.vector_load %arg6[%swap3A_544, %swap3A_545] {strides = array<i32>} : memref<1024x64xf32, #tpu.memory_space<vmem>>, vector<1x16xf32>,
      %swap3A_547 = vector.shape_cast %swap3A_546 : vector<1x16xf32> to vector<16xf32>
      %swap3A_548 = vector.shape_cast %mul3A_543 : vector<16xf32> to vector<1x16xf32>
      tpu.vector_store %arg6[%swap3A_544, %swap3A_545], %swap3A_548 {strides = array<i32>} : memref<1024x64xf32, #tpu.memory_space<vmem>>, vector<1x16xf32>,
      %mul3A_549 = arith.constant 4 : i32
      %mul3A_550 = arith.muli %scan3A_442, %mul3A_549 : i32
      %add3A_551 = arith.constant 0 : i32
      %add3A_552 = arith.addi %add3A_551, %mul3A_550 : i32
      %add3A_553 = arith.constant 2 : i32
      %add3A_554 = arith.addi %add3A_552, %add3A_553 : i32
      %get3A_555 = arith.index_cast %add3A_554 : i32 to index
      %get3A_556 = arith.constant 0 : index
      %get3A_557 = tpu.vector_load %arg6[%get3A_555, %get3A_556] {strides = array<i32>} : memref<1024x64xf32, #tpu.memory_space<vmem>>, vector<1x16xf32>,
      %get3A_558 = vector.shape_cast %get3A_557 : vector<1x16xf32> to vector<16xf32>
      %mul3A_559 = arith.constant 8.000000e+00 : f32
      %mul3A_560 = vector.broadcast %mul3A_559 : f32 to vector<16xf32>
      %mul3A_561 = arith.mulf %get3A_558, %mul3A_560 : vector<16xf32>
      %swap3A_562 = arith.index_cast %add3A_554 : i32 to index
      %swap3A_563 = arith.constant 0 : index
      %swap3A_564 = tpu.vector_load %arg6[%swap3A_562, %swap3A_563] {strides = array<i32>} : memref<1024x64xf32, #tpu.memory_space<vmem>>, vector<1x16xf32>,
      %swap3A_565 = vector.shape_cast %swap3A_564 : vector<1x16xf32> to vector<16xf32>
      %swap3A_566 = vector.shape_cast %mul3A_561 : vector<16xf32> to vector<1x16xf32>
      tpu.vector_store %arg6[%swap3A_562, %swap3A_563], %swap3A_566 {strides = array<i32>} : memref<1024x64xf32, #tpu.memory_space<vmem>>, vector<1x16xf32>,
      %get3A_567 = arith.index_cast %add3A_554 : i32 to index
      %get3A_568 = arith.constant 16 : index
      %get3A_569 = tpu.vector_load %arg6[%get3A_567, %get3A_568] {strides = array<i32>} : memref<1024x64xf32, #tpu.memory_space<vmem>>, vector<1x16xf32>,
      %get3A_570 = vector.shape_cast %get3A_569 : vector<1x16xf32> to vector<16xf32>
      %mul3A_571 = arith.constant 8.000000e+00 : f32
      %mul3A_572 = vector.broadcast %mul3A_571 : f32 to vector<16xf32>
      %mul3A_573 = arith.mulf %get3A_570, %mul3A_572 : vector<16xf32>
      %swap3A_574 = arith.index_cast %add3A_554 : i32 to index
      %swap3A_575 = arith.constant 16 : index
      %swap3A_576 = tpu.vector_load %arg6[%swap3A_574, %swap3A_575] {strides = array<i32>} : memref<1024x64xf32, #tpu.memory_space<vmem>>, vector<1x16xf32>,
      %swap3A_577 = vector.shape_cast %swap3A_576 : vector<1x16xf32> to vector<16xf32>
      %swap3A_578 = vector.shape_cast %mul3A_573 : vector<16xf32> to vector<1x16xf32>
      tpu.vector_store %arg6[%swap3A_574, %swap3A_575], %swap3A_578 {strides = array<i32>} : memref<1024x64xf32, #tpu.memory_space<vmem>>, vector<1x16xf32>,
      %get3A_579 = arith.index_cast %add3A_554 : i32 to index
      %get3A_580 = arith.constant 32 : index
      %get3A_581 = tpu.vector_load %arg6[%get3A_579, %get3A_580] {strides = array<i32>} : memref<1024x64xf32, #tpu.memory_space<vmem>>, vector<1x16xf32>,
      %get3A_582 = vector.shape_cast %get3A_581 : vector<1x16xf32> to vector<16xf32>
      %mul3A_583 = arith.constant 8.000000e+00 : f32
      %mul3A_584 = vector.broadcast %mul3A_583 : f32 to vector<16xf32>
      %mul3A_585 = arith.mulf %get3A_582, %mul3A_584 : vector<16xf32>
      %swap3A_586 = arith.index_cast %add3A_554 : i32 to index
      %swap3A_587 = arith.constant 32 : index
      %swap3A_588 = tpu.vector_load %arg6[%swap3A_586, %swap3A_587] {strides = array<i32>} : memref<1024x64xf32, #tpu.memory_space<vmem>>, vector<1x16xf32>,
      %swap3A_589 = vector.shape_cast %swap3A_588 : vector<1x16xf32> to vector<16xf32>
      %swap3A_590 = vector.shape_cast %mul3A_585 : vector<16xf32> to vector<1x16xf32>
      tpu.vector_store %arg6[%swap3A_586, %swap3A_587], %swap3A_590 {strides = array<i32>} : memref<1024x64xf32, #tpu.memory_space<vmem>>, vector<1x16xf32>,
      %get3A_591 = arith.index_cast %add3A_554 : i32 to index
      %get3A_592 = arith.constant 48 : index
      %get3A_593 = tpu.vector_load %arg6[%get3A_591, %get3A_592] {strides = array<i32>} : memref<1024x64xf32, #tpu.memory_space<vmem>>, vector<1x16xf32>,
      %get3A_594 = vector.shape_cast %get3A_593 : vector<1x16xf32> to vector<16xf32>
      %mul3A_595 = arith.constant 8.000000e+00 : f32
      %mul3A_596 = vector.broadcast %mul3A_595 : f32 to vector<16xf32>
      %mul3A_597 = arith.mulf %get3A_594, %mul3A_596 : vector<16xf32>
      %swap3A_598 = arith.index_cast %add3A_554 : i32 to index
      %swap3A_599 = arith.constant 48 : index
      %swap3A_600 = tpu.vector_load %arg6[%swap3A_598, %swap3A_599] {strides = array<i32>} : memref<1024x64xf32, #tpu.memory_space<vmem>>, vector<1x16xf32>,
      %swap3A_601 = vector.shape_cast %swap3A_600 : vector<1x16xf32> to vector<16xf32>
      %swap3A_602 = vector.shape_cast %mul3A_597 : vector<16xf32> to vector<1x16xf32>
      tpu.vector_store %arg6[%swap3A_598, %swap3A_599], %swap3A_602 {strides = array<i32>} : memref<1024x64xf32, #tpu.memory_space<vmem>>, vector<1x16xf32>,
      %mul3A_603 = arith.constant 4 : i32
      %mul3A_604 = arith.muli %scan3A_442, %mul3A_603 : i32
      %add3A_605 = arith.constant 0 : i32
      %add3A_606 = arith.addi %add3A_605, %mul3A_604 : i32
      %add3A_607 = arith.constant 3 : i32
      %add3A_608 = arith.addi %add3A_606, %add3A_607 : i32
      %get3A_609 = arith.index_cast %add3A_608 : i32 to index
      %get3A_610 = arith.constant 0 : index
      %get3A_611 = tpu.vector_load %arg6[%get3A_609, %get3A_610] {strides = array<i32>} : memref<1024x64xf32, #tpu.memory_space<vmem>>, vector<1x16xf32>,
      %get3A_612 = vector.shape_cast %get3A_611 : vector<1x16xf32> to vector<16xf32>
      %mul3A_613 = arith.constant 8.000000e+00 : f32
      %mul3A_614 = vector.broadcast %mul3A_613 : f32 to vector<16xf32>
      %mul3A_615 = arith.mulf %get3A_612, %mul3A_614 : vector<16xf32>
      %swap3A_616 = arith.index_cast %add3A_608 : i32 to index
      %swap3A_617 = arith.constant 0 : index
      %swap3A_618 = tpu.vector_load %arg6[%swap3A_616, %swap3A_617] {strides = array<i32>} : memref<1024x64xf32, #tpu.memory_space<vmem>>, vector<1x16xf32>,
      %swap3A_619 = vector.shape_cast %swap3A_618 : vector<1x16xf32> to vector<16xf32>
      %swap3A_620 = vector.shape_cast %mul3A_615 : vector<16xf32> to vector<1x16xf32>
      tpu.vector_store %arg6[%swap3A_616, %swap3A_617], %swap3A_620 {strides = array<i32>} : memref<1024x64xf32, #tpu.memory_space<vmem>>, vector<1x16xf32>,
      %get3A_621 = arith.index_cast %add3A_608 : i32 to index
      %get3A_622 = arith.constant 16 : index
      %get3A_623 = tpu.vector_load %arg6[%get3A_621, %get3A_622] {strides = array<i32>} : memref<1024x64xf32, #tpu.memory_space<vmem>>, vector<1x16xf32>,
      %get3A_624 = vector.shape_cast %get3A_623 : vector<1x16xf32> to vector<16xf32>
      %mul3A_625 = arith.constant 8.000000e+00 : f32
      %mul3A_626 = vector.broadcast %mul3A_625 : f32 to vector<16xf32>
      %mul3A_627 = arith.mulf %get3A_624, %mul3A_626 : vector<16xf32>
      %swap3A_628 = arith.index_cast %add3A_608 : i32 to index
      %swap3A_629 = arith.constant 16 : index
      %swap3A_630 = tpu.vector_load %arg6[%swap3A_628, %swap3A_629] {strides = array<i32>} : memref<1024x64xf32, #tpu.memory_space<vmem>>, vector<1x16xf32>,
      %swap3A_631 = vector.shape_cast %swap3A_630 : vector<1x16xf32> to vector<16xf32>
      %swap3A_632 = vector.shape_cast %mul3A_627 : vector<16xf32> to vector<1x16xf32>
      tpu.vector_store %arg6[%swap3A_628, %swap3A_629], %swap3A_632 {strides = array<i32>} : memref<1024x64xf32, #tpu.memory_space<vmem>>, vector<1x16xf32>,
      %get3A_633 = arith.index_cast %add3A_608 : i32 to index
      %get3A_634 = arith.constant 32 : index
      %get3A_635 = tpu.vector_load %arg6[%get3A_633, %get3A_634] {strides = array<i32>} : memref<1024x64xf32, #tpu.memory_space<vmem>>, vector<1x16xf32>,
      %get3A_636 = vector.shape_cast %get3A_635 : vector<1x16xf32> to vector<16xf32>
      %mul3A_637 = arith.constant 8.000000e+00 : f32
      %mul3A_638 = vector.broadcast %mul3A_637 : f32 to vector<16xf32>
      %mul3A_639 = arith.mulf %get3A_636, %mul3A_638 : vector<16xf32>
      %swap3A_640 = arith.index_cast %add3A_608 : i32 to index
      %swap3A_641 = arith.constant 32 : index
      %swap3A_642 = tpu.vector_load %arg6[%swap3A_640, %swap3A_641] {strides = array<i32>} : memref<1024x64xf32, #tpu.memory_space<vmem>>, vector<1x16xf32>,
      %swap3A_643 = vector.shape_cast %swap3A_642 : vector<1x16xf32> to vector<16xf32>
      %swap3A_644 = vector.shape_cast %mul3A_639 : vector<16xf32> to vector<1x16xf32>
      tpu.vector_store %arg6[%swap3A_640, %swap3A_641], %swap3A_644 {strides = array<i32>} : memref<1024x64xf32, #tpu.memory_space<vmem>>, vector<1x16xf32>,
      %get3A_645 = arith.index_cast %add3A_608 : i32 to index
      %get3A_646 = arith.constant 48 : index
      %get3A_647 = tpu.vector_load %arg6[%get3A_645, %get3A_646] {strides = array<i32>} : memref<1024x64xf32, #tpu.memory_space<vmem>>, vector<1x16xf32>,
      %get3A_648 = vector.shape_cast %get3A_647 : vector<1x16xf32> to vector<16xf32>
      %mul3A_649 = arith.constant 8.000000e+00 : f32
      %mul3A_650 = vector.broadcast %mul3A_649 : f32 to vector<16xf32>
      %mul3A_651 = arith.mulf %get3A_648, %mul3A_650 : vector<16xf32>
      %swap3A_652 = arith.index_cast %add3A_608 : i32 to index
      %swap3A_653 = arith.constant 48 : index
      %swap3A_654 = tpu.vector_load %arg6[%swap3A_652, %swap3A_653] {strides = array<i32>} : memref<1024x64xf32, #tpu.memory_space<vmem>>, vector<1x16xf32>,
      %swap3A_655 = vector.shape_cast %swap3A_654 : vector<1x16xf32> to vector<16xf32>
      %swap3A_656 = vector.shape_cast %mul3A_651 : vector<16xf32> to vector<1x16xf32>
      tpu.vector_store %arg6[%swap3A_652, %swap3A_653], %swap3A_656 {strides = array<i32>} : memref<1024x64xf32, #tpu.memory_space<vmem>>, vector<1x16xf32>,
    }
    %scan3A_93 = arith.constant 128 : i32
    %add3A_94 = arith.constant 0 : i32
    %add3A_95 = arith.addi %mul3A_4, %add3A_94 : i32
    %dma_start3A_96 = arith.constant 0 : i32
    %dma_start3A_97 = arith.constant 0 : i32
    %dma_start3A_98 = tpu.memref_slice %arg6[%dma_start3A_96, %dma_start3A_97] : memref<1024x64xf32, #tpu.memory_space<vmem>> -> memref<512x64xf32, #tpu.memory_space<vmem>>
    %dma_start3A_99 = arith.constant 0 : i32
    %dma_start3A_100 = tpu.memref_slice %arg4[%add3A_95, %dma_start3A_99] : memref<3276800x64xf32, #tpu.memory_space<hbm>> -> memref<512x64xf32, #tpu.memory_space<hbm>>
    %dma_start3A_101 = arith.constant 0 : i32
    %dma_start3A_102 = tpu.memref_slice %arg4[%add3A_95, %dma_start3A_101] : memref<3276800x64xf32, #tpu.memory_space<hbm>> -> memref<512x64xf32, #tpu.memory_space<hbm>>
    %dma_start3A_103 = arith.constant 0 : i32
    %dma_start3A_104 = arith.constant 0 : i32
    %dma_start3A_105 = tpu.memref_slice %arg6[%dma_start3A_103, %dma_start3A_104] : memref<1024x64xf32, #tpu.memory_space<vmem>> -> memref<512x64xf32, #tpu.memory_space<vmem>>
    tpu.enqueue_dma source(%dma_start3A_105 : memref<512x64xf32, #tpu.memory_space<vmem>>) target(%dma_start3A_102 : memref<512x64xf32, #tpu.memory_space<hbm>>) target_semaphore(%arg9 : memref<!tpu.dma_semaphore, #tpu.memory_space<semaphore_mem>>)
    %dma_wait3A_106 = arith.constant 1 : i32
    %dma_wait3A_107 = arith.constant 0 : i32
    %dma_wait3A_108 = arith.constant 0 : i32
    %dma_wait3A_109 = tpu.memref_slice %arg5[%dma_wait3A_106, %dma_wait3A_107, %dma_wait3A_108] : memref<2x4x128xi32, #tpu.memory_space<vmem>> -> memref<1x4x128xi32, #tpu.memory_space<vmem>>
    %dma_wait3A_110 = tpu.memref_squeeze %dma_wait3A_109 : memref<1x4x128xi32, #tpu.memory_space<vmem>> -> memref<4x128xi32, #tpu.memory_space<vmem>>
    %dma_wait3A_111 = arith.constant 0 : i32
    %dma_wait3A_112 = arith.constant 0 : i32
    %dma_wait3A_113 = tpu.memref_slice %arg2[%dma_wait3A_111, %dma_wait3A_112] : memref<25600x128xi32, #tpu.memory_space<hbm>> -> memref<4x128xi32, #tpu.memory_space<hbm>>
    %dma_wait3A_114 = arith.constant 0 : i32
    %dma_wait3A_115 = arith.constant 0 : i32
    %dma_wait3A_116 = tpu.memref_slice %arg5[%dma_wait3A_106, %dma_wait3A_114, %dma_wait3A_115] : memref<2x4x128xi32, #tpu.memory_space<vmem>> -> memref<1x4x128xi32, #tpu.memory_space<vmem>>
    %dma_wait3A_117 = tpu.memref_squeeze %dma_wait3A_116 : memref<1x4x128xi32, #tpu.memory_space<vmem>> -> memref<4x128xi32, #tpu.memory_space<vmem>>
    %dma_wait3A_118 = arith.constant 0 : i32
    %dma_wait3A_119 = arith.constant 0 : i32
    %dma_wait3A_120 = tpu.memref_slice %arg2[%dma_wait3A_118, %dma_wait3A_119] : memref<25600x128xi32, #tpu.memory_space<hbm>> -> memref<4x128xi32, #tpu.memory_space<hbm>>
    tpu.wait_dma2 semaphore(%arg12 : memref<!tpu.dma_semaphore, #tpu.memory_space<semaphore_mem>>) src(%dma_wait3A_120 : memref<4x128xi32, #tpu.memory_space<hbm>>) dst(%dma_wait3A_117 : memref<4x128xi32, #tpu.memory_space<vmem>>)
    %dma_start3A_121 = arith.constant 1 : i32
    %dma_start3A_122 = arith.constant 0 : i32
    %dma_start3A_123 = arith.constant 512 : i32
    %dma_start3A_124 = arith.constant 0 : i32
    %dma_start3A_125 = tpu.memref_slice %arg6[%dma_start3A_123, %dma_start3A_124] : memref<1024x64xf32, #tpu.memory_space<vmem>> -> memref<128x64xf32, #tpu.memory_space<vmem>>
    %dma_start3A_126 = arith.constant 0 : i32
    %dma_start3A_127 = tpu.memref_slice %arg5[%dma_start3A_121, %dma_start3A_122, %dma_start3A_126] : memref<2x4x128xi32, #tpu.memory_space<vmem>> -> memref<1x1x128xi32, #tpu.memory_space<vmem>>
    %dma_start3A_128 = tpu.memref_squeeze %dma_start3A_127 : memref<1x1x128xi32, #tpu.memory_space<vmem>> -> memref<128xi32, #tpu.memory_space<vmem>>
    %dma_start3A_129 = arith.constant 0 : i32
    %dma_start3A_130 = arith.constant 0 : i32
    %dma_start3A_131 = tpu.memref_slice %arg3[%dma_start3A_129, %dma_start3A_130] : memref<1000000x64xf32, #tpu.memory_space<hbm>> -> memref<1000000x64xf32, #tpu.memory_space<hbm>>
    tpu.enqueue_indirect_dma source(%dma_start3A_131 : memref<1000000x64xf32, #tpu.memory_space<hbm>>) target(%dma_start3A_125 : memref<128x64xf32, #tpu.memory_space<vmem>>) offsets(%dma_start3A_128 : memref<128xi32, #tpu.memory_space<vmem>>) semaphore(%arg8 : memref<!tpu.dma_semaphore, #tpu.memory_space<semaphore_mem>>)
    %dma_start3A_132 = arith.constant 1 : i32
    %dma_start3A_133 = arith.constant 1 : i32
    %dma_start3A_134 = arith.constant 640 : i32
    %dma_start3A_135 = arith.constant 0 : i32
    %dma_start3A_136 = tpu.memref_slice %arg6[%dma_start3A_134, %dma_start3A_135] : memref<1024x64xf32, #tpu.memory_space<vmem>> -> memref<128x64xf32, #tpu.memory_space<vmem>>
    %dma_start3A_137 = arith.constant 0 : i32
    %dma_start3A_138 = tpu.memref_slice %arg5[%dma_start3A_132, %dma_start3A_133, %dma_start3A_137] : memref<2x4x128xi32, #tpu.memory_space<vmem>> -> memref<1x1x128xi32, #tpu.memory_space<vmem>>
    %dma_start3A_139 = tpu.memref_squeeze %dma_start3A_138 : memref<1x1x128xi32, #tpu.memory_space<vmem>> -> memref<128xi32, #tpu.memory_space<vmem>>
    %dma_start3A_140 = arith.constant 0 : i32
    %dma_start3A_141 = arith.constant 0 : i32
    %dma_start3A_142 = tpu.memref_slice %arg3[%dma_start3A_140, %dma_start3A_141] : memref<1000000x64xf32, #tpu.memory_space<hbm>> -> memref<1000000x64xf32, #tpu.memory_space<hbm>>
    tpu.enqueue_indirect_dma source(%dma_start3A_142 : memref<1000000x64xf32, #tpu.memory_space<hbm>>) target(%dma_start3A_136 : memref<128x64xf32, #tpu.memory_space<vmem>>) offsets(%dma_start3A_139 : memref<128xi32, #tpu.memory_space<vmem>>) semaphore(%arg8 : memref<!tpu.dma_semaphore, #tpu.memory_space<semaphore_mem>>)
    %dma_start3A_143 = arith.constant 1 : i32
    %dma_start3A_144 = arith.constant 2 : i32
    %dma_start3A_145 = arith.constant 768 : i32
    %dma_start3A_146 = arith.constant 0 : i32
    %dma_start3A_147 = tpu.memref_slice %arg6[%dma_start3A_145, %dma_start3A_146] : memref<1024x64xf32, #tpu.memory_space<vmem>> -> memref<128x64xf32, #tpu.memory_space<vmem>>
    %dma_start3A_148 = arith.constant 0 : i32
    %dma_start3A_149 = tpu.memref_slice %arg5[%dma_start3A_143, %dma_start3A_144, %dma_start3A_148] : memref<2x4x128xi32, #tpu.memory_space<vmem>> -> memref<1x1x128xi32, #tpu.memory_space<vmem>>
    %dma_start3A_150 = tpu.memref_squeeze %dma_start3A_149 : memref<1x1x128xi32, #tpu.memory_space<vmem>> -> memref<128xi32, #tpu.memory_space<vmem>>
    %dma_start3A_151 = arith.constant 0 : i32
    %dma_start3A_152 = arith.constant 0 : i32
    %dma_start3A_153 = tpu.memref_slice %arg3[%dma_start3A_151, %dma_start3A_152] : memref<1000000x64xf32, #tpu.memory_space<hbm>> -> memref<1000000x64xf32, #tpu.memory_space<hbm>>
    tpu.enqueue_indirect_dma source(%dma_start3A_153 : memref<1000000x64xf32, #tpu.memory_space<hbm>>) target(%dma_start3A_147 : memref<128x64xf32, #tpu.memory_space<vmem>>) offsets(%dma_start3A_150 : memref<128xi32, #tpu.memory_space<vmem>>) semaphore(%arg8 : memref<!tpu.dma_semaphore, #tpu.memory_space<semaphore_mem>>)
    %dma_start3A_154 = arith.constant 1 : i32
    %dma_start3A_155 = arith.constant 3 : i32
    %dma_start3A_156 = arith.constant 896 : i32
    %dma_start3A_157 = arith.constant 0 : i32
    %dma_start3A_158 = tpu.memref_slice %arg6[%dma_start3A_156, %dma_start3A_157] : memref<1024x64xf32, #tpu.memory_space<vmem>> -> memref<128x64xf32, #tpu.memory_space<vmem>>
    %dma_start3A_159 = arith.constant 0 : i32
    %dma_start3A_160 = tpu.memref_slice %arg5[%dma_start3A_154, %dma_start3A_155, %dma_start3A_159] : memref<2x4x128xi32, #tpu.memory_space<vmem>> -> memref<1x1x128xi32, #tpu.memory_space<vmem>>
    %dma_start3A_161 = tpu.memref_squeeze %dma_start3A_160 : memref<1x1x128xi32, #tpu.memory_space<vmem>> -> memref<128xi32, #tpu.memory_space<vmem>>
    %dma_start3A_162 = arith.constant 0 : i32
    %dma_start3A_163 = arith.constant 0 : i32
    %dma_start3A_164 = tpu.memref_slice %arg3[%dma_start3A_162, %dma_start3A_163] : memref<1000000x64xf32, #tpu.memory_space<hbm>> -> memref<1000000x64xf32, #tpu.memory_space<hbm>>
    tpu.enqueue_indirect_dma source(%dma_start3A_164 : memref<1000000x64xf32, #tpu.memory_space<hbm>>) target(%dma_start3A_158 : memref<128x64xf32, #tpu.memory_space<vmem>>) offsets(%dma_start3A_161 : memref<128xi32, #tpu.memory_space<vmem>>) semaphore(%arg8 : memref<!tpu.dma_semaphore, #tpu.memory_space<semaphore_mem>>)
    %dma_wait3A_165 = arith.constant 512 : i32
    %dma_wait3A_166 = arith.constant 0 : i32
    %dma_wait3A_167 = tpu.memref_slice %arg6[%dma_wait3A_165, %dma_wait3A_166] : memref<1024x64xf32, #tpu.memory_space<vmem>> -> memref<512x64xf32, #tpu.memory_space<vmem>>
    %dma_wait3A_168 = arith.constant 0 : i32
    %dma_wait3A_169 = arith.constant 0 : i32
    %dma_wait3A_170 = tpu.memref_slice %arg3[%dma_wait3A_168, %dma_wait3A_169] : memref<1000000x64xf32, #tpu.memory_space<hbm>> -> memref<512x64xf32, #tpu.memory_space<hbm>>
    %dma_wait3A_171 = arith.constant 512 : i32
    %dma_wait3A_172 = arith.constant 0 : i32
    %dma_wait3A_173 = tpu.memref_slice %arg6[%dma_wait3A_171, %dma_wait3A_172] : memref<1024x64xf32, #tpu.memory_space<vmem>> -> memref<512x64xf32, #tpu.memory_space<vmem>>
    %dma_wait3A_174 = arith.constant 0 : i32
    %dma_wait3A_175 = arith.constant 0 : i32
    %dma_wait3A_176 = tpu.memref_slice %arg3[%dma_wait3A_174, %dma_wait3A_175] : memref<1000000x64xf32, #tpu.memory_space<hbm>> -> memref<512x64xf32, #tpu.memory_space<hbm>>
    tpu.wait_dma2 semaphore(%arg8 : memref<!tpu.dma_semaphore, #tpu.memory_space<semaphore_mem>>) src(%dma_wait3A_176 : memref<512x64xf32, #tpu.memory_space<hbm>>) dst(%dma_wait3A_173 : memref<512x64xf32, #tpu.memory_space<vmem>>)
    %add3A_177 = arith.constant 12 : i32
    %add3A_178 = arith.addi %mul3A_2, %add3A_177 : i32
    %dma_start3A_179 = arith.constant 1 : i32
    %dma_start3A_180 = arith.constant 0 : i32
    %dma_start3A_181 = arith.constant 0 : i32
    %dma_start3A_182 = tpu.memref_slice %arg5[%dma_start3A_179, %dma_start3A_180, %dma_start3A_181] : memref<2x4x128xi32, #tpu.memory_space<vmem>> -> memref<1x4x128xi32, #tpu.memory_space<vmem>>
    %dma_start3A_183 = tpu.memref_squeeze %dma_start3A_182 : memref<1x4x128xi32, #tpu.memory_space<vmem>> -> memref<4x128xi32, #tpu.memory_space<vmem>>
    %dma_start3A_184 = arith.constant 0 : i32
    %dma_start3A_185 = tpu.memref_slice %arg2[%add3A_178, %dma_start3A_184] : memref<25600x128xi32, #tpu.memory_space<hbm>> -> memref<4x128xi32, #tpu.memory_space<hbm>>
    %dma_start3A_186 = arith.constant 0 : i32
    %dma_start3A_187 = arith.constant 0 : i32
    %dma_start3A_188 = tpu.memref_slice %arg5[%dma_start3A_179, %dma_start3A_186, %dma_start3A_187] : memref<2x4x128xi32, #tpu.memory_space<vmem>> -> memref<1x4x128xi32, #tpu.memory_space<vmem>>
    %dma_start3A_189 = tpu.memref_squeeze %dma_start3A_188 : memref<1x4x128xi32, #tpu.memory_space<vmem>> -> memref<4x128xi32, #tpu.memory_space<vmem>>
    %dma_start3A_190 = arith.constant 0 : i32
    %dma_start3A_191 = tpu.memref_slice %arg2[%add3A_178, %dma_start3A_190] : memref<25600x128xi32, #tpu.memory_space<hbm>> -> memref<4x128xi32, #tpu.memory_space<hbm>>
    tpu.enqueue_dma source(%dma_start3A_191 : memref<4x128xi32, #tpu.memory_space<hbm>>) target(%dma_start3A_189 : memref<4x128xi32, #tpu.memory_space<vmem>>) target_semaphore(%arg12 : memref<!tpu.dma_semaphore, #tpu.memory_space<semaphore_mem>>)
    %scan3A_192 = arith.constant 0 : i32
    %scan3A_193 = arith.constant 0 : i32
    %scan3A_194 = arith.constant 128 : i32
    %scan3A_195 = arith.addi %scan3A_193, %scan3A_194 : i32
    %scan3A_196 = arith.constant 1 : i32
    scf.for %scan3A_442 = %scan3A_193 to %scan3A_195 step %scan3A_196  : i32 {
      %mul3A_443 = arith.constant 4 : i32
      %mul3A_444 = arith.muli %scan3A_442, %mul3A_443 : i32
      %add3A_445 = arith.constant 512 : i32
      %add3A_446 = arith.addi %add3A_445, %mul3A_444 : i32
      %add3A_447 = arith.constant 0 : i32
      %add3A_448 = arith.addi %add3A_446, %add3A_447 : i32
      %get3A = arith.index_cast %add3A_448 : i32 to index
      %get3A_449 = arith.constant 0 : index
      %get3A_450 = tpu.vector_load %arg6[%get3A, %get3A_449] {strides = array<i32>} : memref<1024x64xf32, #tpu.memory_space<vmem>>, vector<1x16xf32>,
      %get3A_451 = vector.shape_cast %get3A_450 : vector<1x16xf32> to vector<16xf32>
      %mul3A_452 = arith.constant 8.000000e+00 : f32
      %mul3A_453 = vector.broadcast %mul3A_452 : f32 to vector<16xf32>
      %mul3A_454 = arith.mulf %get3A_451, %mul3A_453 : vector<16xf32>
      %swap3A = arith.index_cast %add3A_448 : i32 to index
      %swap3A_455 = arith.constant 0 : index
      %swap3A_456 = tpu.vector_load %arg6[%swap3A, %swap3A_455] {strides = array<i32>} : memref<1024x64xf32, #tpu.memory_space<vmem>>, vector<1x16xf32>,
      %swap3A_457 = vector.shape_cast %swap3A_456 : vector<1x16xf32> to vector<16xf32>
      %swap3A_458 = vector.shape_cast %mul3A_454 : vector<16xf32> to vector<1x16xf32>
      tpu.vector_store %arg6[%swap3A, %swap3A_455], %swap3A_458 {strides = array<i32>} : memref<1024x64xf32, #tpu.memory_space<vmem>>, vector<1x16xf32>,
      %get3A_459 = arith.index_cast %add3A_448 : i32 to index
      %get3A_460 = arith.constant 16 : index
      %get3A_461 = tpu.vector_load %arg6[%get3A_459, %get3A_460] {strides = array<i32>} : memref<1024x64xf32, #tpu.memory_space<vmem>>, vector<1x16xf32>,
      %get3A_462 = vector.shape_cast %get3A_461 : vector<1x16xf32> to vector<16xf32>
      %mul3A_463 = arith.constant 8.000000e+00 : f32
      %mul3A_464 = vector.broadcast %mul3A_463 : f32 to vector<16xf32>
      %mul3A_465 = arith.mulf %get3A_462, %mul3A_464 : vector<16xf32>
      %swap3A_466 = arith.index_cast %add3A_448 : i32 to index
      %swap3A_467 = arith.constant 16 : index
      %swap3A_468 = tpu.vector_load %arg6[%swap3A_466, %swap3A_467] {strides = array<i32>} : memref<1024x64xf32, #tpu.memory_space<vmem>>, vector<1x16xf32>,
      %swap3A_469 = vector.shape_cast %swap3A_468 : vector<1x16xf32> to vector<16xf32>
      %swap3A_470 = vector.shape_cast %mul3A_465 : vector<16xf32> to vector<1x16xf32>
      tpu.vector_store %arg6[%swap3A_466, %swap3A_467], %swap3A_470 {strides = array<i32>} : memref<1024x64xf32, #tpu.memory_space<vmem>>, vector<1x16xf32>,
      %get3A_471 = arith.index_cast %add3A_448 : i32 to index
      %get3A_472 = arith.constant 32 : index
      %get3A_473 = tpu.vector_load %arg6[%get3A_471, %get3A_472] {strides = array<i32>} : memref<1024x64xf32, #tpu.memory_space<vmem>>, vector<1x16xf32>,
      %get3A_474 = vector.shape_cast %get3A_473 : vector<1x16xf32> to vector<16xf32>
      %mul3A_475 = arith.constant 8.000000e+00 : f32
      %mul3A_476 = vector.broadcast %mul3A_475 : f32 to vector<16xf32>
      %mul3A_477 = arith.mulf %get3A_474, %mul3A_476 : vector<16xf32>
      %swap3A_478 = arith.index_cast %add3A_448 : i32 to index
      %swap3A_479 = arith.constant 32 : index
      %swap3A_480 = tpu.vector_load %arg6[%swap3A_478, %swap3A_479] {strides = array<i32>} : memref<1024x64xf32, #tpu.memory_space<vmem>>, vector<1x16xf32>,
      %swap3A_481 = vector.shape_cast %swap3A_480 : vector<1x16xf32> to vector<16xf32>
      %swap3A_482 = vector.shape_cast %mul3A_477 : vector<16xf32> to vector<1x16xf32>
      tpu.vector_store %arg6[%swap3A_478, %swap3A_479], %swap3A_482 {strides = array<i32>} : memref<1024x64xf32, #tpu.memory_space<vmem>>, vector<1x16xf32>,
      %get3A_483 = arith.index_cast %add3A_448 : i32 to index
      %get3A_484 = arith.constant 48 : index
      %get3A_485 = tpu.vector_load %arg6[%get3A_483, %get3A_484] {strides = array<i32>} : memref<1024x64xf32, #tpu.memory_space<vmem>>, vector<1x16xf32>,
      %get3A_486 = vector.shape_cast %get3A_485 : vector<1x16xf32> to vector<16xf32>
      %mul3A_487 = arith.constant 8.000000e+00 : f32
      %mul3A_488 = vector.broadcast %mul3A_487 : f32 to vector<16xf32>
      %mul3A_489 = arith.mulf %get3A_486, %mul3A_488 : vector<16xf32>
      %swap3A_490 = arith.index_cast %add3A_448 : i32 to index
      %swap3A_491 = arith.constant 48 : index
      %swap3A_492 = tpu.vector_load %arg6[%swap3A_490, %swap3A_491] {strides = array<i32>} : memref<1024x64xf32, #tpu.memory_space<vmem>>, vector<1x16xf32>,
      %swap3A_493 = vector.shape_cast %swap3A_492 : vector<1x16xf32> to vector<16xf32>
      %swap3A_494 = vector.shape_cast %mul3A_489 : vector<16xf32> to vector<1x16xf32>
      tpu.vector_store %arg6[%swap3A_490, %swap3A_491], %swap3A_494 {strides = array<i32>} : memref<1024x64xf32, #tpu.memory_space<vmem>>, vector<1x16xf32>,
      %mul3A_495 = arith.constant 4 : i32
      %mul3A_496 = arith.muli %scan3A_442, %mul3A_495 : i32
      %add3A_497 = arith.constant 512 : i32
      %add3A_498 = arith.addi %add3A_497, %mul3A_496 : i32
      %add3A_499 = arith.constant 1 : i32
      %add3A_500 = arith.addi %add3A_498, %add3A_499 : i32
      %get3A_501 = arith.index_cast %add3A_500 : i32 to index
      %get3A_502 = arith.constant 0 : index
      %get3A_503 = tpu.vector_load %arg6[%get3A_501, %get3A_502] {strides = array<i32>} : memref<1024x64xf32, #tpu.memory_space<vmem>>, vector<1x16xf32>,
      %get3A_504 = vector.shape_cast %get3A_503 : vector<1x16xf32> to vector<16xf32>
      %mul3A_505 = arith.constant 8.000000e+00 : f32
      %mul3A_506 = vector.broadcast %mul3A_505 : f32 to vector<16xf32>
      %mul3A_507 = arith.mulf %get3A_504, %mul3A_506 : vector<16xf32>
      %swap3A_508 = arith.index_cast %add3A_500 : i32 to index
      %swap3A_509 = arith.constant 0 : index
      %swap3A_510 = tpu.vector_load %arg6[%swap3A_508, %swap3A_509] {strides = array<i32>} : memref<1024x64xf32, #tpu.memory_space<vmem>>, vector<1x16xf32>,
      %swap3A_511 = vector.shape_cast %swap3A_510 : vector<1x16xf32> to vector<16xf32>
      %swap3A_512 = vector.shape_cast %mul3A_507 : vector<16xf32> to vector<1x16xf32>
      tpu.vector_store %arg6[%swap3A_508, %swap3A_509], %swap3A_512 {strides = array<i32>} : memref<1024x64xf32, #tpu.memory_space<vmem>>, vector<1x16xf32>,
      %get3A_513 = arith.index_cast %add3A_500 : i32 to index
      %get3A_514 = arith.constant 16 : index
      %get3A_515 = tpu.vector_load %arg6[%get3A_513, %get3A_514] {strides = array<i32>} : memref<1024x64xf32, #tpu.memory_space<vmem>>, vector<1x16xf32>,
      %get3A_516 = vector.shape_cast %get3A_515 : vector<1x16xf32> to vector<16xf32>
      %mul3A_517 = arith.constant 8.000000e+00 : f32
      %mul3A_518 = vector.broadcast %mul3A_517 : f32 to vector<16xf32>
      %mul3A_519 = arith.mulf %get3A_516, %mul3A_518 : vector<16xf32>
      %swap3A_520 = arith.index_cast %add3A_500 : i32 to index
      %swap3A_521 = arith.constant 16 : index
      %swap3A_522 = tpu.vector_load %arg6[%swap3A_520, %swap3A_521] {strides = array<i32>} : memref<1024x64xf32, #tpu.memory_space<vmem>>, vector<1x16xf32>,
      %swap3A_523 = vector.shape_cast %swap3A_522 : vector<1x16xf32> to vector<16xf32>
      %swap3A_524 = vector.shape_cast %mul3A_519 : vector<16xf32> to vector<1x16xf32>
      tpu.vector_store %arg6[%swap3A_520, %swap3A_521], %swap3A_524 {strides = array<i32>} : memref<1024x64xf32, #tpu.memory_space<vmem>>, vector<1x16xf32>,
      %get3A_525 = arith.index_cast %add3A_500 : i32 to index
      %get3A_526 = arith.constant 32 : index
      %get3A_527 = tpu.vector_load %arg6[%get3A_525, %get3A_526] {strides = array<i32>} : memref<1024x64xf32, #tpu.memory_space<vmem>>, vector<1x16xf32>,
      %get3A_528 = vector.shape_cast %get3A_527 : vector<1x16xf32> to vector<16xf32>
      %mul3A_529 = arith.constant 8.000000e+00 : f32
      %mul3A_530 = vector.broadcast %mul3A_529 : f32 to vector<16xf32>
      %mul3A_531 = arith.mulf %get3A_528, %mul3A_530 : vector<16xf32>
      %swap3A_532 = arith.index_cast %add3A_500 : i32 to index
      %swap3A_533 = arith.constant 32 : index
      %swap3A_534 = tpu.vector_load %arg6[%swap3A_532, %swap3A_533] {strides = array<i32>} : memref<1024x64xf32, #tpu.memory_space<vmem>>, vector<1x16xf32>,
      %swap3A_535 = vector.shape_cast %swap3A_534 : vector<1x16xf32> to vector<16xf32>
      %swap3A_536 = vector.shape_cast %mul3A_531 : vector<16xf32> to vector<1x16xf32>
      tpu.vector_store %arg6[%swap3A_532, %swap3A_533], %swap3A_536 {strides = array<i32>} : memref<1024x64xf32, #tpu.memory_space<vmem>>, vector<1x16xf32>,
      %get3A_537 = arith.index_cast %add3A_500 : i32 to index
      %get3A_538 = arith.constant 48 : index
      %get3A_539 = tpu.vector_load %arg6[%get3A_537, %get3A_538] {strides = array<i32>} : memref<1024x64xf32, #tpu.memory_space<vmem>>, vector<1x16xf32>,
      %get3A_540 = vector.shape_cast %get3A_539 : vector<1x16xf32> to vector<16xf32>
      %mul3A_541 = arith.constant 8.000000e+00 : f32
      %mul3A_542 = vector.broadcast %mul3A_541 : f32 to vector<16xf32>
      %mul3A_543 = arith.mulf %get3A_540, %mul3A_542 : vector<16xf32>
      %swap3A_544 = arith.index_cast %add3A_500 : i32 to index
      %swap3A_545 = arith.constant 48 : index
      %swap3A_546 = tpu.vector_load %arg6[%swap3A_544, %swap3A_545] {strides = array<i32>} : memref<1024x64xf32, #tpu.memory_space<vmem>>, vector<1x16xf32>,
      %swap3A_547 = vector.shape_cast %swap3A_546 : vector<1x16xf32> to vector<16xf32>
      %swap3A_548 = vector.shape_cast %mul3A_543 : vector<16xf32> to vector<1x16xf32>
      tpu.vector_store %arg6[%swap3A_544, %swap3A_545], %swap3A_548 {strides = array<i32>} : memref<1024x64xf32, #tpu.memory_space<vmem>>, vector<1x16xf32>,
      %mul3A_549 = arith.constant 4 : i32
      %mul3A_550 = arith.muli %scan3A_442, %mul3A_549 : i32
      %add3A_551 = arith.constant 512 : i32
      %add3A_552 = arith.addi %add3A_551, %mul3A_550 : i32
      %add3A_553 = arith.constant 2 : i32
      %add3A_554 = arith.addi %add3A_552, %add3A_553 : i32
      %get3A_555 = arith.index_cast %add3A_554 : i32 to index
      %get3A_556 = arith.constant 0 : index
      %get3A_557 = tpu.vector_load %arg6[%get3A_555, %get3A_556] {strides = array<i32>} : memref<1024x64xf32, #tpu.memory_space<vmem>>, vector<1x16xf32>,
      %get3A_558 = vector.shape_cast %get3A_557 : vector<1x16xf32> to vector<16xf32>
      %mul3A_559 = arith.constant 8.000000e+00 : f32
      %mul3A_560 = vector.broadcast %mul3A_559 : f32 to vector<16xf32>
      %mul3A_561 = arith.mulf %get3A_558, %mul3A_560 : vector<16xf32>
      %swap3A_562 = arith.index_cast %add3A_554 : i32 to index
      %swap3A_563 = arith.constant 0 : index
      %swap3A_564 = tpu.vector_load %arg6[%swap3A_562, %swap3A_563] {strides = array<i32>} : memref<1024x64xf32, #tpu.memory_space<vmem>>, vector<1x16xf32>,
      %swap3A_565 = vector.shape_cast %swap3A_564 : vector<1x16xf32> to vector<16xf32>
      %swap3A_566 = vector.shape_cast %mul3A_561 : vector<16xf32> to vector<1x16xf32>
      tpu.vector_store %arg6[%swap3A_562, %swap3A_563], %swap3A_566 {strides = array<i32>} : memref<1024x64xf32, #tpu.memory_space<vmem>>, vector<1x16xf32>,
      %get3A_567 = arith.index_cast %add3A_554 : i32 to index
      %get3A_568 = arith.constant 16 : index
      %get3A_569 = tpu.vector_load %arg6[%get3A_567, %get3A_568] {strides = array<i32>} : memref<1024x64xf32, #tpu.memory_space<vmem>>, vector<1x16xf32>,
      %get3A_570 = vector.shape_cast %get3A_569 : vector<1x16xf32> to vector<16xf32>
      %mul3A_571 = arith.constant 8.000000e+00 : f32
      %mul3A_572 = vector.broadcast %mul3A_571 : f32 to vector<16xf32>
      %mul3A_573 = arith.mulf %get3A_570, %mul3A_572 : vector<16xf32>
      %swap3A_574 = arith.index_cast %add3A_554 : i32 to index
      %swap3A_575 = arith.constant 16 : index
      %swap3A_576 = tpu.vector_load %arg6[%swap3A_574, %swap3A_575] {strides = array<i32>} : memref<1024x64xf32, #tpu.memory_space<vmem>>, vector<1x16xf32>,
      %swap3A_577 = vector.shape_cast %swap3A_576 : vector<1x16xf32> to vector<16xf32>
      %swap3A_578 = vector.shape_cast %mul3A_573 : vector<16xf32> to vector<1x16xf32>
      tpu.vector_store %arg6[%swap3A_574, %swap3A_575], %swap3A_578 {strides = array<i32>} : memref<1024x64xf32, #tpu.memory_space<vmem>>, vector<1x16xf32>,
      %get3A_579 = arith.index_cast %add3A_554 : i32 to index
      %get3A_580 = arith.constant 32 : index
      %get3A_581 = tpu.vector_load %arg6[%get3A_579, %get3A_580] {strides = array<i32>} : memref<1024x64xf32, #tpu.memory_space<vmem>>, vector<1x16xf32>,
      %get3A_582 = vector.shape_cast %get3A_581 : vector<1x16xf32> to vector<16xf32>
      %mul3A_583 = arith.constant 8.000000e+00 : f32
      %mul3A_584 = vector.broadcast %mul3A_583 : f32 to vector<16xf32>
      %mul3A_585 = arith.mulf %get3A_582, %mul3A_584 : vector<16xf32>
      %swap3A_586 = arith.index_cast %add3A_554 : i32 to index
      %swap3A_587 = arith.constant 32 : index
      %swap3A_588 = tpu.vector_load %arg6[%swap3A_586, %swap3A_587] {strides = array<i32>} : memref<1024x64xf32, #tpu.memory_space<vmem>>, vector<1x16xf32>,
      %swap3A_589 = vector.shape_cast %swap3A_588 : vector<1x16xf32> to vector<16xf32>
      %swap3A_590 = vector.shape_cast %mul3A_585 : vector<16xf32> to vector<1x16xf32>
      tpu.vector_store %arg6[%swap3A_586, %swap3A_587], %swap3A_590 {strides = array<i32>} : memref<1024x64xf32, #tpu.memory_space<vmem>>, vector<1x16xf32>,
      %get3A_591 = arith.index_cast %add3A_554 : i32 to index
      %get3A_592 = arith.constant 48 : index
      %get3A_593 = tpu.vector_load %arg6[%get3A_591, %get3A_592] {strides = array<i32>} : memref<1024x64xf32, #tpu.memory_space<vmem>>, vector<1x16xf32>,
      %get3A_594 = vector.shape_cast %get3A_593 : vector<1x16xf32> to vector<16xf32>
      %mul3A_595 = arith.constant 8.000000e+00 : f32
      %mul3A_596 = vector.broadcast %mul3A_595 : f32 to vector<16xf32>
      %mul3A_597 = arith.mulf %get3A_594, %mul3A_596 : vector<16xf32>
      %swap3A_598 = arith.index_cast %add3A_554 : i32 to index
      %swap3A_599 = arith.constant 48 : index
      %swap3A_600 = tpu.vector_load %arg6[%swap3A_598, %swap3A_599] {strides = array<i32>} : memref<1024x64xf32, #tpu.memory_space<vmem>>, vector<1x16xf32>,
      %swap3A_601 = vector.shape_cast %swap3A_600 : vector<1x16xf32> to vector<16xf32>
      %swap3A_602 = vector.shape_cast %mul3A_597 : vector<16xf32> to vector<1x16xf32>
      tpu.vector_store %arg6[%swap3A_598, %swap3A_599], %swap3A_602 {strides = array<i32>} : memref<1024x64xf32, #tpu.memory_space<vmem>>, vector<1x16xf32>,
      %mul3A_603 = arith.constant 4 : i32
      %mul3A_604 = arith.muli %scan3A_442, %mul3A_603 : i32
      %add3A_605 = arith.constant 512 : i32
      %add3A_606 = arith.addi %add3A_605, %mul3A_604 : i32
      %add3A_607 = arith.constant 3 : i32
      %add3A_608 = arith.addi %add3A_606, %add3A_607 : i32
      %get3A_609 = arith.index_cast %add3A_608 : i32 to index
      %get3A_610 = arith.constant 0 : index
      %get3A_611 = tpu.vector_load %arg6[%get3A_609, %get3A_610] {strides = array<i32>} : memref<1024x64xf32, #tpu.memory_space<vmem>>, vector<1x16xf32>,
      %get3A_612 = vector.shape_cast %get3A_611 : vector<1x16xf32> to vector<16xf32>
      %mul3A_613 = arith.constant 8.000000e+00 : f32
      %mul3A_614 = vector.broadcast %mul3A_613 : f32 to vector<16xf32>
      %mul3A_615 = arith.mulf %get3A_612, %mul3A_614 : vector<16xf32>
      %swap3A_616 = arith.index_cast %add3A_608 : i32 to index
      %swap3A_617 = arith.constant 0 : index
      %swap3A_618 = tpu.vector_load %arg6[%swap3A_616, %swap3A_617] {strides = array<i32>} : memref<1024x64xf32, #tpu.memory_space<vmem>>, vector<1x16xf32>,
      %swap3A_619 = vector.shape_cast %swap3A_618 : vector<1x16xf32> to vector<16xf32>
      %swap3A_620 = vector.shape_cast %mul3A_615 : vector<16xf32> to vector<1x16xf32>
      tpu.vector_store %arg6[%swap3A_616, %swap3A_617], %swap3A_620 {strides = array<i32>} : memref<1024x64xf32, #tpu.memory_space<vmem>>, vector<1x16xf32>,
      %get3A_621 = arith.index_cast %add3A_608 : i32 to index
      %get3A_622 = arith.constant 16 : index
      %get3A_623 = tpu.vector_load %arg6[%get3A_621, %get3A_622] {strides = array<i32>} : memref<1024x64xf32, #tpu.memory_space<vmem>>, vector<1x16xf32>,
      %get3A_624 = vector.shape_cast %get3A_623 : vector<1x16xf32> to vector<16xf32>
      %mul3A_625 = arith.constant 8.000000e+00 : f32
      %mul3A_626 = vector.broadcast %mul3A_625 : f32 to vector<16xf32>
      %mul3A_627 = arith.mulf %get3A_624, %mul3A_626 : vector<16xf32>
      %swap3A_628 = arith.index_cast %add3A_608 : i32 to index
      %swap3A_629 = arith.constant 16 : index
      %swap3A_630 = tpu.vector_load %arg6[%swap3A_628, %swap3A_629] {strides = array<i32>} : memref<1024x64xf32, #tpu.memory_space<vmem>>, vector<1x16xf32>,
      %swap3A_631 = vector.shape_cast %swap3A_630 : vector<1x16xf32> to vector<16xf32>
      %swap3A_632 = vector.shape_cast %mul3A_627 : vector<16xf32> to vector<1x16xf32>
      tpu.vector_store %arg6[%swap3A_628, %swap3A_629], %swap3A_632 {strides = array<i32>} : memref<1024x64xf32, #tpu.memory_space<vmem>>, vector<1x16xf32>,
      %get3A_633 = arith.index_cast %add3A_608 : i32 to index
      %get3A_634 = arith.constant 32 : index
      %get3A_635 = tpu.vector_load %arg6[%get3A_633, %get3A_634] {strides = array<i32>} : memref<1024x64xf32, #tpu.memory_space<vmem>>, vector<1x16xf32>,
      %get3A_636 = vector.shape_cast %get3A_635 : vector<1x16xf32> to vector<16xf32>
      %mul3A_637 = arith.constant 8.000000e+00 : f32
      %mul3A_638 = vector.broadcast %mul3A_637 : f32 to vector<16xf32>
      %mul3A_639 = arith.mulf %get3A_636, %mul3A_638 : vector<16xf32>
      %swap3A_640 = arith.index_cast %add3A_608 : i32 to index
      %swap3A_641 = arith.constant 32 : index
      %swap3A_642 = tpu.vector_load %arg6[%swap3A_640, %swap3A_641] {strides = array<i32>} : memref<1024x64xf32, #tpu.memory_space<vmem>>, vector<1x16xf32>,
      %swap3A_643 = vector.shape_cast %swap3A_642 : vector<1x16xf32> to vector<16xf32>
      %swap3A_644 = vector.shape_cast %mul3A_639 : vector<16xf32> to vector<1x16xf32>
      tpu.vector_store %arg6[%swap3A_640, %swap3A_641], %swap3A_644 {strides = array<i32>} : memref<1024x64xf32, #tpu.memory_space<vmem>>, vector<1x16xf32>,
      %get3A_645 = arith.index_cast %add3A_608 : i32 to index
      %get3A_646 = arith.constant 48 : index
      %get3A_647 = tpu.vector_load %arg6[%get3A_645, %get3A_646] {strides = array<i32>} : memref<1024x64xf32, #tpu.memory_space<vmem>>, vector<1x16xf32>,
      %get3A_648 = vector.shape_cast %get3A_647 : vector<1x16xf32> to vector<16xf32>
      %mul3A_649 = arith.constant 8.000000e+00 : f32
      %mul3A_650 = vector.broadcast %mul3A_649 : f32 to vector<16xf32>
      %mul3A_651 = arith.mulf %get3A_648, %mul3A_650 : vector<16xf32>
      %swap3A_652 = arith.index_cast %add3A_608 : i32 to index
      %swap3A_653 = arith.constant 48 : index
      %swap3A_654 = tpu.vector_load %arg6[%swap3A_652, %swap3A_653] {strides = array<i32>} : memref<1024x64xf32, #tpu.memory_space<vmem>>, vector<1x16xf32>,
      %swap3A_655 = vector.shape_cast %swap3A_654 : vector<1x16xf32> to vector<16xf32>
      %swap3A_656 = vector.shape_cast %mul3A_651 : vector<16xf32> to vector<1x16xf32>
      tpu.vector_store %arg6[%swap3A_652, %swap3A_653], %swap3A_656 {strides = array<i32>} : memref<1024x64xf32, #tpu.memory_space<vmem>>, vector<1x16xf32>,
    }
    %scan3A_197 = arith.constant 128 : i32
    %add3A_198 = arith.constant 512 : i32
    %add3A_199 = arith.addi %mul3A_4, %add3A_198 : i32
    %dma_start3A_200 = arith.constant 512 : i32
    %dma_start3A_201 = arith.constant 0 : i32
    %dma_start3A_202 = tpu.memref_slice %arg6[%dma_start3A_200, %dma_start3A_201] : memref<1024x64xf32, #tpu.memory_space<vmem>> -> memref<512x64xf32, #tpu.memory_space<vmem>>
    %dma_start3A_203 = arith.constant 0 : i32
    %dma_start3A_204 = tpu.memref_slice %arg4[%add3A_199, %dma_start3A_203] : memref<3276800x64xf32, #tpu.memory_space<hbm>> -> memref<512x64xf32, #tpu.memory_space<hbm>>
    %dma_start3A_205 = arith.constant 0 : i32
    %dma_start3A_206 = tpu.memref_slice %arg4[%add3A_199, %dma_start3A_205] : memref<3276800x64xf32, #tpu.memory_space<hbm>> -> memref<512x64xf32, #tpu.memory_space<hbm>>
    %dma_start3A_207 = arith.constant 512 : i32
    %dma_start3A_208 = arith.constant 0 : i32
    %dma_start3A_209 = tpu.memref_slice %arg6[%dma_start3A_207, %dma_start3A_208] : memref<1024x64xf32, #tpu.memory_space<vmem>> -> memref<512x64xf32, #tpu.memory_space<vmem>>
    tpu.enqueue_dma source(%dma_start3A_209 : memref<512x64xf32, #tpu.memory_space<vmem>>) target(%dma_start3A_206 : memref<512x64xf32, #tpu.memory_space<hbm>>) target_semaphore(%arg10 : memref<!tpu.dma_semaphore, #tpu.memory_space<semaphore_mem>>)
    %dma_wait3A_210 = arith.constant 0 : i32
    %dma_wait3A_211 = arith.constant 0 : i32
    %dma_wait3A_212 = tpu.memref_slice %arg6[%dma_wait3A_210, %dma_wait3A_211] : memref<1024x64xf32, #tpu.memory_space<vmem>> -> memref<512x64xf32, #tpu.memory_space<vmem>>
    %dma_wait3A_213 = arith.constant 0 : i32
    %dma_wait3A_214 = arith.constant 0 : i32
    %dma_wait3A_215 = tpu.memref_slice %arg4[%dma_wait3A_213, %dma_wait3A_214] : memref<3276800x64xf32, #tpu.memory_space<hbm>> -> memref<512x64xf32, #tpu.memory_space<hbm>>
    %dma_wait3A_216 = arith.constant 0 : i32
    %dma_wait3A_217 = arith.constant 0 : i32
    %dma_wait3A_218 = tpu.memref_slice %arg4[%dma_wait3A_216, %dma_wait3A_217] : memref<3276800x64xf32, #tpu.memory_space<hbm>> -> memref<512x64xf32, #tpu.memory_space<hbm>>
    %dma_wait3A_219 = arith.constant 0 : i32
    %dma_wait3A_220 = arith.constant 0 : i32
    %dma_wait3A_221 = tpu.memref_slice %arg6[%dma_wait3A_219, %dma_wait3A_220] : memref<1024x64xf32, #tpu.memory_space<vmem>> -> memref<512x64xf32, #tpu.memory_space<vmem>>
    tpu.wait_dma2 semaphore(%arg9 : memref<!tpu.dma_semaphore, #tpu.memory_space<semaphore_mem>>) src(%dma_wait3A_221 : memref<512x64xf32, #tpu.memory_space<vmem>>) dst(%dma_wait3A_218 : memref<512x64xf32, #tpu.memory_space<hbm>>)
    %dma_wait3A_222 = arith.constant 0 : i32
    %dma_wait3A_223 = arith.constant 0 : i32
    %dma_wait3A_224 = arith.constant 0 : i32
    %dma_wait3A_225 = tpu.memref_slice %arg5[%dma_wait3A_222, %dma_wait3A_223, %dma_wait3A_224] : memref<2x4x128xi32, #tpu.memory_space<vmem>> -> memref<1x4x128xi32, #tpu.memory_space<vmem>>
    %dma_wait3A_226 = tpu.memref_squeeze %dma_wait3A_225 : memref<1x4x128xi32, #tpu.memory_space<vmem>> -> memref<4x128xi32, #tpu.memory_space<vmem>>
    %dma_wait3A_227 = arith.constant 0 : i32
    %dma_wait3A_228 = arith.constant 0 : i32
    %dma_wait3A_229 = tpu.memref_slice %arg2[%dma_wait3A_227, %dma_wait3A_228] : memref<25600x128xi32, #tpu.memory_space<hbm>> -> memref<4x128xi32, #tpu.memory_space<hbm>>
    %dma_wait3A_230 = arith.constant 0 : i32
    %dma_wait3A_231 = arith.constant 0 : i32
    %dma_wait3A_232 = tpu.memref_slice %arg5[%dma_wait3A_222, %dma_wait3A_230, %dma_wait3A_231] : memref<2x4x128xi32, #tpu.memory_space<vmem>> -> memref<1x4x128xi32, #tpu.memory_space<vmem>>
    %dma_wait3A_233 = tpu.memref_squeeze %dma_wait3A_232 : memref<1x4x128xi32, #tpu.memory_space<vmem>> -> memref<4x128xi32, #tpu.memory_space<vmem>>
    %dma_wait3A_234 = arith.constant 0 : i32
    %dma_wait3A_235 = arith.constant 0 : i32
    %dma_wait3A_236 = tpu.memref_slice %arg2[%dma_wait3A_234, %dma_wait3A_235] : memref<25600x128xi32, #tpu.memory_space<hbm>> -> memref<4x128xi32, #tpu.memory_space<hbm>>
    tpu.wait_dma2 semaphore(%arg11 : memref<!tpu.dma_semaphore, #tpu.memory_space<semaphore_mem>>) src(%dma_wait3A_236 : memref<4x128xi32, #tpu.memory_space<hbm>>) dst(%dma_wait3A_233 : memref<4x128xi32, #tpu.memory_space<vmem>>)
    %dma_start3A_237 = arith.constant 0 : i32
    %dma_start3A_238 = arith.constant 0 : i32
    %dma_start3A_239 = arith.constant 0 : i32
    %dma_start3A_240 = arith.constant 0 : i32
    %dma_start3A_241 = tpu.memref_slice %arg6[%dma_start3A_239, %dma_start3A_240] : memref<1024x64xf32, #tpu.memory_space<vmem>> -> memref<128x64xf32, #tpu.memory_space<vmem>>
    %dma_start3A_242 = arith.constant 0 : i32
    %dma_start3A_243 = tpu.memref_slice %arg5[%dma_start3A_237, %dma_start3A_238, %dma_start3A_242] : memref<2x4x128xi32, #tpu.memory_space<vmem>> -> memref<1x1x128xi32, #tpu.memory_space<vmem>>
    %dma_start3A_244 = tpu.memref_squeeze %dma_start3A_243 : memref<1x1x128xi32, #tpu.memory_space<vmem>> -> memref<128xi32, #tpu.memory_space<vmem>>
    %dma_start3A_245 = arith.constant 0 : i32
    %dma_start3A_246 = arith.constant 0 : i32
    %dma_start3A_247 = tpu.memref_slice %arg3[%dma_start3A_245, %dma_start3A_246] : memref<1000000x64xf32, #tpu.memory_space<hbm>> -> memref<1000000x64xf32, #tpu.memory_space<hbm>>
    tpu.enqueue_indirect_dma source(%dma_start3A_247 : memref<1000000x64xf32, #tpu.memory_space<hbm>>) target(%dma_start3A_241 : memref<128x64xf32, #tpu.memory_space<vmem>>) offsets(%dma_start3A_244 : memref<128xi32, #tpu.memory_space<vmem>>) semaphore(%arg7 : memref<!tpu.dma_semaphore, #tpu.memory_space<semaphore_mem>>)
    %dma_start3A_248 = arith.constant 0 : i32
    %dma_start3A_249 = arith.constant 1 : i32
    %dma_start3A_250 = arith.constant 128 : i32
    %dma_start3A_251 = arith.constant 0 : i32
    %dma_start3A_252 = tpu.memref_slice %arg6[%dma_start3A_250, %dma_start3A_251] : memref<1024x64xf32, #tpu.memory_space<vmem>> -> memref<128x64xf32, #tpu.memory_space<vmem>>
    %dma_start3A_253 = arith.constant 0 : i32
    %dma_start3A_254 = tpu.memref_slice %arg5[%dma_start3A_248, %dma_start3A_249, %dma_start3A_253] : memref<2x4x128xi32, #tpu.memory_space<vmem>> -> memref<1x1x128xi32, #tpu.memory_space<vmem>>
    %dma_start3A_255 = tpu.memref_squeeze %dma_start3A_254 : memref<1x1x128xi32, #tpu.memory_space<vmem>> -> memref<128xi32, #tpu.memory_space<vmem>>
    %dma_start3A_256 = arith.constant 0 : i32
    %dma_start3A_257 = arith.constant 0 : i32
    %dma_start3A_258 = tpu.memref_slice %arg3[%dma_start3A_256, %dma_start3A_257] : memref<1000000x64xf32, #tpu.memory_space<hbm>> -> memref<1000000x64xf32, #tpu.memory_space<hbm>>
    tpu.enqueue_indirect_dma source(%dma_start3A_258 : memref<1000000x64xf32, #tpu.memory_space<hbm>>) target(%dma_start3A_252 : memref<128x64xf32, #tpu.memory_space<vmem>>) offsets(%dma_start3A_255 : memref<128xi32, #tpu.memory_space<vmem>>) semaphore(%arg7 : memref<!tpu.dma_semaphore, #tpu.memory_space<semaphore_mem>>)
    %dma_start3A_259 = arith.constant 0 : i32
    %dma_start3A_260 = arith.constant 2 : i32
    %dma_start3A_261 = arith.constant 256 : i32
    %dma_start3A_262 = arith.constant 0 : i32
    %dma_start3A_263 = tpu.memref_slice %arg6[%dma_start3A_261, %dma_start3A_262] : memref<1024x64xf32, #tpu.memory_space<vmem>> -> memref<128x64xf32, #tpu.memory_space<vmem>>
    %dma_start3A_264 = arith.constant 0 : i32
    %dma_start3A_265 = tpu.memref_slice %arg5[%dma_start3A_259, %dma_start3A_260, %dma_start3A_264] : memref<2x4x128xi32, #tpu.memory_space<vmem>> -> memref<1x1x128xi32, #tpu.memory_space<vmem>>
    %dma_start3A_266 = tpu.memref_squeeze %dma_start3A_265 : memref<1x1x128xi32, #tpu.memory_space<vmem>> -> memref<128xi32, #tpu.memory_space<vmem>>
    %dma_start3A_267 = arith.constant 0 : i32
    %dma_start3A_268 = arith.constant 0 : i32
    %dma_start3A_269 = tpu.memref_slice %arg3[%dma_start3A_267, %dma_start3A_268] : memref<1000000x64xf32, #tpu.memory_space<hbm>> -> memref<1000000x64xf32, #tpu.memory_space<hbm>>
    tpu.enqueue_indirect_dma source(%dma_start3A_269 : memref<1000000x64xf32, #tpu.memory_space<hbm>>) target(%dma_start3A_263 : memref<128x64xf32, #tpu.memory_space<vmem>>) offsets(%dma_start3A_266 : memref<128xi32, #tpu.memory_space<vmem>>) semaphore(%arg7 : memref<!tpu.dma_semaphore, #tpu.memory_space<semaphore_mem>>)
    %dma_start3A_270 = arith.constant 0 : i32
    %dma_start3A_271 = arith.constant 3 : i32
    %dma_start3A_272 = arith.constant 384 : i32
    %dma_start3A_273 = arith.constant 0 : i32
    %dma_start3A_274 = tpu.memref_slice %arg6[%dma_start3A_272, %dma_start3A_273] : memref<1024x64xf32, #tpu.memory_space<vmem>> -> memref<128x64xf32, #tpu.memory_space<vmem>>
    %dma_start3A_275 = arith.constant 0 : i32
    %dma_start3A_276 = tpu.memref_slice %arg5[%dma_start3A_270, %dma_start3A_271, %dma_start3A_275] : memref<2x4x128xi32, #tpu.memory_space<vmem>> -> memref<1x1x128xi32, #tpu.memory_space<vmem>>
    %dma_start3A_277 = tpu.memref_squeeze %dma_start3A_276 : memref<1x1x128xi32, #tpu.memory_space<vmem>> -> memref<128xi32, #tpu.memory_space<vmem>>
    %dma_start3A_278 = arith.constant 0 : i32
    %dma_start3A_279 = arith.constant 0 : i32
    %dma_start3A_280 = tpu.memref_slice %arg3[%dma_start3A_278, %dma_start3A_279] : memref<1000000x64xf32, #tpu.memory_space<hbm>> -> memref<1000000x64xf32, #tpu.memory_space<hbm>>
    tpu.enqueue_indirect_dma source(%dma_start3A_280 : memref<1000000x64xf32, #tpu.memory_space<hbm>>) target(%dma_start3A_274 : memref<128x64xf32, #tpu.memory_space<vmem>>) offsets(%dma_start3A_277 : memref<128xi32, #tpu.memory_space<vmem>>) semaphore(%arg7 : memref<!tpu.dma_semaphore, #tpu.memory_space<semaphore_mem>>)
    %scan3A_281 = arith.constant 0 : i32
    %scan3A_282 = arith.constant 1 : i32
    %scan3A_283 = arith.constant 98 : i32
    %scan3A_284 = arith.addi %scan3A_282, %scan3A_283 : i32
    %scan3A_285 = arith.constant 1 : i32
    scf.for %scan3A_442 = %scan3A_282 to %scan3A_284 step %scan3A_285  : i32 {
      %mul3A_443 = arith.constant 2 : i32
      %mul3A_444 = arith.muli %scan3A_442, %mul3A_443 : i32
      %add3A_445 = arith.constant 0 : i32
      %add3A_446 = arith.addi %mul3A_444, %add3A_445 : i32
      %dma_wait3A_447 = arith.constant 0 : i32
      %dma_wait3A_448 = arith.constant 0 : i32
      %dma_wait3A_449 = tpu.memref_slice %arg6[%dma_wait3A_447, %dma_wait3A_448] : memref<1024x64xf32, #tpu.memory_space<vmem>> -> memref<512x64xf32, #tpu.memory_space<vmem>>
      %dma_wait3A_450 = arith.constant 0 : i32
      %dma_wait3A_451 = arith.constant 0 : i32
      %dma_wait3A_452 = tpu.memref_slice %arg3[%dma_wait3A_450, %dma_wait3A_451] : memref<1000000x64xf32, #tpu.memory_space<hbm>> -> memref<512x64xf32, #tpu.memory_space<hbm>>
      %dma_wait3A_453 = arith.constant 0 : i32
      %dma_wait3A_454 = arith.constant 0 : i32
      %dma_wait3A_455 = tpu.memref_slice %arg6[%dma_wait3A_453, %dma_wait3A_454] : memref<1024x64xf32, #tpu.memory_space<vmem>> -> memref<512x64xf32, #tpu.memory_space<vmem>>
      %dma_wait3A_456 = arith.constant 0 : i32
      %dma_wait3A_457 = arith.constant 0 : i32
      %dma_wait3A_458 = tpu.memref_slice %arg3[%dma_wait3A_456, %dma_wait3A_457] : memref<1000000x64xf32, #tpu.memory_space<hbm>> -> memref<512x64xf32, #tpu.memory_space<hbm>>
      tpu.wait_dma2 semaphore(%arg7 : memref<!tpu.dma_semaphore, #tpu.memory_space<semaphore_mem>>) src(%dma_wait3A_458 : memref<512x64xf32, #tpu.memory_space<hbm>>) dst(%dma_wait3A_455 : memref<512x64xf32, #tpu.memory_space<vmem>>)
      %add3A_459 = arith.constant 2 : i32
      %add3A_460 = arith.addi %add3A_446, %add3A_459 : i32
      %mul3A_461 = arith.constant 4 : i32
      %mul3A_462 = arith.muli %add3A_460, %mul3A_461 : i32
      %add3A_463 = arith.addi %mul3A_2, %mul3A_462 : i32
      %dma_start3A_464 = arith.constant 0 : i32
      %dma_start3A_465 = arith.constant 0 : i32
      %dma_start3A_466 = arith.constant 0 : i32
      %dma_start3A_467 = tpu.memref_slice %arg5[%dma_start3A_464, %dma_start3A_465, %dma_start3A_466] : memref<2x4x128xi32, #tpu.memory_space<vmem>> -> memref<1x4x128xi32, #tpu.memory_space<vmem>>
      %dma_start3A_468 = tpu.memref_squeeze %dma_start3A_467 : memref<1x4x128xi32, #tpu.memory_space<vmem>> -> memref<4x128xi32, #tpu.memory_space<vmem>>
      %dma_start3A_469 = arith.constant 0 : i32
      %dma_start3A_470 = tpu.memref_slice %arg2[%add3A_463, %dma_start3A_469] : memref<25600x128xi32, #tpu.memory_space<hbm>> -> memref<4x128xi32, #tpu.memory_space<hbm>>
      %dma_start3A_471 = arith.constant 0 : i32
      %dma_start3A_472 = arith.constant 0 : i32
      %dma_start3A_473 = tpu.memref_slice %arg5[%dma_start3A_464, %dma_start3A_471, %dma_start3A_472] : memref<2x4x128xi32, #tpu.memory_space<vmem>> -> memref<1x4x128xi32, #tpu.memory_space<vmem>>
      %dma_start3A_474 = tpu.memref_squeeze %dma_start3A_473 : memref<1x4x128xi32, #tpu.memory_space<vmem>> -> memref<4x128xi32, #tpu.memory_space<vmem>>
      %dma_start3A_475 = arith.constant 0 : i32
      %dma_start3A_476 = tpu.memref_slice %arg2[%add3A_463, %dma_start3A_475] : memref<25600x128xi32, #tpu.memory_space<hbm>> -> memref<4x128xi32, #tpu.memory_space<hbm>>
      tpu.enqueue_dma source(%dma_start3A_476 : memref<4x128xi32, #tpu.memory_space<hbm>>) target(%dma_start3A_474 : memref<4x128xi32, #tpu.memory_space<vmem>>) target_semaphore(%arg11 : memref<!tpu.dma_semaphore, #tpu.memory_space<semaphore_mem>>)
      %scan3A_477 = arith.constant 0 : i32
      %scan3A_478 = arith.constant 0 : i32
      %scan3A_479 = arith.constant 128 : i32
      %scan3A_480 = arith.addi %scan3A_478, %scan3A_479 : i32
      %scan3A_481 = arith.constant 1 : i32
      scf.for %scan3A_689 = %scan3A_478 to %scan3A_480 step %scan3A_481  : i32 {
        %mul3A_690 = arith.constant 4 : i32
        %mul3A_691 = arith.muli %scan3A_689, %mul3A_690 : i32
        %add3A_692 = arith.constant 0 : i32
        %add3A_693 = arith.addi %add3A_692, %mul3A_691 : i32
        %add3A_694 = arith.constant 0 : i32
        %add3A_695 = arith.addi %add3A_693, %add3A_694 : i32
        %get3A = arith.index_cast %add3A_695 : i32 to index
        %get3A_696 = arith.constant 0 : index
        %get3A_697 = tpu.vector_load %arg6[%get3A, %get3A_696] {strides = array<i32>} : memref<1024x64xf32, #tpu.memory_space<vmem>>, vector<1x16xf32>,
        %get3A_698 = vector.shape_cast %get3A_697 : vector<1x16xf32> to vector<16xf32>
        %mul3A_699 = arith.constant 8.000000e+00 : f32
        %mul3A_700 = vector.broadcast %mul3A_699 : f32 to vector<16xf32>
        %mul3A_701 = arith.mulf %get3A_698, %mul3A_700 : vector<16xf32>
        %swap3A = arith.index_cast %add3A_695 : i32 to index
        %swap3A_702 = arith.constant 0 : index
        %swap3A_703 = tpu.vector_load %arg6[%swap3A, %swap3A_702] {strides = array<i32>} : memref<1024x64xf32, #tpu.memory_space<vmem>>, vector<1x16xf32>,
        %swap3A_704 = vector.shape_cast %swap3A_703 : vector<1x16xf32> to vector<16xf32>
        %swap3A_705 = vector.shape_cast %mul3A_701 : vector<16xf32> to vector<1x16xf32>
        tpu.vector_store %arg6[%swap3A, %swap3A_702], %swap3A_705 {strides = array<i32>} : memref<1024x64xf32, #tpu.memory_space<vmem>>, vector<1x16xf32>,
        %get3A_706 = arith.index_cast %add3A_695 : i32 to index
        %get3A_707 = arith.constant 16 : index
        %get3A_708 = tpu.vector_load %arg6[%get3A_706, %get3A_707] {strides = array<i32>} : memref<1024x64xf32, #tpu.memory_space<vmem>>, vector<1x16xf32>,
        %get3A_709 = vector.shape_cast %get3A_708 : vector<1x16xf32> to vector<16xf32>
        %mul3A_710 = arith.constant 8.000000e+00 : f32
        %mul3A_711 = vector.broadcast %mul3A_710 : f32 to vector<16xf32>
        %mul3A_712 = arith.mulf %get3A_709, %mul3A_711 : vector<16xf32>
        %swap3A_713 = arith.index_cast %add3A_695 : i32 to index
        %swap3A_714 = arith.constant 16 : index
        %swap3A_715 = tpu.vector_load %arg6[%swap3A_713, %swap3A_714] {strides = array<i32>} : memref<1024x64xf32, #tpu.memory_space<vmem>>, vector<1x16xf32>,
        %swap3A_716 = vector.shape_cast %swap3A_715 : vector<1x16xf32> to vector<16xf32>
        %swap3A_717 = vector.shape_cast %mul3A_712 : vector<16xf32> to vector<1x16xf32>
        tpu.vector_store %arg6[%swap3A_713, %swap3A_714], %swap3A_717 {strides = array<i32>} : memref<1024x64xf32, #tpu.memory_space<vmem>>, vector<1x16xf32>,
        %get3A_718 = arith.index_cast %add3A_695 : i32 to index
        %get3A_719 = arith.constant 32 : index
        %get3A_720 = tpu.vector_load %arg6[%get3A_718, %get3A_719] {strides = array<i32>} : memref<1024x64xf32, #tpu.memory_space<vmem>>, vector<1x16xf32>,
        %get3A_721 = vector.shape_cast %get3A_720 : vector<1x16xf32> to vector<16xf32>
        %mul3A_722 = arith.constant 8.000000e+00 : f32
        %mul3A_723 = vector.broadcast %mul3A_722 : f32 to vector<16xf32>
        %mul3A_724 = arith.mulf %get3A_721, %mul3A_723 : vector<16xf32>
        %swap3A_725 = arith.index_cast %add3A_695 : i32 to index
        %swap3A_726 = arith.constant 32 : index
        %swap3A_727 = tpu.vector_load %arg6[%swap3A_725, %swap3A_726] {strides = array<i32>} : memref<1024x64xf32, #tpu.memory_space<vmem>>, vector<1x16xf32>,
        %swap3A_728 = vector.shape_cast %swap3A_727 : vector<1x16xf32> to vector<16xf32>
        %swap3A_729 = vector.shape_cast %mul3A_724 : vector<16xf32> to vector<1x16xf32>
        tpu.vector_store %arg6[%swap3A_725, %swap3A_726], %swap3A_729 {strides = array<i32>} : memref<1024x64xf32, #tpu.memory_space<vmem>>, vector<1x16xf32>,
        %get3A_730 = arith.index_cast %add3A_695 : i32 to index
        %get3A_731 = arith.constant 48 : index
        %get3A_732 = tpu.vector_load %arg6[%get3A_730, %get3A_731] {strides = array<i32>} : memref<1024x64xf32, #tpu.memory_space<vmem>>, vector<1x16xf32>,
        %get3A_733 = vector.shape_cast %get3A_732 : vector<1x16xf32> to vector<16xf32>
        %mul3A_734 = arith.constant 8.000000e+00 : f32
        %mul3A_735 = vector.broadcast %mul3A_734 : f32 to vector<16xf32>
        %mul3A_736 = arith.mulf %get3A_733, %mul3A_735 : vector<16xf32>
        %swap3A_737 = arith.index_cast %add3A_695 : i32 to index
        %swap3A_738 = arith.constant 48 : index
        %swap3A_739 = tpu.vector_load %arg6[%swap3A_737, %swap3A_738] {strides = array<i32>} : memref<1024x64xf32, #tpu.memory_space<vmem>>, vector<1x16xf32>,
        %swap3A_740 = vector.shape_cast %swap3A_739 : vector<1x16xf32> to vector<16xf32>
        %swap3A_741 = vector.shape_cast %mul3A_736 : vector<16xf32> to vector<1x16xf32>
        tpu.vector_store %arg6[%swap3A_737, %swap3A_738], %swap3A_741 {strides = array<i32>} : memref<1024x64xf32, #tpu.memory_space<vmem>>, vector<1x16xf32>,
        %mul3A_742 = arith.constant 4 : i32
        %mul3A_743 = arith.muli %scan3A_689, %mul3A_742 : i32
        %add3A_744 = arith.constant 0 : i32
        %add3A_745 = arith.addi %add3A_744, %mul3A_743 : i32
        %add3A_746 = arith.constant 1 : i32
        %add3A_747 = arith.addi %add3A_745, %add3A_746 : i32
        %get3A_748 = arith.index_cast %add3A_747 : i32 to index
        %get3A_749 = arith.constant 0 : index
        %get3A_750 = tpu.vector_load %arg6[%get3A_748, %get3A_749] {strides = array<i32>} : memref<1024x64xf32, #tpu.memory_space<vmem>>, vector<1x16xf32>,
        %get3A_751 = vector.shape_cast %get3A_750 : vector<1x16xf32> to vector<16xf32>
        %mul3A_752 = arith.constant 8.000000e+00 : f32
        %mul3A_753 = vector.broadcast %mul3A_752 : f32 to vector<16xf32>
        %mul3A_754 = arith.mulf %get3A_751, %mul3A_753 : vector<16xf32>
        %swap3A_755 = arith.index_cast %add3A_747 : i32 to index
        %swap3A_756 = arith.constant 0 : index
        %swap3A_757 = tpu.vector_load %arg6[%swap3A_755, %swap3A_756] {strides = array<i32>} : memref<1024x64xf32, #tpu.memory_space<vmem>>, vector<1x16xf32>,
        %swap3A_758 = vector.shape_cast %swap3A_757 : vector<1x16xf32> to vector<16xf32>
        %swap3A_759 = vector.shape_cast %mul3A_754 : vector<16xf32> to vector<1x16xf32>
        tpu.vector_store %arg6[%swap3A_755, %swap3A_756], %swap3A_759 {strides = array<i32>} : memref<1024x64xf32, #tpu.memory_space<vmem>>, vector<1x16xf32>,
        %get3A_760 = arith.index_cast %add3A_747 : i32 to index
        %get3A_761 = arith.constant 16 : index
        %get3A_762 = tpu.vector_load %arg6[%get3A_760, %get3A_761] {strides = array<i32>} : memref<1024x64xf32, #tpu.memory_space<vmem>>, vector<1x16xf32>,
        %get3A_763 = vector.shape_cast %get3A_762 : vector<1x16xf32> to vector<16xf32>
        %mul3A_764 = arith.constant 8.000000e+00 : f32
        %mul3A_765 = vector.broadcast %mul3A_764 : f32 to vector<16xf32>
        %mul3A_766 = arith.mulf %get3A_763, %mul3A_765 : vector<16xf32>
        %swap3A_767 = arith.index_cast %add3A_747 : i32 to index
        %swap3A_768 = arith.constant 16 : index
        %swap3A_769 = tpu.vector_load %arg6[%swap3A_767, %swap3A_768] {strides = array<i32>} : memref<1024x64xf32, #tpu.memory_space<vmem>>, vector<1x16xf32>,
        %swap3A_770 = vector.shape_cast %swap3A_769 : vector<1x16xf32> to vector<16xf32>
        %swap3A_771 = vector.shape_cast %mul3A_766 : vector<16xf32> to vector<1x16xf32>
        tpu.vector_store %arg6[%swap3A_767, %swap3A_768], %swap3A_771 {strides = array<i32>} : memref<1024x64xf32, #tpu.memory_space<vmem>>, vector<1x16xf32>,
        %get3A_772 = arith.index_cast %add3A_747 : i32 to index
        %get3A_773 = arith.constant 32 : index
        %get3A_774 = tpu.vector_load %arg6[%get3A_772, %get3A_773] {strides = array<i32>} : memref<1024x64xf32, #tpu.memory_space<vmem>>, vector<1x16xf32>,
        %get3A_775 = vector.shape_cast %get3A_774 : vector<1x16xf32> to vector<16xf32>
        %mul3A_776 = arith.constant 8.000000e+00 : f32
        %mul3A_777 = vector.broadcast %mul3A_776 : f32 to vector<16xf32>
        %mul3A_778 = arith.mulf %get3A_775, %mul3A_777 : vector<16xf32>
        %swap3A_779 = arith.index_cast %add3A_747 : i32 to index
        %swap3A_780 = arith.constant 32 : index
        %swap3A_781 = tpu.vector_load %arg6[%swap3A_779, %swap3A_780] {strides = array<i32>} : memref<1024x64xf32, #tpu.memory_space<vmem>>, vector<1x16xf32>,
        %swap3A_782 = vector.shape_cast %swap3A_781 : vector<1x16xf32> to vector<16xf32>
        %swap3A_783 = vector.shape_cast %mul3A_778 : vector<16xf32> to vector<1x16xf32>
        tpu.vector_store %arg6[%swap3A_779, %swap3A_780], %swap3A_783 {strides = array<i32>} : memref<1024x64xf32, #tpu.memory_space<vmem>>, vector<1x16xf32>,
        %get3A_784 = arith.index_cast %add3A_747 : i32 to index
        %get3A_785 = arith.constant 48 : index
        %get3A_786 = tpu.vector_load %arg6[%get3A_784, %get3A_785] {strides = array<i32>} : memref<1024x64xf32, #tpu.memory_space<vmem>>, vector<1x16xf32>,
        %get3A_787 = vector.shape_cast %get3A_786 : vector<1x16xf32> to vector<16xf32>
        %mul3A_788 = arith.constant 8.000000e+00 : f32
        %mul3A_789 = vector.broadcast %mul3A_788 : f32 to vector<16xf32>
        %mul3A_790 = arith.mulf %get3A_787, %mul3A_789 : vector<16xf32>
        %swap3A_791 = arith.index_cast %add3A_747 : i32 to index
        %swap3A_792 = arith.constant 48 : index
        %swap3A_793 = tpu.vector_load %arg6[%swap3A_791, %swap3A_792] {strides = array<i32>} : memref<1024x64xf32, #tpu.memory_space<vmem>>, vector<1x16xf32>,
        %swap3A_794 = vector.shape_cast %swap3A_793 : vector<1x16xf32> to vector<16xf32>
        %swap3A_795 = vector.shape_cast %mul3A_790 : vector<16xf32> to vector<1x16xf32>
        tpu.vector_store %arg6[%swap3A_791, %swap3A_792], %swap3A_795 {strides = array<i32>} : memref<1024x64xf32, #tpu.memory_space<vmem>>, vector<1x16xf32>,
        %mul3A_796 = arith.constant 4 : i32
        %mul3A_797 = arith.muli %scan3A_689, %mul3A_796 : i32
        %add3A_798 = arith.constant 0 : i32
        %add3A_799 = arith.addi %add3A_798, %mul3A_797 : i32
        %add3A_800 = arith.constant 2 : i32
        %add3A_801 = arith.addi %add3A_799, %add3A_800 : i32
        %get3A_802 = arith.index_cast %add3A_801 : i32 to index
        %get3A_803 = arith.constant 0 : index
        %get3A_804 = tpu.vector_load %arg6[%get3A_802, %get3A_803] {strides = array<i32>} : memref<1024x64xf32, #tpu.memory_space<vmem>>, vector<1x16xf32>,
        %get3A_805 = vector.shape_cast %get3A_804 : vector<1x16xf32> to vector<16xf32>
        %mul3A_806 = arith.constant 8.000000e+00 : f32
        %mul3A_807 = vector.broadcast %mul3A_806 : f32 to vector<16xf32>
        %mul3A_808 = arith.mulf %get3A_805, %mul3A_807 : vector<16xf32>
        %swap3A_809 = arith.index_cast %add3A_801 : i32 to index
        %swap3A_810 = arith.constant 0 : index
        %swap3A_811 = tpu.vector_load %arg6[%swap3A_809, %swap3A_810] {strides = array<i32>} : memref<1024x64xf32, #tpu.memory_space<vmem>>, vector<1x16xf32>,
        %swap3A_812 = vector.shape_cast %swap3A_811 : vector<1x16xf32> to vector<16xf32>
        %swap3A_813 = vector.shape_cast %mul3A_808 : vector<16xf32> to vector<1x16xf32>
        tpu.vector_store %arg6[%swap3A_809, %swap3A_810], %swap3A_813 {strides = array<i32>} : memref<1024x64xf32, #tpu.memory_space<vmem>>, vector<1x16xf32>,
        %get3A_814 = arith.index_cast %add3A_801 : i32 to index
        %get3A_815 = arith.constant 16 : index
        %get3A_816 = tpu.vector_load %arg6[%get3A_814, %get3A_815] {strides = array<i32>} : memref<1024x64xf32, #tpu.memory_space<vmem>>, vector<1x16xf32>,
        %get3A_817 = vector.shape_cast %get3A_816 : vector<1x16xf32> to vector<16xf32>
        %mul3A_818 = arith.constant 8.000000e+00 : f32
        %mul3A_819 = vector.broadcast %mul3A_818 : f32 to vector<16xf32>
        %mul3A_820 = arith.mulf %get3A_817, %mul3A_819 : vector<16xf32>
        %swap3A_821 = arith.index_cast %add3A_801 : i32 to index
        %swap3A_822 = arith.constant 16 : index
        %swap3A_823 = tpu.vector_load %arg6[%swap3A_821, %swap3A_822] {strides = array<i32>} : memref<1024x64xf32, #tpu.memory_space<vmem>>, vector<1x16xf32>,
        %swap3A_824 = vector.shape_cast %swap3A_823 : vector<1x16xf32> to vector<16xf32>
        %swap3A_825 = vector.shape_cast %mul3A_820 : vector<16xf32> to vector<1x16xf32>
        tpu.vector_store %arg6[%swap3A_821, %swap3A_822], %swap3A_825 {strides = array<i32>} : memref<1024x64xf32, #tpu.memory_space<vmem>>, vector<1x16xf32>,
        %get3A_826 = arith.index_cast %add3A_801 : i32 to index
        %get3A_827 = arith.constant 32 : index
        %get3A_828 = tpu.vector_load %arg6[%get3A_826, %get3A_827] {strides = array<i32>} : memref<1024x64xf32, #tpu.memory_space<vmem>>, vector<1x16xf32>,
        %get3A_829 = vector.shape_cast %get3A_828 : vector<1x16xf32> to vector<16xf32>
        %mul3A_830 = arith.constant 8.000000e+00 : f32
        %mul3A_831 = vector.broadcast %mul3A_830 : f32 to vector<16xf32>
        %mul3A_832 = arith.mulf %get3A_829, %mul3A_831 : vector<16xf32>
        %swap3A_833 = arith.index_cast %add3A_801 : i32 to index
        %swap3A_834 = arith.constant 32 : index
        %swap3A_835 = tpu.vector_load %arg6[%swap3A_833, %swap3A_834] {strides = array<i32>} : memref<1024x64xf32, #tpu.memory_space<vmem>>, vector<1x16xf32>,
        %swap3A_836 = vector.shape_cast %swap3A_835 : vector<1x16xf32> to vector<16xf32>
        %swap3A_837 = vector.shape_cast %mul3A_832 : vector<16xf32> to vector<1x16xf32>
        tpu.vector_store %arg6[%swap3A_833, %swap3A_834], %swap3A_837 {strides = array<i32>} : memref<1024x64xf32, #tpu.memory_space<vmem>>, vector<1x16xf32>,
        %get3A_838 = arith.index_cast %add3A_801 : i32 to index
        %get3A_839 = arith.constant 48 : index
        %get3A_840 = tpu.vector_load %arg6[%get3A_838, %get3A_839] {strides = array<i32>} : memref<1024x64xf32, #tpu.memory_space<vmem>>, vector<1x16xf32>,
        %get3A_841 = vector.shape_cast %get3A_840 : vector<1x16xf32> to vector<16xf32>
        %mul3A_842 = arith.constant 8.000000e+00 : f32
        %mul3A_843 = vector.broadcast %mul3A_842 : f32 to vector<16xf32>
        %mul3A_844 = arith.mulf %get3A_841, %mul3A_843 : vector<16xf32>
        %swap3A_845 = arith.index_cast %add3A_801 : i32 to index
        %swap3A_846 = arith.constant 48 : index
        %swap3A_847 = tpu.vector_load %arg6[%swap3A_845, %swap3A_846] {strides = array<i32>} : memref<1024x64xf32, #tpu.memory_space<vmem>>, vector<1x16xf32>,
        %swap3A_848 = vector.shape_cast %swap3A_847 : vector<1x16xf32> to vector<16xf32>
        %swap3A_849 = vector.shape_cast %mul3A_844 : vector<16xf32> to vector<1x16xf32>
        tpu.vector_store %arg6[%swap3A_845, %swap3A_846], %swap3A_849 {strides = array<i32>} : memref<1024x64xf32, #tpu.memory_space<vmem>>, vector<1x16xf32>,
        %mul3A_850 = arith.constant 4 : i32
        %mul3A_851 = arith.muli %scan3A_689, %mul3A_850 : i32
        %add3A_852 = arith.constant 0 : i32
        %add3A_853 = arith.addi %add3A_852, %mul3A_851 : i32
        %add3A_854 = arith.constant 3 : i32
        %add3A_855 = arith.addi %add3A_853, %add3A_854 : i32
        %get3A_856 = arith.index_cast %add3A_855 : i32 to index
        %get3A_857 = arith.constant 0 : index
        %get3A_858 = tpu.vector_load %arg6[%get3A_856, %get3A_857] {strides = array<i32>} : memref<1024x64xf32, #tpu.memory_space<vmem>>, vector<1x16xf32>,
        %get3A_859 = vector.shape_cast %get3A_858 : vector<1x16xf32> to vector<16xf32>
        %mul3A_860 = arith.constant 8.000000e+00 : f32
        %mul3A_861 = vector.broadcast %mul3A_860 : f32 to vector<16xf32>
        %mul3A_862 = arith.mulf %get3A_859, %mul3A_861 : vector<16xf32>
        %swap3A_863 = arith.index_cast %add3A_855 : i32 to index
        %swap3A_864 = arith.constant 0 : index
        %swap3A_865 = tpu.vector_load %arg6[%swap3A_863, %swap3A_864] {strides = array<i32>} : memref<1024x64xf32, #tpu.memory_space<vmem>>, vector<1x16xf32>,
        %swap3A_866 = vector.shape_cast %swap3A_865 : vector<1x16xf32> to vector<16xf32>
        %swap3A_867 = vector.shape_cast %mul3A_862 : vector<16xf32> to vector<1x16xf32>
        tpu.vector_store %arg6[%swap3A_863, %swap3A_864], %swap3A_867 {strides = array<i32>} : memref<1024x64xf32, #tpu.memory_space<vmem>>, vector<1x16xf32>,
        %get3A_868 = arith.index_cast %add3A_855 : i32 to index
        %get3A_869 = arith.constant 16 : index
        %get3A_870 = tpu.vector_load %arg6[%get3A_868, %get3A_869] {strides = array<i32>} : memref<1024x64xf32, #tpu.memory_space<vmem>>, vector<1x16xf32>,
        %get3A_871 = vector.shape_cast %get3A_870 : vector<1x16xf32> to vector<16xf32>
        %mul3A_872 = arith.constant 8.000000e+00 : f32
        %mul3A_873 = vector.broadcast %mul3A_872 : f32 to vector<16xf32>
        %mul3A_874 = arith.mulf %get3A_871, %mul3A_873 : vector<16xf32>
        %swap3A_875 = arith.index_cast %add3A_855 : i32 to index
        %swap3A_876 = arith.constant 16 : index
        %swap3A_877 = tpu.vector_load %arg6[%swap3A_875, %swap3A_876] {strides = array<i32>} : memref<1024x64xf32, #tpu.memory_space<vmem>>, vector<1x16xf32>,
        %swap3A_878 = vector.shape_cast %swap3A_877 : vector<1x16xf32> to vector<16xf32>
        %swap3A_879 = vector.shape_cast %mul3A_874 : vector<16xf32> to vector<1x16xf32>
        tpu.vector_store %arg6[%swap3A_875, %swap3A_876], %swap3A_879 {strides = array<i32>} : memref<1024x64xf32, #tpu.memory_space<vmem>>, vector<1x16xf32>,
        %get3A_880 = arith.index_cast %add3A_855 : i32 to index
        %get3A_881 = arith.constant 32 : index
        %get3A_882 = tpu.vector_load %arg6[%get3A_880, %get3A_881] {strides = array<i32>} : memref<1024x64xf32, #tpu.memory_space<vmem>>, vector<1x16xf32>,
        %get3A_883 = vector.shape_cast %get3A_882 : vector<1x16xf32> to vector<16xf32>
        %mul3A_884 = arith.constant 8.000000e+00 : f32
        %mul3A_885 = vector.broadcast %mul3A_884 : f32 to vector<16xf32>
        %mul3A_886 = arith.mulf %get3A_883, %mul3A_885 : vector<16xf32>
        %swap3A_887 = arith.index_cast %add3A_855 : i32 to index
        %swap3A_888 = arith.constant 32 : index
        %swap3A_889 = tpu.vector_load %arg6[%swap3A_887, %swap3A_888] {strides = array<i32>} : memref<1024x64xf32, #tpu.memory_space<vmem>>, vector<1x16xf32>,
        %swap3A_890 = vector.shape_cast %swap3A_889 : vector<1x16xf32> to vector<16xf32>
        %swap3A_891 = vector.shape_cast %mul3A_886 : vector<16xf32> to vector<1x16xf32>
        tpu.vector_store %arg6[%swap3A_887, %swap3A_888], %swap3A_891 {strides = array<i32>} : memref<1024x64xf32, #tpu.memory_space<vmem>>, vector<1x16xf32>,
        %get3A_892 = arith.index_cast %add3A_855 : i32 to index
        %get3A_893 = arith.constant 48 : index
        %get3A_894 = tpu.vector_load %arg6[%get3A_892, %get3A_893] {strides = array<i32>} : memref<1024x64xf32, #tpu.memory_space<vmem>>, vector<1x16xf32>,
        %get3A_895 = vector.shape_cast %get3A_894 : vector<1x16xf32> to vector<16xf32>
        %mul3A_896 = arith.constant 8.000000e+00 : f32
        %mul3A_897 = vector.broadcast %mul3A_896 : f32 to vector<16xf32>
        %mul3A_898 = arith.mulf %get3A_895, %mul3A_897 : vector<16xf32>
        %swap3A_899 = arith.index_cast %add3A_855 : i32 to index
        %swap3A_900 = arith.constant 48 : index
        %swap3A_901 = tpu.vector_load %arg6[%swap3A_899, %swap3A_900] {strides = array<i32>} : memref<1024x64xf32, #tpu.memory_space<vmem>>, vector<1x16xf32>,
        %swap3A_902 = vector.shape_cast %swap3A_901 : vector<1x16xf32> to vector<16xf32>
        %swap3A_903 = vector.shape_cast %mul3A_898 : vector<16xf32> to vector<1x16xf32>
        tpu.vector_store %arg6[%swap3A_899, %swap3A_900], %swap3A_903 {strides = array<i32>} : memref<1024x64xf32, #tpu.memory_space<vmem>>, vector<1x16xf32>,
      }
      %scan3A_482 = arith.constant 128 : i32
      %mul3A_483 = arith.constant 512 : i32
      %mul3A_484 = arith.muli %add3A_446, %mul3A_483 : i32
      %add3A_485 = arith.addi %mul3A_4, %mul3A_484 : i32
      %dma_start3A_486 = arith.constant 0 : i32
      %dma_start3A_487 = arith.constant 0 : i32
      %dma_start3A_488 = tpu.memref_slice %arg6[%dma_start3A_486, %dma_start3A_487] : memref<1024x64xf32, #tpu.memory_space<vmem>> -> memref<512x64xf32, #tpu.memory_space<vmem>>
      %dma_start3A_489 = arith.constant 0 : i32
      %dma_start3A_490 = tpu.memref_slice %arg4[%add3A_485, %dma_start3A_489] : memref<3276800x64xf32, #tpu.memory_space<hbm>> -> memref<512x64xf32, #tpu.memory_space<hbm>>
      %dma_start3A_491 = arith.constant 0 : i32
      %dma_start3A_492 = tpu.memref_slice %arg4[%add3A_485, %dma_start3A_491] : memref<3276800x64xf32, #tpu.memory_space<hbm>> -> memref<512x64xf32, #tpu.memory_space<hbm>>
      %dma_start3A_493 = arith.constant 0 : i32
      %dma_start3A_494 = arith.constant 0 : i32
      %dma_start3A_495 = tpu.memref_slice %arg6[%dma_start3A_493, %dma_start3A_494] : memref<1024x64xf32, #tpu.memory_space<vmem>> -> memref<512x64xf32, #tpu.memory_space<vmem>>
      tpu.enqueue_dma source(%dma_start3A_495 : memref<512x64xf32, #tpu.memory_space<vmem>>) target(%dma_start3A_492 : memref<512x64xf32, #tpu.memory_space<hbm>>) target_semaphore(%arg9 : memref<!tpu.dma_semaphore, #tpu.memory_space<semaphore_mem>>)
      %dma_wait3A_496 = arith.constant 512 : i32
      %dma_wait3A_497 = arith.constant 0 : i32
      %dma_wait3A_498 = tpu.memref_slice %arg6[%dma_wait3A_496, %dma_wait3A_497] : memref<1024x64xf32, #tpu.memory_space<vmem>> -> memref<512x64xf32, #tpu.memory_space<vmem>>
      %dma_wait3A_499 = arith.constant 0 : i32
      %dma_wait3A_500 = arith.constant 0 : i32
      %dma_wait3A_501 = tpu.memref_slice %arg4[%dma_wait3A_499, %dma_wait3A_500] : memref<3276800x64xf32, #tpu.memory_space<hbm>> -> memref<512x64xf32, #tpu.memory_space<hbm>>
      %dma_wait3A_502 = arith.constant 0 : i32
      %dma_wait3A_503 = arith.constant 0 : i32
      %dma_wait3A_504 = tpu.memref_slice %arg4[%dma_wait3A_502, %dma_wait3A_503] : memref<3276800x64xf32, #tpu.memory_space<hbm>> -> memref<512x64xf32, #tpu.memory_space<hbm>>
      %dma_wait3A_505 = arith.constant 512 : i32
      %dma_wait3A_506 = arith.constant 0 : i32
      %dma_wait3A_507 = tpu.memref_slice %arg6[%dma_wait3A_505, %dma_wait3A_506] : memref<1024x64xf32, #tpu.memory_space<vmem>> -> memref<512x64xf32, #tpu.memory_space<vmem>>
      tpu.wait_dma2 semaphore(%arg10 : memref<!tpu.dma_semaphore, #tpu.memory_space<semaphore_mem>>) src(%dma_wait3A_507 : memref<512x64xf32, #tpu.memory_space<vmem>>) dst(%dma_wait3A_504 : memref<512x64xf32, #tpu.memory_space<hbm>>)
      %dma_wait3A_508 = arith.constant 1 : i32
      %dma_wait3A_509 = arith.constant 0 : i32
      %dma_wait3A_510 = arith.constant 0 : i32
      %dma_wait3A_511 = tpu.memref_slice %arg5[%dma_wait3A_508, %dma_wait3A_509, %dma_wait3A_510] : memref<2x4x128xi32, #tpu.memory_space<vmem>> -> memref<1x4x128xi32, #tpu.memory_space<vmem>>
      %dma_wait3A_512 = tpu.memref_squeeze %dma_wait3A_511 : memref<1x4x128xi32, #tpu.memory_space<vmem>> -> memref<4x128xi32, #tpu.memory_space<vmem>>
      %dma_wait3A_513 = arith.constant 0 : i32
      %dma_wait3A_514 = arith.constant 0 : i32
      %dma_wait3A_515 = tpu.memref_slice %arg2[%dma_wait3A_513, %dma_wait3A_514] : memref<25600x128xi32, #tpu.memory_space<hbm>> -> memref<4x128xi32, #tpu.memory_space<hbm>>
      %dma_wait3A_516 = arith.constant 0 : i32
      %dma_wait3A_517 = arith.constant 0 : i32
      %dma_wait3A_518 = tpu.memref_slice %arg5[%dma_wait3A_508, %dma_wait3A_516, %dma_wait3A_517] : memref<2x4x128xi32, #tpu.memory_space<vmem>> -> memref<1x4x128xi32, #tpu.memory_space<vmem>>
      %dma_wait3A_519 = tpu.memref_squeeze %dma_wait3A_518 : memref<1x4x128xi32, #tpu.memory_space<vmem>> -> memref<4x128xi32, #tpu.memory_space<vmem>>
      %dma_wait3A_520 = arith.constant 0 : i32
      %dma_wait3A_521 = arith.constant 0 : i32
      %dma_wait3A_522 = tpu.memref_slice %arg2[%dma_wait3A_520, %dma_wait3A_521] : memref<25600x128xi32, #tpu.memory_space<hbm>> -> memref<4x128xi32, #tpu.memory_space<hbm>>
      tpu.wait_dma2 semaphore(%arg12 : memref<!tpu.dma_semaphore, #tpu.memory_space<semaphore_mem>>) src(%dma_wait3A_522 : memref<4x128xi32, #tpu.memory_space<hbm>>) dst(%dma_wait3A_519 : memref<4x128xi32, #tpu.memory_space<vmem>>)
      %dma_start3A_523 = arith.constant 1 : i32
      %dma_start3A_524 = arith.constant 0 : i32
      %dma_start3A_525 = arith.constant 512 : i32
      %dma_start3A_526 = arith.constant 0 : i32
      %dma_start3A_527 = tpu.memref_slice %arg6[%dma_start3A_525, %dma_start3A_526] : memref<1024x64xf32, #tpu.memory_space<vmem>> -> memref<128x64xf32, #tpu.memory_space<vmem>>
      %dma_start3A_528 = arith.constant 0 : i32
      %dma_start3A_529 = tpu.memref_slice %arg5[%dma_start3A_523, %dma_start3A_524, %dma_start3A_528] : memref<2x4x128xi32, #tpu.memory_space<vmem>> -> memref<1x1x128xi32, #tpu.memory_space<vmem>>
      %dma_start3A_530 = tpu.memref_squeeze %dma_start3A_529 : memref<1x1x128xi32, #tpu.memory_space<vmem>> -> memref<128xi32, #tpu.memory_space<vmem>>
      %dma_start3A_531 = arith.constant 0 : i32
      %dma_start3A_532 = arith.constant 0 : i32
      %dma_start3A_533 = tpu.memref_slice %arg3[%dma_start3A_531, %dma_start3A_532] : memref<1000000x64xf32, #tpu.memory_space<hbm>> -> memref<1000000x64xf32, #tpu.memory_space<hbm>>
      tpu.enqueue_indirect_dma source(%dma_start3A_533 : memref<1000000x64xf32, #tpu.memory_space<hbm>>) target(%dma_start3A_527 : memref<128x64xf32, #tpu.memory_space<vmem>>) offsets(%dma_start3A_530 : memref<128xi32, #tpu.memory_space<vmem>>) semaphore(%arg8 : memref<!tpu.dma_semaphore, #tpu.memory_space<semaphore_mem>>)
      %dma_start3A_534 = arith.constant 1 : i32
      %dma_start3A_535 = arith.constant 1 : i32
      %dma_start3A_536 = arith.constant 640 : i32
      %dma_start3A_537 = arith.constant 0 : i32
      %dma_start3A_538 = tpu.memref_slice %arg6[%dma_start3A_536, %dma_start3A_537] : memref<1024x64xf32, #tpu.memory_space<vmem>> -> memref<128x64xf32, #tpu.memory_space<vmem>>
      %dma_start3A_539 = arith.constant 0 : i32
      %dma_start3A_540 = tpu.memref_slice %arg5[%dma_start3A_534, %dma_start3A_535, %dma_start3A_539] : memref<2x4x128xi32, #tpu.memory_space<vmem>> -> memref<1x1x128xi32, #tpu.memory_space<vmem>>
      %dma_start3A_541 = tpu.memref_squeeze %dma_start3A_540 : memref<1x1x128xi32, #tpu.memory_space<vmem>> -> memref<128xi32, #tpu.memory_space<vmem>>
      %dma_start3A_542 = arith.constant 0 : i32
      %dma_start3A_543 = arith.constant 0 : i32
      %dma_start3A_544 = tpu.memref_slice %arg3[%dma_start3A_542, %dma_start3A_543] : memref<1000000x64xf32, #tpu.memory_space<hbm>> -> memref<1000000x64xf32, #tpu.memory_space<hbm>>
      tpu.enqueue_indirect_dma source(%dma_start3A_544 : memref<1000000x64xf32, #tpu.memory_space<hbm>>) target(%dma_start3A_538 : memref<128x64xf32, #tpu.memory_space<vmem>>) offsets(%dma_start3A_541 : memref<128xi32, #tpu.memory_space<vmem>>) semaphore(%arg8 : memref<!tpu.dma_semaphore, #tpu.memory_space<semaphore_mem>>)
      %dma_start3A_545 = arith.constant 1 : i32
      %dma_start3A_546 = arith.constant 2 : i32
      %dma_start3A_547 = arith.constant 768 : i32
      %dma_start3A_548 = arith.constant 0 : i32
      %dma_start3A_549 = tpu.memref_slice %arg6[%dma_start3A_547, %dma_start3A_548] : memref<1024x64xf32, #tpu.memory_space<vmem>> -> memref<128x64xf32, #tpu.memory_space<vmem>>
      %dma_start3A_550 = arith.constant 0 : i32
      %dma_start3A_551 = tpu.memref_slice %arg5[%dma_start3A_545, %dma_start3A_546, %dma_start3A_550] : memref<2x4x128xi32, #tpu.memory_space<vmem>> -> memref<1x1x128xi32, #tpu.memory_space<vmem>>
      %dma_start3A_552 = tpu.memref_squeeze %dma_start3A_551 : memref<1x1x128xi32, #tpu.memory_space<vmem>> -> memref<128xi32, #tpu.memory_space<vmem>>
      %dma_start3A_553 = arith.constant 0 : i32
      %dma_start3A_554 = arith.constant 0 : i32
      %dma_start3A_555 = tpu.memref_slice %arg3[%dma_start3A_553, %dma_start3A_554] : memref<1000000x64xf32, #tpu.memory_space<hbm>> -> memref<1000000x64xf32, #tpu.memory_space<hbm>>
      tpu.enqueue_indirect_dma source(%dma_start3A_555 : memref<1000000x64xf32, #tpu.memory_space<hbm>>) target(%dma_start3A_549 : memref<128x64xf32, #tpu.memory_space<vmem>>) offsets(%dma_start3A_552 : memref<128xi32, #tpu.memory_space<vmem>>) semaphore(%arg8 : memref<!tpu.dma_semaphore, #tpu.memory_space<semaphore_mem>>)
      %dma_start3A_556 = arith.constant 1 : i32
      %dma_start3A_557 = arith.constant 3 : i32
      %dma_start3A_558 = arith.constant 896 : i32
      %dma_start3A_559 = arith.constant 0 : i32
      %dma_start3A_560 = tpu.memref_slice %arg6[%dma_start3A_558, %dma_start3A_559] : memref<1024x64xf32, #tpu.memory_space<vmem>> -> memref<128x64xf32, #tpu.memory_space<vmem>>
      %dma_start3A_561 = arith.constant 0 : i32
      %dma_start3A_562 = tpu.memref_slice %arg5[%dma_start3A_556, %dma_start3A_557, %dma_start3A_561] : memref<2x4x128xi32, #tpu.memory_space<vmem>> -> memref<1x1x128xi32, #tpu.memory_space<vmem>>
      %dma_start3A_563 = tpu.memref_squeeze %dma_start3A_562 : memref<1x1x128xi32, #tpu.memory_space<vmem>> -> memref<128xi32, #tpu.memory_space<vmem>>
      %dma_start3A_564 = arith.constant 0 : i32
      %dma_start3A_565 = arith.constant 0 : i32
      %dma_start3A_566 = tpu.memref_slice %arg3[%dma_start3A_564, %dma_start3A_565] : memref<1000000x64xf32, #tpu.memory_space<hbm>> -> memref<1000000x64xf32, #tpu.memory_space<hbm>>
      tpu.enqueue_indirect_dma source(%dma_start3A_566 : memref<1000000x64xf32, #tpu.memory_space<hbm>>) target(%dma_start3A_560 : memref<128x64xf32, #tpu.memory_space<vmem>>) offsets(%dma_start3A_563 : memref<128xi32, #tpu.memory_space<vmem>>) semaphore(%arg8 : memref<!tpu.dma_semaphore, #tpu.memory_space<semaphore_mem>>)
      %add3A_567 = arith.constant 1 : i32
      %add3A_568 = arith.addi %mul3A_444, %add3A_567 : i32
      %dma_wait3A_569 = arith.constant 512 : i32
      %dma_wait3A_570 = arith.constant 0 : i32
      %dma_wait3A_571 = tpu.memref_slice %arg6[%dma_wait3A_569, %dma_wait3A_570] : memref<1024x64xf32, #tpu.memory_space<vmem>> -> memref<512x64xf32, #tpu.memory_space<vmem>>
      %dma_wait3A_572 = arith.constant 0 : i32
      %dma_wait3A_573 = arith.constant 0 : i32
      %dma_wait3A_574 = tpu.memref_slice %arg3[%dma_wait3A_572, %dma_wait3A_573] : memref<1000000x64xf32, #tpu.memory_space<hbm>> -> memref<512x64xf32, #tpu.memory_space<hbm>>
      %dma_wait3A_575 = arith.constant 512 : i32
      %dma_wait3A_576 = arith.constant 0 : i32
      %dma_wait3A_577 = tpu.memref_slice %arg6[%dma_wait3A_575, %dma_wait3A_576] : memref<1024x64xf32, #tpu.memory_space<vmem>> -> memref<512x64xf32, #tpu.memory_space<vmem>>
      %dma_wait3A_578 = arith.constant 0 : i32
      %dma_wait3A_579 = arith.constant 0 : i32
      %dma_wait3A_580 = tpu.memref_slice %arg3[%dma_wait3A_578, %dma_wait3A_579] : memref<1000000x64xf32, #tpu.memory_space<hbm>> -> memref<512x64xf32, #tpu.memory_space<hbm>>
      tpu.wait_dma2 semaphore(%arg8 : memref<!tpu.dma_semaphore, #tpu.memory_space<semaphore_mem>>) src(%dma_wait3A_580 : memref<512x64xf32, #tpu.memory_space<hbm>>) dst(%dma_wait3A_577 : memref<512x64xf32, #tpu.memory_space<vmem>>)
      %add3A_581 = arith.constant 2 : i32
      %add3A_582 = arith.addi %add3A_568, %add3A_581 : i32
      %mul3A_583 = arith.constant 4 : i32
      %mul3A_584 = arith.muli %add3A_582, %mul3A_583 : i32
      %add3A_585 = arith.addi %mul3A_2, %mul3A_584 : i32
      %dma_start3A_586 = arith.constant 1 : i32
      %dma_start3A_587 = arith.constant 0 : i32
      %dma_start3A_588 = arith.constant 0 : i32
      %dma_start3A_589 = tpu.memref_slice %arg5[%dma_start3A_586, %dma_start3A_587, %dma_start3A_588] : memref<2x4x128xi32, #tpu.memory_space<vmem>> -> memref<1x4x128xi32, #tpu.memory_space<vmem>>
      %dma_start3A_590 = tpu.memref_squeeze %dma_start3A_589 : memref<1x4x128xi32, #tpu.memory_space<vmem>> -> memref<4x128xi32, #tpu.memory_space<vmem>>
      %dma_start3A_591 = arith.constant 0 : i32
      %dma_start3A_592 = tpu.memref_slice %arg2[%add3A_585, %dma_start3A_591] : memref<25600x128xi32, #tpu.memory_space<hbm>> -> memref<4x128xi32, #tpu.memory_space<hbm>>
      %dma_start3A_593 = arith.constant 0 : i32
      %dma_start3A_594 = arith.constant 0 : i32
      %dma_start3A_595 = tpu.memref_slice %arg5[%dma_start3A_586, %dma_start3A_593, %dma_start3A_594] : memref<2x4x128xi32, #tpu.memory_space<vmem>> -> memref<1x4x128xi32, #tpu.memory_space<vmem>>
      %dma_start3A_596 = tpu.memref_squeeze %dma_start3A_595 : memref<1x4x128xi32, #tpu.memory_space<vmem>> -> memref<4x128xi32, #tpu.memory_space<vmem>>
      %dma_start3A_597 = arith.constant 0 : i32
      %dma_start3A_598 = tpu.memref_slice %arg2[%add3A_585, %dma_start3A_597] : memref<25600x128xi32, #tpu.memory_space<hbm>> -> memref<4x128xi32, #tpu.memory_space<hbm>>
      tpu.enqueue_dma source(%dma_start3A_598 : memref<4x128xi32, #tpu.memory_space<hbm>>) target(%dma_start3A_596 : memref<4x128xi32, #tpu.memory_space<vmem>>) target_semaphore(%arg12 : memref<!tpu.dma_semaphore, #tpu.memory_space<semaphore_mem>>)
      %scan3A_599 = arith.constant 0 : i32
      %scan3A_600 = arith.constant 0 : i32
      %scan3A_601 = arith.constant 128 : i32
      %scan3A_602 = arith.addi %scan3A_600, %scan3A_601 : i32
      %scan3A_603 = arith.constant 1 : i32
      scf.for %scan3A_689 = %scan3A_600 to %scan3A_602 step %scan3A_603  : i32 {
        %mul3A_690 = arith.constant 4 : i32
        %mul3A_691 = arith.muli %scan3A_689, %mul3A_690 : i32
        %add3A_692 = arith.constant 512 : i32
        %add3A_693 = arith.addi %add3A_692, %mul3A_691 : i32
        %add3A_694 = arith.constant 0 : i32
        %add3A_695 = arith.addi %add3A_693, %add3A_694 : i32
        %get3A = arith.index_cast %add3A_695 : i32 to index
        %get3A_696 = arith.constant 0 : index
        %get3A_697 = tpu.vector_load %arg6[%get3A, %get3A_696] {strides = array<i32>} : memref<1024x64xf32, #tpu.memory_space<vmem>>, vector<1x16xf32>,
        %get3A_698 = vector.shape_cast %get3A_697 : vector<1x16xf32> to vector<16xf32>
        %mul3A_699 = arith.constant 8.000000e+00 : f32
        %mul3A_700 = vector.broadcast %mul3A_699 : f32 to vector<16xf32>
        %mul3A_701 = arith.mulf %get3A_698, %mul3A_700 : vector<16xf32>
        %swap3A = arith.index_cast %add3A_695 : i32 to index
        %swap3A_702 = arith.constant 0 : index
        %swap3A_703 = tpu.vector_load %arg6[%swap3A, %swap3A_702] {strides = array<i32>} : memref<1024x64xf32, #tpu.memory_space<vmem>>, vector<1x16xf32>,
        %swap3A_704 = vector.shape_cast %swap3A_703 : vector<1x16xf32> to vector<16xf32>
        %swap3A_705 = vector.shape_cast %mul3A_701 : vector<16xf32> to vector<1x16xf32>
        tpu.vector_store %arg6[%swap3A, %swap3A_702], %swap3A_705 {strides = array<i32>} : memref<1024x64xf32, #tpu.memory_space<vmem>>, vector<1x16xf32>,
        %get3A_706 = arith.index_cast %add3A_695 : i32 to index
        %get3A_707 = arith.constant 16 : index
        %get3A_708 = tpu.vector_load %arg6[%get3A_706, %get3A_707] {strides = array<i32>} : memref<1024x64xf32, #tpu.memory_space<vmem>>, vector<1x16xf32>,
        %get3A_709 = vector.shape_cast %get3A_708 : vector<1x16xf32> to vector<16xf32>
        %mul3A_710 = arith.constant 8.000000e+00 : f32
        %mul3A_711 = vector.broadcast %mul3A_710 : f32 to vector<16xf32>
        %mul3A_712 = arith.mulf %get3A_709, %mul3A_711 : vector<16xf32>
        %swap3A_713 = arith.index_cast %add3A_695 : i32 to index
        %swap3A_714 = arith.constant 16 : index
        %swap3A_715 = tpu.vector_load %arg6[%swap3A_713, %swap3A_714] {strides = array<i32>} : memref<1024x64xf32, #tpu.memory_space<vmem>>, vector<1x16xf32>,
        %swap3A_716 = vector.shape_cast %swap3A_715 : vector<1x16xf32> to vector<16xf32>
        %swap3A_717 = vector.shape_cast %mul3A_712 : vector<16xf32> to vector<1x16xf32>
        tpu.vector_store %arg6[%swap3A_713, %swap3A_714], %swap3A_717 {strides = array<i32>} : memref<1024x64xf32, #tpu.memory_space<vmem>>, vector<1x16xf32>,
        %get3A_718 = arith.index_cast %add3A_695 : i32 to index
        %get3A_719 = arith.constant 32 : index
        %get3A_720 = tpu.vector_load %arg6[%get3A_718, %get3A_719] {strides = array<i32>} : memref<1024x64xf32, #tpu.memory_space<vmem>>, vector<1x16xf32>,
        %get3A_721 = vector.shape_cast %get3A_720 : vector<1x16xf32> to vector<16xf32>
        %mul3A_722 = arith.constant 8.000000e+00 : f32
        %mul3A_723 = vector.broadcast %mul3A_722 : f32 to vector<16xf32>
        %mul3A_724 = arith.mulf %get3A_721, %mul3A_723 : vector<16xf32>
        %swap3A_725 = arith.index_cast %add3A_695 : i32 to index
        %swap3A_726 = arith.constant 32 : index
        %swap3A_727 = tpu.vector_load %arg6[%swap3A_725, %swap3A_726] {strides = array<i32>} : memref<1024x64xf32, #tpu.memory_space<vmem>>, vector<1x16xf32>,
        %swap3A_728 = vector.shape_cast %swap3A_727 : vector<1x16xf32> to vector<16xf32>
        %swap3A_729 = vector.shape_cast %mul3A_724 : vector<16xf32> to vector<1x16xf32>
        tpu.vector_store %arg6[%swap3A_725, %swap3A_726], %swap3A_729 {strides = array<i32>} : memref<1024x64xf32, #tpu.memory_space<vmem>>, vector<1x16xf32>,
        %get3A_730 = arith.index_cast %add3A_695 : i32 to index
        %get3A_731 = arith.constant 48 : index
        %get3A_732 = tpu.vector_load %arg6[%get3A_730, %get3A_731] {strides = array<i32>} : memref<1024x64xf32, #tpu.memory_space<vmem>>, vector<1x16xf32>,
        %get3A_733 = vector.shape_cast %get3A_732 : vector<1x16xf32> to vector<16xf32>
        %mul3A_734 = arith.constant 8.000000e+00 : f32
        %mul3A_735 = vector.broadcast %mul3A_734 : f32 to vector<16xf32>
        %mul3A_736 = arith.mulf %get3A_733, %mul3A_735 : vector<16xf32>
        %swap3A_737 = arith.index_cast %add3A_695 : i32 to index
        %swap3A_738 = arith.constant 48 : index
        %swap3A_739 = tpu.vector_load %arg6[%swap3A_737, %swap3A_738] {strides = array<i32>} : memref<1024x64xf32, #tpu.memory_space<vmem>>, vector<1x16xf32>,
        %swap3A_740 = vector.shape_cast %swap3A_739 : vector<1x16xf32> to vector<16xf32>
        %swap3A_741 = vector.shape_cast %mul3A_736 : vector<16xf32> to vector<1x16xf32>
        tpu.vector_store %arg6[%swap3A_737, %swap3A_738], %swap3A_741 {strides = array<i32>} : memref<1024x64xf32, #tpu.memory_space<vmem>>, vector<1x16xf32>,
        %mul3A_742 = arith.constant 4 : i32
        %mul3A_743 = arith.muli %scan3A_689, %mul3A_742 : i32
        %add3A_744 = arith.constant 512 : i32
        %add3A_745 = arith.addi %add3A_744, %mul3A_743 : i32
        %add3A_746 = arith.constant 1 : i32
        %add3A_747 = arith.addi %add3A_745, %add3A_746 : i32
        %get3A_748 = arith.index_cast %add3A_747 : i32 to index
        %get3A_749 = arith.constant 0 : index
        %get3A_750 = tpu.vector_load %arg6[%get3A_748, %get3A_749] {strides = array<i32>} : memref<1024x64xf32, #tpu.memory_space<vmem>>, vector<1x16xf32>,
        %get3A_751 = vector.shape_cast %get3A_750 : vector<1x16xf32> to vector<16xf32>
        %mul3A_752 = arith.constant 8.000000e+00 : f32
        %mul3A_753 = vector.broadcast %mul3A_752 : f32 to vector<16xf32>
        %mul3A_754 = arith.mulf %get3A_751, %mul3A_753 : vector<16xf32>
        %swap3A_755 = arith.index_cast %add3A_747 : i32 to index
        %swap3A_756 = arith.constant 0 : index
        %swap3A_757 = tpu.vector_load %arg6[%swap3A_755, %swap3A_756] {strides = array<i32>} : memref<1024x64xf32, #tpu.memory_space<vmem>>, vector<1x16xf32>,
        %swap3A_758 = vector.shape_cast %swap3A_757 : vector<1x16xf32> to vector<16xf32>
        %swap3A_759 = vector.shape_cast %mul3A_754 : vector<16xf32> to vector<1x16xf32>
        tpu.vector_store %arg6[%swap3A_755, %swap3A_756], %swap3A_759 {strides = array<i32>} : memref<1024x64xf32, #tpu.memory_space<vmem>>, vector<1x16xf32>,
        %get3A_760 = arith.index_cast %add3A_747 : i32 to index
        %get3A_761 = arith.constant 16 : index
        %get3A_762 = tpu.vector_load %arg6[%get3A_760, %get3A_761] {strides = array<i32>} : memref<1024x64xf32, #tpu.memory_space<vmem>>, vector<1x16xf32>,
        %get3A_763 = vector.shape_cast %get3A_762 : vector<1x16xf32> to vector<16xf32>
        %mul3A_764 = arith.constant 8.000000e+00 : f32
        %mul3A_765 = vector.broadcast %mul3A_764 : f32 to vector<16xf32>
        %mul3A_766 = arith.mulf %get3A_763, %mul3A_765 : vector<16xf32>
        %swap3A_767 = arith.index_cast %add3A_747 : i32 to index
        %swap3A_768 = arith.constant 16 : index
        %swap3A_769 = tpu.vector_load %arg6[%swap3A_767, %swap3A_768] {strides = array<i32>} : memref<1024x64xf32, #tpu.memory_space<vmem>>, vector<1x16xf32>,
        %swap3A_770 = vector.shape_cast %swap3A_769 : vector<1x16xf32> to vector<16xf32>
        %swap3A_771 = vector.shape_cast %mul3A_766 : vector<16xf32> to vector<1x16xf32>
        tpu.vector_store %arg6[%swap3A_767, %swap3A_768], %swap3A_771 {strides = array<i32>} : memref<1024x64xf32, #tpu.memory_space<vmem>>, vector<1x16xf32>,
        %get3A_772 = arith.index_cast %add3A_747 : i32 to index
        %get3A_773 = arith.constant 32 : index
        %get3A_774 = tpu.vector_load %arg6[%get3A_772, %get3A_773] {strides = array<i32>} : memref<1024x64xf32, #tpu.memory_space<vmem>>, vector<1x16xf32>,
        %get3A_775 = vector.shape_cast %get3A_774 : vector<1x16xf32> to vector<16xf32>
        %mul3A_776 = arith.constant 8.000000e+00 : f32
        %mul3A_777 = vector.broadcast %mul3A_776 : f32 to vector<16xf32>
        %mul3A_778 = arith.mulf %get3A_775, %mul3A_777 : vector<16xf32>
        %swap3A_779 = arith.index_cast %add3A_747 : i32 to index
        %swap3A_780 = arith.constant 32 : index
        %swap3A_781 = tpu.vector_load %arg6[%swap3A_779, %swap3A_780] {strides = array<i32>} : memref<1024x64xf32, #tpu.memory_space<vmem>>, vector<1x16xf32>,
        %swap3A_782 = vector.shape_cast %swap3A_781 : vector<1x16xf32> to vector<16xf32>
        %swap3A_783 = vector.shape_cast %mul3A_778 : vector<16xf32> to vector<1x16xf32>
        tpu.vector_store %arg6[%swap3A_779, %swap3A_780], %swap3A_783 {strides = array<i32>} : memref<1024x64xf32, #tpu.memory_space<vmem>>, vector<1x16xf32>,
        %get3A_784 = arith.index_cast %add3A_747 : i32 to index
        %get3A_785 = arith.constant 48 : index
        %get3A_786 = tpu.vector_load %arg6[%get3A_784, %get3A_785] {strides = array<i32>} : memref<1024x64xf32, #tpu.memory_space<vmem>>, vector<1x16xf32>,
        %get3A_787 = vector.shape_cast %get3A_786 : vector<1x16xf32> to vector<16xf32>
        %mul3A_788 = arith.constant 8.000000e+00 : f32
        %mul3A_789 = vector.broadcast %mul3A_788 : f32 to vector<16xf32>
        %mul3A_790 = arith.mulf %get3A_787, %mul3A_789 : vector<16xf32>
        %swap3A_791 = arith.index_cast %add3A_747 : i32 to index
        %swap3A_792 = arith.constant 48 : index
        %swap3A_793 = tpu.vector_load %arg6[%swap3A_791, %swap3A_792] {strides = array<i32>} : memref<1024x64xf32, #tpu.memory_space<vmem>>, vector<1x16xf32>,
        %swap3A_794 = vector.shape_cast %swap3A_793 : vector<1x16xf32> to vector<16xf32>
        %swap3A_795 = vector.shape_cast %mul3A_790 : vector<16xf32> to vector<1x16xf32>
        tpu.vector_store %arg6[%swap3A_791, %swap3A_792], %swap3A_795 {strides = array<i32>} : memref<1024x64xf32, #tpu.memory_space<vmem>>, vector<1x16xf32>,
        %mul3A_796 = arith.constant 4 : i32
        %mul3A_797 = arith.muli %scan3A_689, %mul3A_796 : i32
        %add3A_798 = arith.constant 512 : i32
        %add3A_799 = arith.addi %add3A_798, %mul3A_797 : i32
        %add3A_800 = arith.constant 2 : i32
        %add3A_801 = arith.addi %add3A_799, %add3A_800 : i32
        %get3A_802 = arith.index_cast %add3A_801 : i32 to index
        %get3A_803 = arith.constant 0 : index
        %get3A_804 = tpu.vector_load %arg6[%get3A_802, %get3A_803] {strides = array<i32>} : memref<1024x64xf32, #tpu.memory_space<vmem>>, vector<1x16xf32>,
        %get3A_805 = vector.shape_cast %get3A_804 : vector<1x16xf32> to vector<16xf32>
        %mul3A_806 = arith.constant 8.000000e+00 : f32
        %mul3A_807 = vector.broadcast %mul3A_806 : f32 to vector<16xf32>
        %mul3A_808 = arith.mulf %get3A_805, %mul3A_807 : vector<16xf32>
        %swap3A_809 = arith.index_cast %add3A_801 : i32 to index
        %swap3A_810 = arith.constant 0 : index
        %swap3A_811 = tpu.vector_load %arg6[%swap3A_809, %swap3A_810] {strides = array<i32>} : memref<1024x64xf32, #tpu.memory_space<vmem>>, vector<1x16xf32>,
        %swap3A_812 = vector.shape_cast %swap3A_811 : vector<1x16xf32> to vector<16xf32>
        %swap3A_813 = vector.shape_cast %mul3A_808 : vector<16xf32> to vector<1x16xf32>
        tpu.vector_store %arg6[%swap3A_809, %swap3A_810], %swap3A_813 {strides = array<i32>} : memref<1024x64xf32, #tpu.memory_space<vmem>>, vector<1x16xf32>,
        %get3A_814 = arith.index_cast %add3A_801 : i32 to index
        %get3A_815 = arith.constant 16 : index
        %get3A_816 = tpu.vector_load %arg6[%get3A_814, %get3A_815] {strides = array<i32>} : memref<1024x64xf32, #tpu.memory_space<vmem>>, vector<1x16xf32>,
        %get3A_817 = vector.shape_cast %get3A_816 : vector<1x16xf32> to vector<16xf32>
        %mul3A_818 = arith.constant 8.000000e+00 : f32
        %mul3A_819 = vector.broadcast %mul3A_818 : f32 to vector<16xf32>
        %mul3A_820 = arith.mulf %get3A_817, %mul3A_819 : vector<16xf32>
        %swap3A_821 = arith.index_cast %add3A_801 : i32 to index
        %swap3A_822 = arith.constant 16 : index
        %swap3A_823 = tpu.vector_load %arg6[%swap3A_821, %swap3A_822] {strides = array<i32>} : memref<1024x64xf32, #tpu.memory_space<vmem>>, vector<1x16xf32>,
        %swap3A_824 = vector.shape_cast %swap3A_823 : vector<1x16xf32> to vector<16xf32>
        %swap3A_825 = vector.shape_cast %mul3A_820 : vector<16xf32> to vector<1x16xf32>
        tpu.vector_store %arg6[%swap3A_821, %swap3A_822], %swap3A_825 {strides = array<i32>} : memref<1024x64xf32, #tpu.memory_space<vmem>>, vector<1x16xf32>,
        %get3A_826 = arith.index_cast %add3A_801 : i32 to index
        %get3A_827 = arith.constant 32 : index
        %get3A_828 = tpu.vector_load %arg6[%get3A_826, %get3A_827] {strides = array<i32>} : memref<1024x64xf32, #tpu.memory_space<vmem>>, vector<1x16xf32>,
        %get3A_829 = vector.shape_cast %get3A_828 : vector<1x16xf32> to vector<16xf32>
        %mul3A_830 = arith.constant 8.000000e+00 : f32
        %mul3A_831 = vector.broadcast %mul3A_830 : f32 to vector<16xf32>
        %mul3A_832 = arith.mulf %get3A_829, %mul3A_831 : vector<16xf32>
        %swap3A_833 = arith.index_cast %add3A_801 : i32 to index
        %swap3A_834 = arith.constant 32 : index
        %swap3A_835 = tpu.vector_load %arg6[%swap3A_833, %swap3A_834] {strides = array<i32>} : memref<1024x64xf32, #tpu.memory_space<vmem>>, vector<1x16xf32>,
        %swap3A_836 = vector.shape_cast %swap3A_835 : vector<1x16xf32> to vector<16xf32>
        %swap3A_837 = vector.shape_cast %mul3A_832 : vector<16xf32> to vector<1x16xf32>
        tpu.vector_store %arg6[%swap3A_833, %swap3A_834], %swap3A_837 {strides = array<i32>} : memref<1024x64xf32, #tpu.memory_space<vmem>>, vector<1x16xf32>,
        %get3A_838 = arith.index_cast %add3A_801 : i32 to index
        %get3A_839 = arith.constant 48 : index
        %get3A_840 = tpu.vector_load %arg6[%get3A_838, %get3A_839] {strides = array<i32>} : memref<1024x64xf32, #tpu.memory_space<vmem>>, vector<1x16xf32>,
        %get3A_841 = vector.shape_cast %get3A_840 : vector<1x16xf32> to vector<16xf32>
        %mul3A_842 = arith.constant 8.000000e+00 : f32
        %mul3A_843 = vector.broadcast %mul3A_842 : f32 to vector<16xf32>
        %mul3A_844 = arith.mulf %get3A_841, %mul3A_843 : vector<16xf32>
        %swap3A_845 = arith.index_cast %add3A_801 : i32 to index
        %swap3A_846 = arith.constant 48 : index
        %swap3A_847 = tpu.vector_load %arg6[%swap3A_845, %swap3A_846] {strides = array<i32>} : memref<1024x64xf32, #tpu.memory_space<vmem>>, vector<1x16xf32>,
        %swap3A_848 = vector.shape_cast %swap3A_847 : vector<1x16xf32> to vector<16xf32>
        %swap3A_849 = vector.shape_cast %mul3A_844 : vector<16xf32> to vector<1x16xf32>
        tpu.vector_store %arg6[%swap3A_845, %swap3A_846], %swap3A_849 {strides = array<i32>} : memref<1024x64xf32, #tpu.memory_space<vmem>>, vector<1x16xf32>,
        %mul3A_850 = arith.constant 4 : i32
        %mul3A_851 = arith.muli %scan3A_689, %mul3A_850 : i32
        %add3A_852 = arith.constant 512 : i32
        %add3A_853 = arith.addi %add3A_852, %mul3A_851 : i32
        %add3A_854 = arith.constant 3 : i32
        %add3A_855 = arith.addi %add3A_853, %add3A_854 : i32
        %get3A_856 = arith.index_cast %add3A_855 : i32 to index
        %get3A_857 = arith.constant 0 : index
        %get3A_858 = tpu.vector_load %arg6[%get3A_856, %get3A_857] {strides = array<i32>} : memref<1024x64xf32, #tpu.memory_space<vmem>>, vector<1x16xf32>,
        %get3A_859 = vector.shape_cast %get3A_858 : vector<1x16xf32> to vector<16xf32>
        %mul3A_860 = arith.constant 8.000000e+00 : f32
        %mul3A_861 = vector.broadcast %mul3A_860 : f32 to vector<16xf32>
        %mul3A_862 = arith.mulf %get3A_859, %mul3A_861 : vector<16xf32>
        %swap3A_863 = arith.index_cast %add3A_855 : i32 to index
        %swap3A_864 = arith.constant 0 : index
        %swap3A_865 = tpu.vector_load %arg6[%swap3A_863, %swap3A_864] {strides = array<i32>} : memref<1024x64xf32, #tpu.memory_space<vmem>>, vector<1x16xf32>,
        %swap3A_866 = vector.shape_cast %swap3A_865 : vector<1x16xf32> to vector<16xf32>
        %swap3A_867 = vector.shape_cast %mul3A_862 : vector<16xf32> to vector<1x16xf32>
        tpu.vector_store %arg6[%swap3A_863, %swap3A_864], %swap3A_867 {strides = array<i32>} : memref<1024x64xf32, #tpu.memory_space<vmem>>, vector<1x16xf32>,
        %get3A_868 = arith.index_cast %add3A_855 : i32 to index
        %get3A_869 = arith.constant 16 : index
        %get3A_870 = tpu.vector_load %arg6[%get3A_868, %get3A_869] {strides = array<i32>} : memref<1024x64xf32, #tpu.memory_space<vmem>>, vector<1x16xf32>,
        %get3A_871 = vector.shape_cast %get3A_870 : vector<1x16xf32> to vector<16xf32>
        %mul3A_872 = arith.constant 8.000000e+00 : f32
        %mul3A_873 = vector.broadcast %mul3A_872 : f32 to vector<16xf32>
        %mul3A_874 = arith.mulf %get3A_871, %mul3A_873 : vector<16xf32>
        %swap3A_875 = arith.index_cast %add3A_855 : i32 to index
        %swap3A_876 = arith.constant 16 : index
        %swap3A_877 = tpu.vector_load %arg6[%swap3A_875, %swap3A_876] {strides = array<i32>} : memref<1024x64xf32, #tpu.memory_space<vmem>>, vector<1x16xf32>,
        %swap3A_878 = vector.shape_cast %swap3A_877 : vector<1x16xf32> to vector<16xf32>
        %swap3A_879 = vector.shape_cast %mul3A_874 : vector<16xf32> to vector<1x16xf32>
        tpu.vector_store %arg6[%swap3A_875, %swap3A_876], %swap3A_879 {strides = array<i32>} : memref<1024x64xf32, #tpu.memory_space<vmem>>, vector<1x16xf32>,
        %get3A_880 = arith.index_cast %add3A_855 : i32 to index
        %get3A_881 = arith.constant 32 : index
        %get3A_882 = tpu.vector_load %arg6[%get3A_880, %get3A_881] {strides = array<i32>} : memref<1024x64xf32, #tpu.memory_space<vmem>>, vector<1x16xf32>,
        %get3A_883 = vector.shape_cast %get3A_882 : vector<1x16xf32> to vector<16xf32>
        %mul3A_884 = arith.constant 8.000000e+00 : f32
        %mul3A_885 = vector.broadcast %mul3A_884 : f32 to vector<16xf32>
        %mul3A_886 = arith.mulf %get3A_883, %mul3A_885 : vector<16xf32>
        %swap3A_887 = arith.index_cast %add3A_855 : i32 to index
        %swap3A_888 = arith.constant 32 : index
        %swap3A_889 = tpu.vector_load %arg6[%swap3A_887, %swap3A_888] {strides = array<i32>} : memref<1024x64xf32, #tpu.memory_space<vmem>>, vector<1x16xf32>,
        %swap3A_890 = vector.shape_cast %swap3A_889 : vector<1x16xf32> to vector<16xf32>
        %swap3A_891 = vector.shape_cast %mul3A_886 : vector<16xf32> to vector<1x16xf32>
        tpu.vector_store %arg6[%swap3A_887, %swap3A_888], %swap3A_891 {strides = array<i32>} : memref<1024x64xf32, #tpu.memory_space<vmem>>, vector<1x16xf32>,
        %get3A_892 = arith.index_cast %add3A_855 : i32 to index
        %get3A_893 = arith.constant 48 : index
        %get3A_894 = tpu.vector_load %arg6[%get3A_892, %get3A_893] {strides = array<i32>} : memref<1024x64xf32, #tpu.memory_space<vmem>>, vector<1x16xf32>,
        %get3A_895 = vector.shape_cast %get3A_894 : vector<1x16xf32> to vector<16xf32>
        %mul3A_896 = arith.constant 8.000000e+00 : f32
        %mul3A_897 = vector.broadcast %mul3A_896 : f32 to vector<16xf32>
        %mul3A_898 = arith.mulf %get3A_895, %mul3A_897 : vector<16xf32>
        %swap3A_899 = arith.index_cast %add3A_855 : i32 to index
        %swap3A_900 = arith.constant 48 : index
        %swap3A_901 = tpu.vector_load %arg6[%swap3A_899, %swap3A_900] {strides = array<i32>} : memref<1024x64xf32, #tpu.memory_space<vmem>>, vector<1x16xf32>,
        %swap3A_902 = vector.shape_cast %swap3A_901 : vector<1x16xf32> to vector<16xf32>
        %swap3A_903 = vector.shape_cast %mul3A_898 : vector<16xf32> to vector<1x16xf32>
        tpu.vector_store %arg6[%swap3A_899, %swap3A_900], %swap3A_903 {strides = array<i32>} : memref<1024x64xf32, #tpu.memory_space<vmem>>, vector<1x16xf32>,
      }
      %scan3A_604 = arith.constant 128 : i32
      %mul3A_605 = arith.constant 512 : i32
      %mul3A_606 = arith.muli %add3A_568, %mul3A_605 : i32
      %add3A_607 = arith.addi %mul3A_4, %mul3A_606 : i32
      %dma_start3A_608 = arith.constant 512 : i32
      %dma_start3A_609 = arith.constant 0 : i32
      %dma_start3A_610 = tpu.memref_slice %arg6[%dma_start3A_608, %dma_start3A_609] : memref<1024x64xf32, #tpu.memory_space<vmem>> -> memref<512x64xf32, #tpu.memory_space<vmem>>
      %dma_start3A_611 = arith.constant 0 : i32
      %dma_start3A_612 = tpu.memref_slice %arg4[%add3A_607, %dma_start3A_611] : memref<3276800x64xf32, #tpu.memory_space<hbm>> -> memref<512x64xf32, #tpu.memory_space<hbm>>
      %dma_start3A_613 = arith.constant 0 : i32
      %dma_start3A_614 = tpu.memref_slice %arg4[%add3A_607, %dma_start3A_613] : memref<3276800x64xf32, #tpu.memory_space<hbm>> -> memref<512x64xf32, #tpu.memory_space<hbm>>
      %dma_start3A_615 = arith.constant 512 : i32
      %dma_start3A_616 = arith.constant 0 : i32
      %dma_start3A_617 = tpu.memref_slice %arg6[%dma_start3A_615, %dma_start3A_616] : memref<1024x64xf32, #tpu.memory_space<vmem>> -> memref<512x64xf32, #tpu.memory_space<vmem>>
      tpu.enqueue_dma source(%dma_start3A_617 : memref<512x64xf32, #tpu.memory_space<vmem>>) target(%dma_start3A_614 : memref<512x64xf32, #tpu.memory_space<hbm>>) target_semaphore(%arg10 : memref<!tpu.dma_semaphore, #tpu.memory_space<semaphore_mem>>)
      %dma_wait3A_618 = arith.constant 0 : i32
      %dma_wait3A_619 = arith.constant 0 : i32
      %dma_wait3A_620 = tpu.memref_slice %arg6[%dma_wait3A_618, %dma_wait3A_619] : memref<1024x64xf32, #tpu.memory_space<vmem>> -> memref<512x64xf32, #tpu.memory_space<vmem>>
      %dma_wait3A_621 = arith.constant 0 : i32
      %dma_wait3A_622 = arith.constant 0 : i32
      %dma_wait3A_623 = tpu.memref_slice %arg4[%dma_wait3A_621, %dma_wait3A_622] : memref<3276800x64xf32, #tpu.memory_space<hbm>> -> memref<512x64xf32, #tpu.memory_space<hbm>>
      %dma_wait3A_624 = arith.constant 0 : i32
      %dma_wait3A_625 = arith.constant 0 : i32
      %dma_wait3A_626 = tpu.memref_slice %arg4[%dma_wait3A_624, %dma_wait3A_625] : memref<3276800x64xf32, #tpu.memory_space<hbm>> -> memref<512x64xf32, #tpu.memory_space<hbm>>
      %dma_wait3A_627 = arith.constant 0 : i32
      %dma_wait3A_628 = arith.constant 0 : i32
      %dma_wait3A_629 = tpu.memref_slice %arg6[%dma_wait3A_627, %dma_wait3A_628] : memref<1024x64xf32, #tpu.memory_space<vmem>> -> memref<512x64xf32, #tpu.memory_space<vmem>>
      tpu.wait_dma2 semaphore(%arg9 : memref<!tpu.dma_semaphore, #tpu.memory_space<semaphore_mem>>) src(%dma_wait3A_629 : memref<512x64xf32, #tpu.memory_space<vmem>>) dst(%dma_wait3A_626 : memref<512x64xf32, #tpu.memory_space<hbm>>)
      %dma_wait3A_630 = arith.constant 0 : i32
      %dma_wait3A_631 = arith.constant 0 : i32
      %dma_wait3A_632 = arith.constant 0 : i32
      %dma_wait3A_633 = tpu.memref_slice %arg5[%dma_wait3A_630, %dma_wait3A_631, %dma_wait3A_632] : memref<2x4x128xi32, #tpu.memory_space<vmem>> -> memref<1x4x128xi32, #tpu.memory_space<vmem>>
      %dma_wait3A_634 = tpu.memref_squeeze %dma_wait3A_633 : memref<1x4x128xi32, #tpu.memory_space<vmem>> -> memref<4x128xi32, #tpu.memory_space<vmem>>
      %dma_wait3A_635 = arith.constant 0 : i32
      %dma_wait3A_636 = arith.constant 0 : i32
      %dma_wait3A_637 = tpu.memref_slice %arg2[%dma_wait3A_635, %dma_wait3A_636] : memref<25600x128xi32, #tpu.memory_space<hbm>> -> memref<4x128xi32, #tpu.memory_space<hbm>>
      %dma_wait3A_638 = arith.constant 0 : i32
      %dma_wait3A_639 = arith.constant 0 : i32
      %dma_wait3A_640 = tpu.memref_slice %arg5[%dma_wait3A_630, %dma_wait3A_638, %dma_wait3A_639] : memref<2x4x128xi32, #tpu.memory_space<vmem>> -> memref<1x4x128xi32, #tpu.memory_space<vmem>>
      %dma_wait3A_641 = tpu.memref_squeeze %dma_wait3A_640 : memref<1x4x128xi32, #tpu.memory_space<vmem>> -> memref<4x128xi32, #tpu.memory_space<vmem>>
      %dma_wait3A_642 = arith.constant 0 : i32
      %dma_wait3A_643 = arith.constant 0 : i32
      %dma_wait3A_644 = tpu.memref_slice %arg2[%dma_wait3A_642, %dma_wait3A_643] : memref<25600x128xi32, #tpu.memory_space<hbm>> -> memref<4x128xi32, #tpu.memory_space<hbm>>
      tpu.wait_dma2 semaphore(%arg11 : memref<!tpu.dma_semaphore, #tpu.memory_space<semaphore_mem>>) src(%dma_wait3A_644 : memref<4x128xi32, #tpu.memory_space<hbm>>) dst(%dma_wait3A_641 : memref<4x128xi32, #tpu.memory_space<vmem>>)
      %dma_start3A_645 = arith.constant 0 : i32
      %dma_start3A_646 = arith.constant 0 : i32
      %dma_start3A_647 = arith.constant 0 : i32
      %dma_start3A_648 = arith.constant 0 : i32
      %dma_start3A_649 = tpu.memref_slice %arg6[%dma_start3A_647, %dma_start3A_648] : memref<1024x64xf32, #tpu.memory_space<vmem>> -> memref<128x64xf32, #tpu.memory_space<vmem>>
      %dma_start3A_650 = arith.constant 0 : i32
      %dma_start3A_651 = tpu.memref_slice %arg5[%dma_start3A_645, %dma_start3A_646, %dma_start3A_650] : memref<2x4x128xi32, #tpu.memory_space<vmem>> -> memref<1x1x128xi32, #tpu.memory_space<vmem>>
      %dma_start3A_652 = tpu.memref_squeeze %dma_start3A_651 : memref<1x1x128xi32, #tpu.memory_space<vmem>> -> memref<128xi32, #tpu.memory_space<vmem>>
      %dma_start3A_653 = arith.constant 0 : i32
      %dma_start3A_654 = arith.constant 0 : i32
      %dma_start3A_655 = tpu.memref_slice %arg3[%dma_start3A_653, %dma_start3A_654] : memref<1000000x64xf32, #tpu.memory_space<hbm>> -> memref<1000000x64xf32, #tpu.memory_space<hbm>>
      tpu.enqueue_indirect_dma source(%dma_start3A_655 : memref<1000000x64xf32, #tpu.memory_space<hbm>>) target(%dma_start3A_649 : memref<128x64xf32, #tpu.memory_space<vmem>>) offsets(%dma_start3A_652 : memref<128xi32, #tpu.memory_space<vmem>>) semaphore(%arg7 : memref<!tpu.dma_semaphore, #tpu.memory_space<semaphore_mem>>)
      %dma_start3A_656 = arith.constant 0 : i32
      %dma_start3A_657 = arith.constant 1 : i32
      %dma_start3A_658 = arith.constant 128 : i32
      %dma_start3A_659 = arith.constant 0 : i32
      %dma_start3A_660 = tpu.memref_slice %arg6[%dma_start3A_658, %dma_start3A_659] : memref<1024x64xf32, #tpu.memory_space<vmem>> -> memref<128x64xf32, #tpu.memory_space<vmem>>
      %dma_start3A_661 = arith.constant 0 : i32
      %dma_start3A_662 = tpu.memref_slice %arg5[%dma_start3A_656, %dma_start3A_657, %dma_start3A_661] : memref<2x4x128xi32, #tpu.memory_space<vmem>> -> memref<1x1x128xi32, #tpu.memory_space<vmem>>
      %dma_start3A_663 = tpu.memref_squeeze %dma_start3A_662 : memref<1x1x128xi32, #tpu.memory_space<vmem>> -> memref<128xi32, #tpu.memory_space<vmem>>
      %dma_start3A_664 = arith.constant 0 : i32
      %dma_start3A_665 = arith.constant 0 : i32
      %dma_start3A_666 = tpu.memref_slice %arg3[%dma_start3A_664, %dma_start3A_665] : memref<1000000x64xf32, #tpu.memory_space<hbm>> -> memref<1000000x64xf32, #tpu.memory_space<hbm>>
      tpu.enqueue_indirect_dma source(%dma_start3A_666 : memref<1000000x64xf32, #tpu.memory_space<hbm>>) target(%dma_start3A_660 : memref<128x64xf32, #tpu.memory_space<vmem>>) offsets(%dma_start3A_663 : memref<128xi32, #tpu.memory_space<vmem>>) semaphore(%arg7 : memref<!tpu.dma_semaphore, #tpu.memory_space<semaphore_mem>>)
      %dma_start3A_667 = arith.constant 0 : i32
      %dma_start3A_668 = arith.constant 2 : i32
      %dma_start3A_669 = arith.constant 256 : i32
      %dma_start3A_670 = arith.constant 0 : i32
      %dma_start3A_671 = tpu.memref_slice %arg6[%dma_start3A_669, %dma_start3A_670] : memref<1024x64xf32, #tpu.memory_space<vmem>> -> memref<128x64xf32, #tpu.memory_space<vmem>>
      %dma_start3A_672 = arith.constant 0 : i32
      %dma_start3A_673 = tpu.memref_slice %arg5[%dma_start3A_667, %dma_start3A_668, %dma_start3A_672] : memref<2x4x128xi32, #tpu.memory_space<vmem>> -> memref<1x1x128xi32, #tpu.memory_space<vmem>>
      %dma_start3A_674 = tpu.memref_squeeze %dma_start3A_673 : memref<1x1x128xi32, #tpu.memory_space<vmem>> -> memref<128xi32, #tpu.memory_space<vmem>>
      %dma_start3A_675 = arith.constant 0 : i32
      %dma_start3A_676 = arith.constant 0 : i32
      %dma_start3A_677 = tpu.memref_slice %arg3[%dma_start3A_675, %dma_start3A_676] : memref<1000000x64xf32, #tpu.memory_space<hbm>> -> memref<1000000x64xf32, #tpu.memory_space<hbm>>
      tpu.enqueue_indirect_dma source(%dma_start3A_677 : memref<1000000x64xf32, #tpu.memory_space<hbm>>) target(%dma_start3A_671 : memref<128x64xf32, #tpu.memory_space<vmem>>) offsets(%dma_start3A_674 : memref<128xi32, #tpu.memory_space<vmem>>) semaphore(%arg7 : memref<!tpu.dma_semaphore, #tpu.memory_space<semaphore_mem>>)
      %dma_start3A_678 = arith.constant 0 : i32
      %dma_start3A_679 = arith.constant 3 : i32
      %dma_start3A_680 = arith.constant 384 : i32
      %dma_start3A_681 = arith.constant 0 : i32
      %dma_start3A_682 = tpu.memref_slice %arg6[%dma_start3A_680, %dma_start3A_681] : memref<1024x64xf32, #tpu.memory_space<vmem>> -> memref<128x64xf32, #tpu.memory_space<vmem>>
      %dma_start3A_683 = arith.constant 0 : i32
      %dma_start3A_684 = tpu.memref_slice %arg5[%dma_start3A_678, %dma_start3A_679, %dma_start3A_683] : memref<2x4x128xi32, #tpu.memory_space<vmem>> -> memref<1x1x128xi32, #tpu.memory_space<vmem>>
      %dma_start3A_685 = tpu.memref_squeeze %dma_start3A_684 : memref<1x1x128xi32, #tpu.memory_space<vmem>> -> memref<128xi32, #tpu.memory_space<vmem>>
      %dma_start3A_686 = arith.constant 0 : i32
      %dma_start3A_687 = arith.constant 0 : i32
      %dma_start3A_688 = tpu.memref_slice %arg3[%dma_start3A_686, %dma_start3A_687] : memref<1000000x64xf32, #tpu.memory_space<hbm>> -> memref<1000000x64xf32, #tpu.memory_space<hbm>>
      tpu.enqueue_indirect_dma source(%dma_start3A_688 : memref<1000000x64xf32, #tpu.memory_space<hbm>>) target(%dma_start3A_682 : memref<128x64xf32, #tpu.memory_space<vmem>>) offsets(%dma_start3A_685 : memref<128xi32, #tpu.memory_space<vmem>>) semaphore(%arg7 : memref<!tpu.dma_semaphore, #tpu.memory_space<semaphore_mem>>)
    }
    %scan3A_286 = arith.constant 98 : i32
    %dma_wait3A_287 = arith.constant 0 : i32
    %dma_wait3A_288 = arith.constant 0 : i32
    %dma_wait3A_289 = tpu.memref_slice %arg6[%dma_wait3A_287, %dma_wait3A_288] : memref<1024x64xf32, #tpu.memory_space<vmem>> -> memref<512x64xf32, #tpu.memory_space<vmem>>
    %dma_wait3A_290 = arith.constant 0 : i32
    %dma_wait3A_291 = arith.constant 0 : i32
    %dma_wait3A_292 = tpu.memref_slice %arg3[%dma_wait3A_290, %dma_wait3A_291] : memref<1000000x64xf32, #tpu.memory_space<hbm>> -> memref<512x64xf32, #tpu.memory_space<hbm>>
    %dma_wait3A_293 = arith.constant 0 : i32
    %dma_wait3A_294 = arith.constant 0 : i32
    %dma_wait3A_295 = tpu.memref_slice %arg6[%dma_wait3A_293, %dma_wait3A_294] : memref<1024x64xf32, #tpu.memory_space<vmem>> -> memref<512x64xf32, #tpu.memory_space<vmem>>
    %dma_wait3A_296 = arith.constant 0 : i32
    %dma_wait3A_297 = arith.constant 0 : i32
    %dma_wait3A_298 = tpu.memref_slice %arg3[%dma_wait3A_296, %dma_wait3A_297] : memref<1000000x64xf32, #tpu.memory_space<hbm>> -> memref<512x64xf32, #tpu.memory_space<hbm>>
    tpu.wait_dma2 semaphore(%arg7 : memref<!tpu.dma_semaphore, #tpu.memory_space<semaphore_mem>>) src(%dma_wait3A_298 : memref<512x64xf32, #tpu.memory_space<hbm>>) dst(%dma_wait3A_295 : memref<512x64xf32, #tpu.memory_space<vmem>>)
    %scan3A_299 = arith.constant 0 : i32
    %scan3A_300 = arith.constant 0 : i32
    %scan3A_301 = arith.constant 128 : i32
    %scan3A_302 = arith.addi %scan3A_300, %scan3A_301 : i32
    %scan3A_303 = arith.constant 1 : i32
    scf.for %scan3A_442 = %scan3A_300 to %scan3A_302 step %scan3A_303  : i32 {
      %mul3A_443 = arith.constant 4 : i32
      %mul3A_444 = arith.muli %scan3A_442, %mul3A_443 : i32
      %add3A_445 = arith.constant 0 : i32
      %add3A_446 = arith.addi %add3A_445, %mul3A_444 : i32
      %add3A_447 = arith.constant 0 : i32
      %add3A_448 = arith.addi %add3A_446, %add3A_447 : i32
      %get3A = arith.index_cast %add3A_448 : i32 to index
      %get3A_449 = arith.constant 0 : index
      %get3A_450 = tpu.vector_load %arg6[%get3A, %get3A_449] {strides = array<i32>} : memref<1024x64xf32, #tpu.memory_space<vmem>>, vector<1x16xf32>,
      %get3A_451 = vector.shape_cast %get3A_450 : vector<1x16xf32> to vector<16xf32>
      %mul3A_452 = arith.constant 8.000000e+00 : f32
      %mul3A_453 = vector.broadcast %mul3A_452 : f32 to vector<16xf32>
      %mul3A_454 = arith.mulf %get3A_451, %mul3A_453 : vector<16xf32>
      %swap3A = arith.index_cast %add3A_448 : i32 to index
      %swap3A_455 = arith.constant 0 : index
      %swap3A_456 = tpu.vector_load %arg6[%swap3A, %swap3A_455] {strides = array<i32>} : memref<1024x64xf32, #tpu.memory_space<vmem>>, vector<1x16xf32>,
      %swap3A_457 = vector.shape_cast %swap3A_456 : vector<1x16xf32> to vector<16xf32>
      %swap3A_458 = vector.shape_cast %mul3A_454 : vector<16xf32> to vector<1x16xf32>
      tpu.vector_store %arg6[%swap3A, %swap3A_455], %swap3A_458 {strides = array<i32>} : memref<1024x64xf32, #tpu.memory_space<vmem>>, vector<1x16xf32>,
      %get3A_459 = arith.index_cast %add3A_448 : i32 to index
      %get3A_460 = arith.constant 16 : index
      %get3A_461 = tpu.vector_load %arg6[%get3A_459, %get3A_460] {strides = array<i32>} : memref<1024x64xf32, #tpu.memory_space<vmem>>, vector<1x16xf32>,
      %get3A_462 = vector.shape_cast %get3A_461 : vector<1x16xf32> to vector<16xf32>
      %mul3A_463 = arith.constant 8.000000e+00 : f32
      %mul3A_464 = vector.broadcast %mul3A_463 : f32 to vector<16xf32>
      %mul3A_465 = arith.mulf %get3A_462, %mul3A_464 : vector<16xf32>
      %swap3A_466 = arith.index_cast %add3A_448 : i32 to index
      %swap3A_467 = arith.constant 16 : index
      %swap3A_468 = tpu.vector_load %arg6[%swap3A_466, %swap3A_467] {strides = array<i32>} : memref<1024x64xf32, #tpu.memory_space<vmem>>, vector<1x16xf32>,
      %swap3A_469 = vector.shape_cast %swap3A_468 : vector<1x16xf32> to vector<16xf32>
      %swap3A_470 = vector.shape_cast %mul3A_465 : vector<16xf32> to vector<1x16xf32>
      tpu.vector_store %arg6[%swap3A_466, %swap3A_467], %swap3A_470 {strides = array<i32>} : memref<1024x64xf32, #tpu.memory_space<vmem>>, vector<1x16xf32>,
      %get3A_471 = arith.index_cast %add3A_448 : i32 to index
      %get3A_472 = arith.constant 32 : index
      %get3A_473 = tpu.vector_load %arg6[%get3A_471, %get3A_472] {strides = array<i32>} : memref<1024x64xf32, #tpu.memory_space<vmem>>, vector<1x16xf32>,
      %get3A_474 = vector.shape_cast %get3A_473 : vector<1x16xf32> to vector<16xf32>
      %mul3A_475 = arith.constant 8.000000e+00 : f32
      %mul3A_476 = vector.broadcast %mul3A_475 : f32 to vector<16xf32>
      %mul3A_477 = arith.mulf %get3A_474, %mul3A_476 : vector<16xf32>
      %swap3A_478 = arith.index_cast %add3A_448 : i32 to index
      %swap3A_479 = arith.constant 32 : index
      %swap3A_480 = tpu.vector_load %arg6[%swap3A_478, %swap3A_479] {strides = array<i32>} : memref<1024x64xf32, #tpu.memory_space<vmem>>, vector<1x16xf32>,
      %swap3A_481 = vector.shape_cast %swap3A_480 : vector<1x16xf32> to vector<16xf32>
      %swap3A_482 = vector.shape_cast %mul3A_477 : vector<16xf32> to vector<1x16xf32>
      tpu.vector_store %arg6[%swap3A_478, %swap3A_479], %swap3A_482 {strides = array<i32>} : memref<1024x64xf32, #tpu.memory_space<vmem>>, vector<1x16xf32>,
      %get3A_483 = arith.index_cast %add3A_448 : i32 to index
      %get3A_484 = arith.constant 48 : index
      %get3A_485 = tpu.vector_load %arg6[%get3A_483, %get3A_484] {strides = array<i32>} : memref<1024x64xf32, #tpu.memory_space<vmem>>, vector<1x16xf32>,
      %get3A_486 = vector.shape_cast %get3A_485 : vector<1x16xf32> to vector<16xf32>
      %mul3A_487 = arith.constant 8.000000e+00 : f32
      %mul3A_488 = vector.broadcast %mul3A_487 : f32 to vector<16xf32>
      %mul3A_489 = arith.mulf %get3A_486, %mul3A_488 : vector<16xf32>
      %swap3A_490 = arith.index_cast %add3A_448 : i32 to index
      %swap3A_491 = arith.constant 48 : index
      %swap3A_492 = tpu.vector_load %arg6[%swap3A_490, %swap3A_491] {strides = array<i32>} : memref<1024x64xf32, #tpu.memory_space<vmem>>, vector<1x16xf32>,
      %swap3A_493 = vector.shape_cast %swap3A_492 : vector<1x16xf32> to vector<16xf32>
      %swap3A_494 = vector.shape_cast %mul3A_489 : vector<16xf32> to vector<1x16xf32>
      tpu.vector_store %arg6[%swap3A_490, %swap3A_491], %swap3A_494 {strides = array<i32>} : memref<1024x64xf32, #tpu.memory_space<vmem>>, vector<1x16xf32>,
      %mul3A_495 = arith.constant 4 : i32
      %mul3A_496 = arith.muli %scan3A_442, %mul3A_495 : i32
      %add3A_497 = arith.constant 0 : i32
      %add3A_498 = arith.addi %add3A_497, %mul3A_496 : i32
      %add3A_499 = arith.constant 1 : i32
      %add3A_500 = arith.addi %add3A_498, %add3A_499 : i32
      %get3A_501 = arith.index_cast %add3A_500 : i32 to index
      %get3A_502 = arith.constant 0 : index
      %get3A_503 = tpu.vector_load %arg6[%get3A_501, %get3A_502] {strides = array<i32>} : memref<1024x64xf32, #tpu.memory_space<vmem>>, vector<1x16xf32>,
      %get3A_504 = vector.shape_cast %get3A_503 : vector<1x16xf32> to vector<16xf32>
      %mul3A_505 = arith.constant 8.000000e+00 : f32
      %mul3A_506 = vector.broadcast %mul3A_505 : f32 to vector<16xf32>
      %mul3A_507 = arith.mulf %get3A_504, %mul3A_506 : vector<16xf32>
      %swap3A_508 = arith.index_cast %add3A_500 : i32 to index
      %swap3A_509 = arith.constant 0 : index
      %swap3A_510 = tpu.vector_load %arg6[%swap3A_508, %swap3A_509] {strides = array<i32>} : memref<1024x64xf32, #tpu.memory_space<vmem>>, vector<1x16xf32>,
      %swap3A_511 = vector.shape_cast %swap3A_510 : vector<1x16xf32> to vector<16xf32>
      %swap3A_512 = vector.shape_cast %mul3A_507 : vector<16xf32> to vector<1x16xf32>
      tpu.vector_store %arg6[%swap3A_508, %swap3A_509], %swap3A_512 {strides = array<i32>} : memref<1024x64xf32, #tpu.memory_space<vmem>>, vector<1x16xf32>,
      %get3A_513 = arith.index_cast %add3A_500 : i32 to index
      %get3A_514 = arith.constant 16 : index
      %get3A_515 = tpu.vector_load %arg6[%get3A_513, %get3A_514] {strides = array<i32>} : memref<1024x64xf32, #tpu.memory_space<vmem>>, vector<1x16xf32>,
      %get3A_516 = vector.shape_cast %get3A_515 : vector<1x16xf32> to vector<16xf32>
      %mul3A_517 = arith.constant 8.000000e+00 : f32
      %mul3A_518 = vector.broadcast %mul3A_517 : f32 to vector<16xf32>
      %mul3A_519 = arith.mulf %get3A_516, %mul3A_518 : vector<16xf32>
      %swap3A_520 = arith.index_cast %add3A_500 : i32 to index
      %swap3A_521 = arith.constant 16 : index
      %swap3A_522 = tpu.vector_load %arg6[%swap3A_520, %swap3A_521] {strides = array<i32>} : memref<1024x64xf32, #tpu.memory_space<vmem>>, vector<1x16xf32>,
      %swap3A_523 = vector.shape_cast %swap3A_522 : vector<1x16xf32> to vector<16xf32>
      %swap3A_524 = vector.shape_cast %mul3A_519 : vector<16xf32> to vector<1x16xf32>
      tpu.vector_store %arg6[%swap3A_520, %swap3A_521], %swap3A_524 {strides = array<i32>} : memref<1024x64xf32, #tpu.memory_space<vmem>>, vector<1x16xf32>,
      %get3A_525 = arith.index_cast %add3A_500 : i32 to index
      %get3A_526 = arith.constant 32 : index
      %get3A_527 = tpu.vector_load %arg6[%get3A_525, %get3A_526] {strides = array<i32>} : memref<1024x64xf32, #tpu.memory_space<vmem>>, vector<1x16xf32>,
      %get3A_528 = vector.shape_cast %get3A_527 : vector<1x16xf32> to vector<16xf32>
      %mul3A_529 = arith.constant 8.000000e+00 : f32
      %mul3A_530 = vector.broadcast %mul3A_529 : f32 to vector<16xf32>
      %mul3A_531 = arith.mulf %get3A_528, %mul3A_530 : vector<16xf32>
      %swap3A_532 = arith.index_cast %add3A_500 : i32 to index
      %swap3A_533 = arith.constant 32 : index
      %swap3A_534 = tpu.vector_load %arg6[%swap3A_532, %swap3A_533] {strides = array<i32>} : memref<1024x64xf32, #tpu.memory_space<vmem>>, vector<1x16xf32>,
      %swap3A_535 = vector.shape_cast %swap3A_534 : vector<1x16xf32> to vector<16xf32>
      %swap3A_536 = vector.shape_cast %mul3A_531 : vector<16xf32> to vector<1x16xf32>
      tpu.vector_store %arg6[%swap3A_532, %swap3A_533], %swap3A_536 {strides = array<i32>} : memref<1024x64xf32, #tpu.memory_space<vmem>>, vector<1x16xf32>,
      %get3A_537 = arith.index_cast %add3A_500 : i32 to index
      %get3A_538 = arith.constant 48 : index
      %get3A_539 = tpu.vector_load %arg6[%get3A_537, %get3A_538] {strides = array<i32>} : memref<1024x64xf32, #tpu.memory_space<vmem>>, vector<1x16xf32>,
      %get3A_540 = vector.shape_cast %get3A_539 : vector<1x16xf32> to vector<16xf32>
      %mul3A_541 = arith.constant 8.000000e+00 : f32
      %mul3A_542 = vector.broadcast %mul3A_541 : f32 to vector<16xf32>
      %mul3A_543 = arith.mulf %get3A_540, %mul3A_542 : vector<16xf32>
      %swap3A_544 = arith.index_cast %add3A_500 : i32 to index
      %swap3A_545 = arith.constant 48 : index
      %swap3A_546 = tpu.vector_load %arg6[%swap3A_544, %swap3A_545] {strides = array<i32>} : memref<1024x64xf32, #tpu.memory_space<vmem>>, vector<1x16xf32>,
      %swap3A_547 = vector.shape_cast %swap3A_546 : vector<1x16xf32> to vector<16xf32>
      %swap3A_548 = vector.shape_cast %mul3A_543 : vector<16xf32> to vector<1x16xf32>
      tpu.vector_store %arg6[%swap3A_544, %swap3A_545], %swap3A_548 {strides = array<i32>} : memref<1024x64xf32, #tpu.memory_space<vmem>>, vector<1x16xf32>,
      %mul3A_549 = arith.constant 4 : i32
      %mul3A_550 = arith.muli %scan3A_442, %mul3A_549 : i32
      %add3A_551 = arith.constant 0 : i32
      %add3A_552 = arith.addi %add3A_551, %mul3A_550 : i32
      %add3A_553 = arith.constant 2 : i32
      %add3A_554 = arith.addi %add3A_552, %add3A_553 : i32
      %get3A_555 = arith.index_cast %add3A_554 : i32 to index
      %get3A_556 = arith.constant 0 : index
      %get3A_557 = tpu.vector_load %arg6[%get3A_555, %get3A_556] {strides = array<i32>} : memref<1024x64xf32, #tpu.memory_space<vmem>>, vector<1x16xf32>,
      %get3A_558 = vector.shape_cast %get3A_557 : vector<1x16xf32> to vector<16xf32>
      %mul3A_559 = arith.constant 8.000000e+00 : f32
      %mul3A_560 = vector.broadcast %mul3A_559 : f32 to vector<16xf32>
      %mul3A_561 = arith.mulf %get3A_558, %mul3A_560 : vector<16xf32>
      %swap3A_562 = arith.index_cast %add3A_554 : i32 to index
      %swap3A_563 = arith.constant 0 : index
      %swap3A_564 = tpu.vector_load %arg6[%swap3A_562, %swap3A_563] {strides = array<i32>} : memref<1024x64xf32, #tpu.memory_space<vmem>>, vector<1x16xf32>,
      %swap3A_565 = vector.shape_cast %swap3A_564 : vector<1x16xf32> to vector<16xf32>
      %swap3A_566 = vector.shape_cast %mul3A_561 : vector<16xf32> to vector<1x16xf32>
      tpu.vector_store %arg6[%swap3A_562, %swap3A_563], %swap3A_566 {strides = array<i32>} : memref<1024x64xf32, #tpu.memory_space<vmem>>, vector<1x16xf32>,
      %get3A_567 = arith.index_cast %add3A_554 : i32 to index
      %get3A_568 = arith.constant 16 : index
      %get3A_569 = tpu.vector_load %arg6[%get3A_567, %get3A_568] {strides = array<i32>} : memref<1024x64xf32, #tpu.memory_space<vmem>>, vector<1x16xf32>,
      %get3A_570 = vector.shape_cast %get3A_569 : vector<1x16xf32> to vector<16xf32>
      %mul3A_571 = arith.constant 8.000000e+00 : f32
      %mul3A_572 = vector.broadcast %mul3A_571 : f32 to vector<16xf32>
      %mul3A_573 = arith.mulf %get3A_570, %mul3A_572 : vector<16xf32>
      %swap3A_574 = arith.index_cast %add3A_554 : i32 to index
      %swap3A_575 = arith.constant 16 : index
      %swap3A_576 = tpu.vector_load %arg6[%swap3A_574, %swap3A_575] {strides = array<i32>} : memref<1024x64xf32, #tpu.memory_space<vmem>>, vector<1x16xf32>,
      %swap3A_577 = vector.shape_cast %swap3A_576 : vector<1x16xf32> to vector<16xf32>
      %swap3A_578 = vector.shape_cast %mul3A_573 : vector<16xf32> to vector<1x16xf32>
      tpu.vector_store %arg6[%swap3A_574, %swap3A_575], %swap3A_578 {strides = array<i32>} : memref<1024x64xf32, #tpu.memory_space<vmem>>, vector<1x16xf32>,
      %get3A_579 = arith.index_cast %add3A_554 : i32 to index
      %get3A_580 = arith.constant 32 : index
      %get3A_581 = tpu.vector_load %arg6[%get3A_579, %get3A_580] {strides = array<i32>} : memref<1024x64xf32, #tpu.memory_space<vmem>>, vector<1x16xf32>,
      %get3A_582 = vector.shape_cast %get3A_581 : vector<1x16xf32> to vector<16xf32>
      %mul3A_583 = arith.constant 8.000000e+00 : f32
      %mul3A_584 = vector.broadcast %mul3A_583 : f32 to vector<16xf32>
      %mul3A_585 = arith.mulf %get3A_582, %mul3A_584 : vector<16xf32>
      %swap3A_586 = arith.index_cast %add3A_554 : i32 to index
      %swap3A_587 = arith.constant 32 : index
      %swap3A_588 = tpu.vector_load %arg6[%swap3A_586, %swap3A_587] {strides = array<i32>} : memref<1024x64xf32, #tpu.memory_space<vmem>>, vector<1x16xf32>,
      %swap3A_589 = vector.shape_cast %swap3A_588 : vector<1x16xf32> to vector<16xf32>
      %swap3A_590 = vector.shape_cast %mul3A_585 : vector<16xf32> to vector<1x16xf32>
      tpu.vector_store %arg6[%swap3A_586, %swap3A_587], %swap3A_590 {strides = array<i32>} : memref<1024x64xf32, #tpu.memory_space<vmem>>, vector<1x16xf32>,
      %get3A_591 = arith.index_cast %add3A_554 : i32 to index
      %get3A_592 = arith.constant 48 : index
      %get3A_593 = tpu.vector_load %arg6[%get3A_591, %get3A_592] {strides = array<i32>} : memref<1024x64xf32, #tpu.memory_space<vmem>>, vector<1x16xf32>,
      %get3A_594 = vector.shape_cast %get3A_593 : vector<1x16xf32> to vector<16xf32>
      %mul3A_595 = arith.constant 8.000000e+00 : f32
      %mul3A_596 = vector.broadcast %mul3A_595 : f32 to vector<16xf32>
      %mul3A_597 = arith.mulf %get3A_594, %mul3A_596 : vector<16xf32>
      %swap3A_598 = arith.index_cast %add3A_554 : i32 to index
      %swap3A_599 = arith.constant 48 : index
      %swap3A_600 = tpu.vector_load %arg6[%swap3A_598, %swap3A_599] {strides = array<i32>} : memref<1024x64xf32, #tpu.memory_space<vmem>>, vector<1x16xf32>,
      %swap3A_601 = vector.shape_cast %swap3A_600 : vector<1x16xf32> to vector<16xf32>
      %swap3A_602 = vector.shape_cast %mul3A_597 : vector<16xf32> to vector<1x16xf32>
      tpu.vector_store %arg6[%swap3A_598, %swap3A_599], %swap3A_602 {strides = array<i32>} : memref<1024x64xf32, #tpu.memory_space<vmem>>, vector<1x16xf32>,
      %mul3A_603 = arith.constant 4 : i32
      %mul3A_604 = arith.muli %scan3A_442, %mul3A_603 : i32
      %add3A_605 = arith.constant 0 : i32
      %add3A_606 = arith.addi %add3A_605, %mul3A_604 : i32
      %add3A_607 = arith.constant 3 : i32
      %add3A_608 = arith.addi %add3A_606, %add3A_607 : i32
      %get3A_609 = arith.index_cast %add3A_608 : i32 to index
      %get3A_610 = arith.constant 0 : index
      %get3A_611 = tpu.vector_load %arg6[%get3A_609, %get3A_610] {strides = array<i32>} : memref<1024x64xf32, #tpu.memory_space<vmem>>, vector<1x16xf32>,
      %get3A_612 = vector.shape_cast %get3A_611 : vector<1x16xf32> to vector<16xf32>
      %mul3A_613 = arith.constant 8.000000e+00 : f32
      %mul3A_614 = vector.broadcast %mul3A_613 : f32 to vector<16xf32>
      %mul3A_615 = arith.mulf %get3A_612, %mul3A_614 : vector<16xf32>
      %swap3A_616 = arith.index_cast %add3A_608 : i32 to index
      %swap3A_617 = arith.constant 0 : index
      %swap3A_618 = tpu.vector_load %arg6[%swap3A_616, %swap3A_617] {strides = array<i32>} : memref<1024x64xf32, #tpu.memory_space<vmem>>, vector<1x16xf32>,
      %swap3A_619 = vector.shape_cast %swap3A_618 : vector<1x16xf32> to vector<16xf32>
      %swap3A_620 = vector.shape_cast %mul3A_615 : vector<16xf32> to vector<1x16xf32>
      tpu.vector_store %arg6[%swap3A_616, %swap3A_617], %swap3A_620 {strides = array<i32>} : memref<1024x64xf32, #tpu.memory_space<vmem>>, vector<1x16xf32>,
      %get3A_621 = arith.index_cast %add3A_608 : i32 to index
      %get3A_622 = arith.constant 16 : index
      %get3A_623 = tpu.vector_load %arg6[%get3A_621, %get3A_622] {strides = array<i32>} : memref<1024x64xf32, #tpu.memory_space<vmem>>, vector<1x16xf32>,
      %get3A_624 = vector.shape_cast %get3A_623 : vector<1x16xf32> to vector<16xf32>
      %mul3A_625 = arith.constant 8.000000e+00 : f32
      %mul3A_626 = vector.broadcast %mul3A_625 : f32 to vector<16xf32>
      %mul3A_627 = arith.mulf %get3A_624, %mul3A_626 : vector<16xf32>
      %swap3A_628 = arith.index_cast %add3A_608 : i32 to index
      %swap3A_629 = arith.constant 16 : index
      %swap3A_630 = tpu.vector_load %arg6[%swap3A_628, %swap3A_629] {strides = array<i32>} : memref<1024x64xf32, #tpu.memory_space<vmem>>, vector<1x16xf32>,
      %swap3A_631 = vector.shape_cast %swap3A_630 : vector<1x16xf32> to vector<16xf32>
      %swap3A_632 = vector.shape_cast %mul3A_627 : vector<16xf32> to vector<1x16xf32>
      tpu.vector_store %arg6[%swap3A_628, %swap3A_629], %swap3A_632 {strides = array<i32>} : memref<1024x64xf32, #tpu.memory_space<vmem>>, vector<1x16xf32>,
      %get3A_633 = arith.index_cast %add3A_608 : i32 to index
      %get3A_634 = arith.constant 32 : index
      %get3A_635 = tpu.vector_load %arg6[%get3A_633, %get3A_634] {strides = array<i32>} : memref<1024x64xf32, #tpu.memory_space<vmem>>, vector<1x16xf32>,
      %get3A_636 = vector.shape_cast %get3A_635 : vector<1x16xf32> to vector<16xf32>
      %mul3A_637 = arith.constant 8.000000e+00 : f32
      %mul3A_638 = vector.broadcast %mul3A_637 : f32 to vector<16xf32>
      %mul3A_639 = arith.mulf %get3A_636, %mul3A_638 : vector<16xf32>
      %swap3A_640 = arith.index_cast %add3A_608 : i32 to index
      %swap3A_641 = arith.constant 32 : index
      %swap3A_642 = tpu.vector_load %arg6[%swap3A_640, %swap3A_641] {strides = array<i32>} : memref<1024x64xf32, #tpu.memory_space<vmem>>, vector<1x16xf32>,
      %swap3A_643 = vector.shape_cast %swap3A_642 : vector<1x16xf32> to vector<16xf32>
      %swap3A_644 = vector.shape_cast %mul3A_639 : vector<16xf32> to vector<1x16xf32>
      tpu.vector_store %arg6[%swap3A_640, %swap3A_641], %swap3A_644 {strides = array<i32>} : memref<1024x64xf32, #tpu.memory_space<vmem>>, vector<1x16xf32>,
      %get3A_645 = arith.index_cast %add3A_608 : i32 to index
      %get3A_646 = arith.constant 48 : index
      %get3A_647 = tpu.vector_load %arg6[%get3A_645, %get3A_646] {strides = array<i32>} : memref<1024x64xf32, #tpu.memory_space<vmem>>, vector<1x16xf32>,
      %get3A_648 = vector.shape_cast %get3A_647 : vector<1x16xf32> to vector<16xf32>
      %mul3A_649 = arith.constant 8.000000e+00 : f32
      %mul3A_650 = vector.broadcast %mul3A_649 : f32 to vector<16xf32>
      %mul3A_651 = arith.mulf %get3A_648, %mul3A_650 : vector<16xf32>
      %swap3A_652 = arith.index_cast %add3A_608 : i32 to index
      %swap3A_653 = arith.constant 48 : index
      %swap3A_654 = tpu.vector_load %arg6[%swap3A_652, %swap3A_653] {strides = array<i32>} : memref<1024x64xf32, #tpu.memory_space<vmem>>, vector<1x16xf32>,
      %swap3A_655 = vector.shape_cast %swap3A_654 : vector<1x16xf32> to vector<16xf32>
      %swap3A_656 = vector.shape_cast %mul3A_651 : vector<16xf32> to vector<1x16xf32>
      tpu.vector_store %arg6[%swap3A_652, %swap3A_653], %swap3A_656 {strides = array<i32>} : memref<1024x64xf32, #tpu.memory_space<vmem>>, vector<1x16xf32>,
    }
    %scan3A_304 = arith.constant 128 : i32
    %add3A_305 = arith.constant 101376 : i32
    %add3A_306 = arith.addi %mul3A_4, %add3A_305 : i32
    %dma_start3A_307 = arith.constant 0 : i32
    %dma_start3A_308 = arith.constant 0 : i32
    %dma_start3A_309 = tpu.memref_slice %arg6[%dma_start3A_307, %dma_start3A_308] : memref<1024x64xf32, #tpu.memory_space<vmem>> -> memref<512x64xf32, #tpu.memory_space<vmem>>
    %dma_start3A_310 = arith.constant 0 : i32
    %dma_start3A_311 = tpu.memref_slice %arg4[%add3A_306, %dma_start3A_310] : memref<3276800x64xf32, #tpu.memory_space<hbm>> -> memref<512x64xf32, #tpu.memory_space<hbm>>
    %dma_start3A_312 = arith.constant 0 : i32
    %dma_start3A_313 = tpu.memref_slice %arg4[%add3A_306, %dma_start3A_312] : memref<3276800x64xf32, #tpu.memory_space<hbm>> -> memref<512x64xf32, #tpu.memory_space<hbm>>
    %dma_start3A_314 = arith.constant 0 : i32
    %dma_start3A_315 = arith.constant 0 : i32
    %dma_start3A_316 = tpu.memref_slice %arg6[%dma_start3A_314, %dma_start3A_315] : memref<1024x64xf32, #tpu.memory_space<vmem>> -> memref<512x64xf32, #tpu.memory_space<vmem>>
    tpu.enqueue_dma source(%dma_start3A_316 : memref<512x64xf32, #tpu.memory_space<vmem>>) target(%dma_start3A_313 : memref<512x64xf32, #tpu.memory_space<hbm>>) target_semaphore(%arg9 : memref<!tpu.dma_semaphore, #tpu.memory_space<semaphore_mem>>)
    %dma_wait3A_317 = arith.constant 512 : i32
    %dma_wait3A_318 = arith.constant 0 : i32
    %dma_wait3A_319 = tpu.memref_slice %arg6[%dma_wait3A_317, %dma_wait3A_318] : memref<1024x64xf32, #tpu.memory_space<vmem>> -> memref<512x64xf32, #tpu.memory_space<vmem>>
    %dma_wait3A_320 = arith.constant 0 : i32
    %dma_wait3A_321 = arith.constant 0 : i32
    %dma_wait3A_322 = tpu.memref_slice %arg4[%dma_wait3A_320, %dma_wait3A_321] : memref<3276800x64xf32, #tpu.memory_space<hbm>> -> memref<512x64xf32, #tpu.memory_space<hbm>>
    %dma_wait3A_323 = arith.constant 0 : i32
    %dma_wait3A_324 = arith.constant 0 : i32
    %dma_wait3A_325 = tpu.memref_slice %arg4[%dma_wait3A_323, %dma_wait3A_324] : memref<3276800x64xf32, #tpu.memory_space<hbm>> -> memref<512x64xf32, #tpu.memory_space<hbm>>
    %dma_wait3A_326 = arith.constant 512 : i32
    %dma_wait3A_327 = arith.constant 0 : i32
    %dma_wait3A_328 = tpu.memref_slice %arg6[%dma_wait3A_326, %dma_wait3A_327] : memref<1024x64xf32, #tpu.memory_space<vmem>> -> memref<512x64xf32, #tpu.memory_space<vmem>>
    tpu.wait_dma2 semaphore(%arg10 : memref<!tpu.dma_semaphore, #tpu.memory_space<semaphore_mem>>) src(%dma_wait3A_328 : memref<512x64xf32, #tpu.memory_space<vmem>>) dst(%dma_wait3A_325 : memref<512x64xf32, #tpu.memory_space<hbm>>)
    %dma_wait3A_329 = arith.constant 1 : i32
    %dma_wait3A_330 = arith.constant 0 : i32
    %dma_wait3A_331 = arith.constant 0 : i32
    %dma_wait3A_332 = tpu.memref_slice %arg5[%dma_wait3A_329, %dma_wait3A_330, %dma_wait3A_331] : memref<2x4x128xi32, #tpu.memory_space<vmem>> -> memref<1x4x128xi32, #tpu.memory_space<vmem>>
    %dma_wait3A_333 = tpu.memref_squeeze %dma_wait3A_332 : memref<1x4x128xi32, #tpu.memory_space<vmem>> -> memref<4x128xi32, #tpu.memory_space<vmem>>
    %dma_wait3A_334 = arith.constant 0 : i32
    %dma_wait3A_335 = arith.constant 0 : i32
    %dma_wait3A_336 = tpu.memref_slice %arg2[%dma_wait3A_334, %dma_wait3A_335] : memref<25600x128xi32, #tpu.memory_space<hbm>> -> memref<4x128xi32, #tpu.memory_space<hbm>>
    %dma_wait3A_337 = arith.constant 0 : i32
    %dma_wait3A_338 = arith.constant 0 : i32
    %dma_wait3A_339 = tpu.memref_slice %arg5[%dma_wait3A_329, %dma_wait3A_337, %dma_wait3A_338] : memref<2x4x128xi32, #tpu.memory_space<vmem>> -> memref<1x4x128xi32, #tpu.memory_space<vmem>>
    %dma_wait3A_340 = tpu.memref_squeeze %dma_wait3A_339 : memref<1x4x128xi32, #tpu.memory_space<vmem>> -> memref<4x128xi32, #tpu.memory_space<vmem>>
    %dma_wait3A_341 = arith.constant 0 : i32
    %dma_wait3A_342 = arith.constant 0 : i32
    %dma_wait3A_343 = tpu.memref_slice %arg2[%dma_wait3A_341, %dma_wait3A_342] : memref<25600x128xi32, #tpu.memory_space<hbm>> -> memref<4x128xi32, #tpu.memory_space<hbm>>
    tpu.wait_dma2 semaphore(%arg12 : memref<!tpu.dma_semaphore, #tpu.memory_space<semaphore_mem>>) src(%dma_wait3A_343 : memref<4x128xi32, #tpu.memory_space<hbm>>) dst(%dma_wait3A_340 : memref<4x128xi32, #tpu.memory_space<vmem>>)
    %dma_start3A_344 = arith.constant 1 : i32
    %dma_start3A_345 = arith.constant 0 : i32
    %dma_start3A_346 = arith.constant 512 : i32
    %dma_start3A_347 = arith.constant 0 : i32
    %dma_start3A_348 = tpu.memref_slice %arg6[%dma_start3A_346, %dma_start3A_347] : memref<1024x64xf32, #tpu.memory_space<vmem>> -> memref<128x64xf32, #tpu.memory_space<vmem>>
    %dma_start3A_349 = arith.constant 0 : i32
    %dma_start3A_350 = tpu.memref_slice %arg5[%dma_start3A_344, %dma_start3A_345, %dma_start3A_349] : memref<2x4x128xi32, #tpu.memory_space<vmem>> -> memref<1x1x128xi32, #tpu.memory_space<vmem>>
    %dma_start3A_351 = tpu.memref_squeeze %dma_start3A_350 : memref<1x1x128xi32, #tpu.memory_space<vmem>> -> memref<128xi32, #tpu.memory_space<vmem>>
    %dma_start3A_352 = arith.constant 0 : i32
    %dma_start3A_353 = arith.constant 0 : i32
    %dma_start3A_354 = tpu.memref_slice %arg3[%dma_start3A_352, %dma_start3A_353] : memref<1000000x64xf32, #tpu.memory_space<hbm>> -> memref<1000000x64xf32, #tpu.memory_space<hbm>>
    tpu.enqueue_indirect_dma source(%dma_start3A_354 : memref<1000000x64xf32, #tpu.memory_space<hbm>>) target(%dma_start3A_348 : memref<128x64xf32, #tpu.memory_space<vmem>>) offsets(%dma_start3A_351 : memref<128xi32, #tpu.memory_space<vmem>>) semaphore(%arg8 : memref<!tpu.dma_semaphore, #tpu.memory_space<semaphore_mem>>)
    %dma_start3A_355 = arith.constant 1 : i32
    %dma_start3A_356 = arith.constant 1 : i32
    %dma_start3A_357 = arith.constant 640 : i32
    %dma_start3A_358 = arith.constant 0 : i32
    %dma_start3A_359 = tpu.memref_slice %arg6[%dma_start3A_357, %dma_start3A_358] : memref<1024x64xf32, #tpu.memory_space<vmem>> -> memref<128x64xf32, #tpu.memory_space<vmem>>
    %dma_start3A_360 = arith.constant 0 : i32
    %dma_start3A_361 = tpu.memref_slice %arg5[%dma_start3A_355, %dma_start3A_356, %dma_start3A_360] : memref<2x4x128xi32, #tpu.memory_space<vmem>> -> memref<1x1x128xi32, #tpu.memory_space<vmem>>
    %dma_start3A_362 = tpu.memref_squeeze %dma_start3A_361 : memref<1x1x128xi32, #tpu.memory_space<vmem>> -> memref<128xi32, #tpu.memory_space<vmem>>
    %dma_start3A_363 = arith.constant 0 : i32
    %dma_start3A_364 = arith.constant 0 : i32
    %dma_start3A_365 = tpu.memref_slice %arg3[%dma_start3A_363, %dma_start3A_364] : memref<1000000x64xf32, #tpu.memory_space<hbm>> -> memref<1000000x64xf32, #tpu.memory_space<hbm>>
    tpu.enqueue_indirect_dma source(%dma_start3A_365 : memref<1000000x64xf32, #tpu.memory_space<hbm>>) target(%dma_start3A_359 : memref<128x64xf32, #tpu.memory_space<vmem>>) offsets(%dma_start3A_362 : memref<128xi32, #tpu.memory_space<vmem>>) semaphore(%arg8 : memref<!tpu.dma_semaphore, #tpu.memory_space<semaphore_mem>>)
    %dma_start3A_366 = arith.constant 1 : i32
    %dma_start3A_367 = arith.constant 2 : i32
    %dma_start3A_368 = arith.constant 768 : i32
    %dma_start3A_369 = arith.constant 0 : i32
    %dma_start3A_370 = tpu.memref_slice %arg6[%dma_start3A_368, %dma_start3A_369] : memref<1024x64xf32, #tpu.memory_space<vmem>> -> memref<128x64xf32, #tpu.memory_space<vmem>>
    %dma_start3A_371 = arith.constant 0 : i32
    %dma_start3A_372 = tpu.memref_slice %arg5[%dma_start3A_366, %dma_start3A_367, %dma_start3A_371] : memref<2x4x128xi32, #tpu.memory_space<vmem>> -> memref<1x1x128xi32, #tpu.memory_space<vmem>>
    %dma_start3A_373 = tpu.memref_squeeze %dma_start3A_372 : memref<1x1x128xi32, #tpu.memory_space<vmem>> -> memref<128xi32, #tpu.memory_space<vmem>>
    %dma_start3A_374 = arith.constant 0 : i32
    %dma_start3A_375 = arith.constant 0 : i32
    %dma_start3A_376 = tpu.memref_slice %arg3[%dma_start3A_374, %dma_start3A_375] : memref<1000000x64xf32, #tpu.memory_space<hbm>> -> memref<1000000x64xf32, #tpu.memory_space<hbm>>
    tpu.enqueue_indirect_dma source(%dma_start3A_376 : memref<1000000x64xf32, #tpu.memory_space<hbm>>) target(%dma_start3A_370 : memref<128x64xf32, #tpu.memory_space<vmem>>) offsets(%dma_start3A_373 : memref<128xi32, #tpu.memory_space<vmem>>) semaphore(%arg8 : memref<!tpu.dma_semaphore, #tpu.memory_space<semaphore_mem>>)
    %dma_start3A_377 = arith.constant 1 : i32
    %dma_start3A_378 = arith.constant 3 : i32
    %dma_start3A_379 = arith.constant 896 : i32
    %dma_start3A_380 = arith.constant 0 : i32
    %dma_start3A_381 = tpu.memref_slice %arg6[%dma_start3A_379, %dma_start3A_380] : memref<1024x64xf32, #tpu.memory_space<vmem>> -> memref<128x64xf32, #tpu.memory_space<vmem>>
    %dma_start3A_382 = arith.constant 0 : i32
    %dma_start3A_383 = tpu.memref_slice %arg5[%dma_start3A_377, %dma_start3A_378, %dma_start3A_382] : memref<2x4x128xi32, #tpu.memory_space<vmem>> -> memref<1x1x128xi32, #tpu.memory_space<vmem>>
    %dma_start3A_384 = tpu.memref_squeeze %dma_start3A_383 : memref<1x1x128xi32, #tpu.memory_space<vmem>> -> memref<128xi32, #tpu.memory_space<vmem>>
    %dma_start3A_385 = arith.constant 0 : i32
    %dma_start3A_386 = arith.constant 0 : i32
    %dma_start3A_387 = tpu.memref_slice %arg3[%dma_start3A_385, %dma_start3A_386] : memref<1000000x64xf32, #tpu.memory_space<hbm>> -> memref<1000000x64xf32, #tpu.memory_space<hbm>>
    tpu.enqueue_indirect_dma source(%dma_start3A_387 : memref<1000000x64xf32, #tpu.memory_space<hbm>>) target(%dma_start3A_381 : memref<128x64xf32, #tpu.memory_space<vmem>>) offsets(%dma_start3A_384 : memref<128xi32, #tpu.memory_space<vmem>>) semaphore(%arg8 : memref<!tpu.dma_semaphore, #tpu.memory_space<semaphore_mem>>)
    %dma_wait3A_388 = arith.constant 512 : i32
    %dma_wait3A_389 = arith.constant 0 : i32
    %dma_wait3A_390 = tpu.memref_slice %arg6[%dma_wait3A_388, %dma_wait3A_389] : memref<1024x64xf32, #tpu.memory_space<vmem>> -> memref<512x64xf32, #tpu.memory_space<vmem>>
    %dma_wait3A_391 = arith.constant 0 : i32
    %dma_wait3A_392 = arith.constant 0 : i32
    %dma_wait3A_393 = tpu.memref_slice %arg3[%dma_wait3A_391, %dma_wait3A_392] : memref<1000000x64xf32, #tpu.memory_space<hbm>> -> memref<512x64xf32, #tpu.memory_space<hbm>>
    %dma_wait3A_394 = arith.constant 512 : i32
    %dma_wait3A_395 = arith.constant 0 : i32
    %dma_wait3A_396 = tpu.memref_slice %arg6[%dma_wait3A_394, %dma_wait3A_395] : memref<1024x64xf32, #tpu.memory_space<vmem>> -> memref<512x64xf32, #tpu.memory_space<vmem>>
    %dma_wait3A_397 = arith.constant 0 : i32
    %dma_wait3A_398 = arith.constant 0 : i32
    %dma_wait3A_399 = tpu.memref_slice %arg3[%dma_wait3A_397, %dma_wait3A_398] : memref<1000000x64xf32, #tpu.memory_space<hbm>> -> memref<512x64xf32, #tpu.memory_space<hbm>>
    tpu.wait_dma2 semaphore(%arg8 : memref<!tpu.dma_semaphore, #tpu.memory_space<semaphore_mem>>) src(%dma_wait3A_399 : memref<512x64xf32, #tpu.memory_space<hbm>>) dst(%dma_wait3A_396 : memref<512x64xf32, #tpu.memory_space<vmem>>)
    %scan3A_400 = arith.constant 0 : i32
    %scan3A_401 = arith.constant 0 : i32
    %scan3A_402 = arith.constant 128 : i32
    %scan3A_403 = arith.addi %scan3A_401, %scan3A_402 : i32
    %scan3A_404 = arith.constant 1 : i32
    scf.for %scan3A_442 = %scan3A_401 to %scan3A_403 step %scan3A_404  : i32 {
      %mul3A_443 = arith.constant 4 : i32
      %mul3A_444 = arith.muli %scan3A_442, %mul3A_443 : i32
      %add3A_445 = arith.constant 512 : i32
      %add3A_446 = arith.addi %add3A_445, %mul3A_444 : i32
      %add3A_447 = arith.constant 0 : i32
      %add3A_448 = arith.addi %add3A_446, %add3A_447 : i32
      %get3A = arith.index_cast %add3A_448 : i32 to index
      %get3A_449 = arith.constant 0 : index
      %get3A_450 = tpu.vector_load %arg6[%get3A, %get3A_449] {strides = array<i32>} : memref<1024x64xf32, #tpu.memory_space<vmem>>, vector<1x16xf32>,
      %get3A_451 = vector.shape_cast %get3A_450 : vector<1x16xf32> to vector<16xf32>
      %mul3A_452 = arith.constant 8.000000e+00 : f32
      %mul3A_453 = vector.broadcast %mul3A_452 : f32 to vector<16xf32>
      %mul3A_454 = arith.mulf %get3A_451, %mul3A_453 : vector<16xf32>
      %swap3A = arith.index_cast %add3A_448 : i32 to index
      %swap3A_455 = arith.constant 0 : index
      %swap3A_456 = tpu.vector_load %arg6[%swap3A, %swap3A_455] {strides = array<i32>} : memref<1024x64xf32, #tpu.memory_space<vmem>>, vector<1x16xf32>,
      %swap3A_457 = vector.shape_cast %swap3A_456 : vector<1x16xf32> to vector<16xf32>
      %swap3A_458 = vector.shape_cast %mul3A_454 : vector<16xf32> to vector<1x16xf32>
      tpu.vector_store %arg6[%swap3A, %swap3A_455], %swap3A_458 {strides = array<i32>} : memref<1024x64xf32, #tpu.memory_space<vmem>>, vector<1x16xf32>,
      %get3A_459 = arith.index_cast %add3A_448 : i32 to index
      %get3A_460 = arith.constant 16 : index
      %get3A_461 = tpu.vector_load %arg6[%get3A_459, %get3A_460] {strides = array<i32>} : memref<1024x64xf32, #tpu.memory_space<vmem>>, vector<1x16xf32>,
      %get3A_462 = vector.shape_cast %get3A_461 : vector<1x16xf32> to vector<16xf32>
      %mul3A_463 = arith.constant 8.000000e+00 : f32
      %mul3A_464 = vector.broadcast %mul3A_463 : f32 to vector<16xf32>
      %mul3A_465 = arith.mulf %get3A_462, %mul3A_464 : vector<16xf32>
      %swap3A_466 = arith.index_cast %add3A_448 : i32 to index
      %swap3A_467 = arith.constant 16 : index
      %swap3A_468 = tpu.vector_load %arg6[%swap3A_466, %swap3A_467] {strides = array<i32>} : memref<1024x64xf32, #tpu.memory_space<vmem>>, vector<1x16xf32>,
      %swap3A_469 = vector.shape_cast %swap3A_468 : vector<1x16xf32> to vector<16xf32>
      %swap3A_470 = vector.shape_cast %mul3A_465 : vector<16xf32> to vector<1x16xf32>
      tpu.vector_store %arg6[%swap3A_466, %swap3A_467], %swap3A_470 {strides = array<i32>} : memref<1024x64xf32, #tpu.memory_space<vmem>>, vector<1x16xf32>,
      %get3A_471 = arith.index_cast %add3A_448 : i32 to index
      %get3A_472 = arith.constant 32 : index
      %get3A_473 = tpu.vector_load %arg6[%get3A_471, %get3A_472] {strides = array<i32>} : memref<1024x64xf32, #tpu.memory_space<vmem>>, vector<1x16xf32>,
      %get3A_474 = vector.shape_cast %get3A_473 : vector<1x16xf32> to vector<16xf32>
      %mul3A_475 = arith.constant 8.000000e+00 : f32
      %mul3A_476 = vector.broadcast %mul3A_475 : f32 to vector<16xf32>
      %mul3A_477 = arith.mulf %get3A_474, %mul3A_476 : vector<16xf32>
      %swap3A_478 = arith.index_cast %add3A_448 : i32 to index
      %swap3A_479 = arith.constant 32 : index
      %swap3A_480 = tpu.vector_load %arg6[%swap3A_478, %swap3A_479] {strides = array<i32>} : memref<1024x64xf32, #tpu.memory_space<vmem>>, vector<1x16xf32>,
      %swap3A_481 = vector.shape_cast %swap3A_480 : vector<1x16xf32> to vector<16xf32>
      %swap3A_482 = vector.shape_cast %mul3A_477 : vector<16xf32> to vector<1x16xf32>
      tpu.vector_store %arg6[%swap3A_478, %swap3A_479], %swap3A_482 {strides = array<i32>} : memref<1024x64xf32, #tpu.memory_space<vmem>>, vector<1x16xf32>,
      %get3A_483 = arith.index_cast %add3A_448 : i32 to index
      %get3A_484 = arith.constant 48 : index
      %get3A_485 = tpu.vector_load %arg6[%get3A_483, %get3A_484] {strides = array<i32>} : memref<1024x64xf32, #tpu.memory_space<vmem>>, vector<1x16xf32>,
      %get3A_486 = vector.shape_cast %get3A_485 : vector<1x16xf32> to vector<16xf32>
      %mul3A_487 = arith.constant 8.000000e+00 : f32
      %mul3A_488 = vector.broadcast %mul3A_487 : f32 to vector<16xf32>
      %mul3A_489 = arith.mulf %get3A_486, %mul3A_488 : vector<16xf32>
      %swap3A_490 = arith.index_cast %add3A_448 : i32 to index
      %swap3A_491 = arith.constant 48 : index
      %swap3A_492 = tpu.vector_load %arg6[%swap3A_490, %swap3A_491] {strides = array<i32>} : memref<1024x64xf32, #tpu.memory_space<vmem>>, vector<1x16xf32>,
      %swap3A_493 = vector.shape_cast %swap3A_492 : vector<1x16xf32> to vector<16xf32>
      %swap3A_494 = vector.shape_cast %mul3A_489 : vector<16xf32> to vector<1x16xf32>
      tpu.vector_store %arg6[%swap3A_490, %swap3A_491], %swap3A_494 {strides = array<i32>} : memref<1024x64xf32, #tpu.memory_space<vmem>>, vector<1x16xf32>,
      %mul3A_495 = arith.constant 4 : i32
      %mul3A_496 = arith.muli %scan3A_442, %mul3A_495 : i32
      %add3A_497 = arith.constant 512 : i32
      %add3A_498 = arith.addi %add3A_497, %mul3A_496 : i32
      %add3A_499 = arith.constant 1 : i32
      %add3A_500 = arith.addi %add3A_498, %add3A_499 : i32
      %get3A_501 = arith.index_cast %add3A_500 : i32 to index
      %get3A_502 = arith.constant 0 : index
      %get3A_503 = tpu.vector_load %arg6[%get3A_501, %get3A_502] {strides = array<i32>} : memref<1024x64xf32, #tpu.memory_space<vmem>>, vector<1x16xf32>,
      %get3A_504 = vector.shape_cast %get3A_503 : vector<1x16xf32> to vector<16xf32>
      %mul3A_505 = arith.constant 8.000000e+00 : f32
      %mul3A_506 = vector.broadcast %mul3A_505 : f32 to vector<16xf32>
      %mul3A_507 = arith.mulf %get3A_504, %mul3A_506 : vector<16xf32>
      %swap3A_508 = arith.index_cast %add3A_500 : i32 to index
      %swap3A_509 = arith.constant 0 : index
      %swap3A_510 = tpu.vector_load %arg6[%swap3A_508, %swap3A_509] {strides = array<i32>} : memref<1024x64xf32, #tpu.memory_space<vmem>>, vector<1x16xf32>,
      %swap3A_511 = vector.shape_cast %swap3A_510 : vector<1x16xf32> to vector<16xf32>
      %swap3A_512 = vector.shape_cast %mul3A_507 : vector<16xf32> to vector<1x16xf32>
      tpu.vector_store %arg6[%swap3A_508, %swap3A_509], %swap3A_512 {strides = array<i32>} : memref<1024x64xf32, #tpu.memory_space<vmem>>, vector<1x16xf32>,
      %get3A_513 = arith.index_cast %add3A_500 : i32 to index
      %get3A_514 = arith.constant 16 : index
      %get3A_515 = tpu.vector_load %arg6[%get3A_513, %get3A_514] {strides = array<i32>} : memref<1024x64xf32, #tpu.memory_space<vmem>>, vector<1x16xf32>,
      %get3A_516 = vector.shape_cast %get3A_515 : vector<1x16xf32> to vector<16xf32>
      %mul3A_517 = arith.constant 8.000000e+00 : f32
      %mul3A_518 = vector.broadcast %mul3A_517 : f32 to vector<16xf32>
      %mul3A_519 = arith.mulf %get3A_516, %mul3A_518 : vector<16xf32>
      %swap3A_520 = arith.index_cast %add3A_500 : i32 to index
      %swap3A_521 = arith.constant 16 : index
      %swap3A_522 = tpu.vector_load %arg6[%swap3A_520, %swap3A_521] {strides = array<i32>} : memref<1024x64xf32, #tpu.memory_space<vmem>>, vector<1x16xf32>,
      %swap3A_523 = vector.shape_cast %swap3A_522 : vector<1x16xf32> to vector<16xf32>
      %swap3A_524 = vector.shape_cast %mul3A_519 : vector<16xf32> to vector<1x16xf32>
      tpu.vector_store %arg6[%swap3A_520, %swap3A_521], %swap3A_524 {strides = array<i32>} : memref<1024x64xf32, #tpu.memory_space<vmem>>, vector<1x16xf32>,
      %get3A_525 = arith.index_cast %add3A_500 : i32 to index
      %get3A_526 = arith.constant 32 : index
      %get3A_527 = tpu.vector_load %arg6[%get3A_525, %get3A_526] {strides = array<i32>} : memref<1024x64xf32, #tpu.memory_space<vmem>>, vector<1x16xf32>,
      %get3A_528 = vector.shape_cast %get3A_527 : vector<1x16xf32> to vector<16xf32>
      %mul3A_529 = arith.constant 8.000000e+00 : f32
      %mul3A_530 = vector.broadcast %mul3A_529 : f32 to vector<16xf32>
      %mul3A_531 = arith.mulf %get3A_528, %mul3A_530 : vector<16xf32>
      %swap3A_532 = arith.index_cast %add3A_500 : i32 to index
      %swap3A_533 = arith.constant 32 : index
      %swap3A_534 = tpu.vector_load %arg6[%swap3A_532, %swap3A_533] {strides = array<i32>} : memref<1024x64xf32, #tpu.memory_space<vmem>>, vector<1x16xf32>,
      %swap3A_535 = vector.shape_cast %swap3A_534 : vector<1x16xf32> to vector<16xf32>
      %swap3A_536 = vector.shape_cast %mul3A_531 : vector<16xf32> to vector<1x16xf32>
      tpu.vector_store %arg6[%swap3A_532, %swap3A_533], %swap3A_536 {strides = array<i32>} : memref<1024x64xf32, #tpu.memory_space<vmem>>, vector<1x16xf32>,
      %get3A_537 = arith.index_cast %add3A_500 : i32 to index
      %get3A_538 = arith.constant 48 : index
      %get3A_539 = tpu.vector_load %arg6[%get3A_537, %get3A_538] {strides = array<i32>} : memref<1024x64xf32, #tpu.memory_space<vmem>>, vector<1x16xf32>,
      %get3A_540 = vector.shape_cast %get3A_539 : vector<1x16xf32> to vector<16xf32>
      %mul3A_541 = arith.constant 8.000000e+00 : f32
      %mul3A_542 = vector.broadcast %mul3A_541 : f32 to vector<16xf32>
      %mul3A_543 = arith.mulf %get3A_540, %mul3A_542 : vector<16xf32>
      %swap3A_544 = arith.index_cast %add3A_500 : i32 to index
      %swap3A_545 = arith.constant 48 : index
      %swap3A_546 = tpu.vector_load %arg6[%swap3A_544, %swap3A_545] {strides = array<i32>} : memref<1024x64xf32, #tpu.memory_space<vmem>>, vector<1x16xf32>,
      %swap3A_547 = vector.shape_cast %swap3A_546 : vector<1x16xf32> to vector<16xf32>
      %swap3A_548 = vector.shape_cast %mul3A_543 : vector<16xf32> to vector<1x16xf32>
      tpu.vector_store %arg6[%swap3A_544, %swap3A_545], %swap3A_548 {strides = array<i32>} : memref<1024x64xf32, #tpu.memory_space<vmem>>, vector<1x16xf32>,
      %mul3A_549 = arith.constant 4 : i32
      %mul3A_550 = arith.muli %scan3A_442, %mul3A_549 : i32
      %add3A_551 = arith.constant 512 : i32
      %add3A_552 = arith.addi %add3A_551, %mul3A_550 : i32
      %add3A_553 = arith.constant 2 : i32
      %add3A_554 = arith.addi %add3A_552, %add3A_553 : i32
      %get3A_555 = arith.index_cast %add3A_554 : i32 to index
      %get3A_556 = arith.constant 0 : index
      %get3A_557 = tpu.vector_load %arg6[%get3A_555, %get3A_556] {strides = array<i32>} : memref<1024x64xf32, #tpu.memory_space<vmem>>, vector<1x16xf32>,
      %get3A_558 = vector.shape_cast %get3A_557 : vector<1x16xf32> to vector<16xf32>
      %mul3A_559 = arith.constant 8.000000e+00 : f32
      %mul3A_560 = vector.broadcast %mul3A_559 : f32 to vector<16xf32>
      %mul3A_561 = arith.mulf %get3A_558, %mul3A_560 : vector<16xf32>
      %swap3A_562 = arith.index_cast %add3A_554 : i32 to index
      %swap3A_563 = arith.constant 0 : index
      %swap3A_564 = tpu.vector_load %arg6[%swap3A_562, %swap3A_563] {strides = array<i32>} : memref<1024x64xf32, #tpu.memory_space<vmem>>, vector<1x16xf32>,
      %swap3A_565 = vector.shape_cast %swap3A_564 : vector<1x16xf32> to vector<16xf32>
      %swap3A_566 = vector.shape_cast %mul3A_561 : vector<16xf32> to vector<1x16xf32>
      tpu.vector_store %arg6[%swap3A_562, %swap3A_563], %swap3A_566 {strides = array<i32>} : memref<1024x64xf32, #tpu.memory_space<vmem>>, vector<1x16xf32>,
      %get3A_567 = arith.index_cast %add3A_554 : i32 to index
      %get3A_568 = arith.constant 16 : index
      %get3A_569 = tpu.vector_load %arg6[%get3A_567, %get3A_568] {strides = array<i32>} : memref<1024x64xf32, #tpu.memory_space<vmem>>, vector<1x16xf32>,
      %get3A_570 = vector.shape_cast %get3A_569 : vector<1x16xf32> to vector<16xf32>
      %mul3A_571 = arith.constant 8.000000e+00 : f32
      %mul3A_572 = vector.broadcast %mul3A_571 : f32 to vector<16xf32>
      %mul3A_573 = arith.mulf %get3A_570, %mul3A_572 : vector<16xf32>
      %swap3A_574 = arith.index_cast %add3A_554 : i32 to index
      %swap3A_575 = arith.constant 16 : index
      %swap3A_576 = tpu.vector_load %arg6[%swap3A_574, %swap3A_575] {strides = array<i32>} : memref<1024x64xf32, #tpu.memory_space<vmem>>, vector<1x16xf32>,
      %swap3A_577 = vector.shape_cast %swap3A_576 : vector<1x16xf32> to vector<16xf32>
      %swap3A_578 = vector.shape_cast %mul3A_573 : vector<16xf32> to vector<1x16xf32>
      tpu.vector_store %arg6[%swap3A_574, %swap3A_575], %swap3A_578 {strides = array<i32>} : memref<1024x64xf32, #tpu.memory_space<vmem>>, vector<1x16xf32>,
      %get3A_579 = arith.index_cast %add3A_554 : i32 to index
      %get3A_580 = arith.constant 32 : index
      %get3A_581 = tpu.vector_load %arg6[%get3A_579, %get3A_580] {strides = array<i32>} : memref<1024x64xf32, #tpu.memory_space<vmem>>, vector<1x16xf32>,
      %get3A_582 = vector.shape_cast %get3A_581 : vector<1x16xf32> to vector<16xf32>
      %mul3A_583 = arith.constant 8.000000e+00 : f32
      %mul3A_584 = vector.broadcast %mul3A_583 : f32 to vector<16xf32>
      %mul3A_585 = arith.mulf %get3A_582, %mul3A_584 : vector<16xf32>
      %swap3A_586 = arith.index_cast %add3A_554 : i32 to index
      %swap3A_587 = arith.constant 32 : index
      %swap3A_588 = tpu.vector_load %arg6[%swap3A_586, %swap3A_587] {strides = array<i32>} : memref<1024x64xf32, #tpu.memory_space<vmem>>, vector<1x16xf32>,
      %swap3A_589 = vector.shape_cast %swap3A_588 : vector<1x16xf32> to vector<16xf32>
      %swap3A_590 = vector.shape_cast %mul3A_585 : vector<16xf32> to vector<1x16xf32>
      tpu.vector_store %arg6[%swap3A_586, %swap3A_587], %swap3A_590 {strides = array<i32>} : memref<1024x64xf32, #tpu.memory_space<vmem>>, vector<1x16xf32>,
      %get3A_591 = arith.index_cast %add3A_554 : i32 to index
      %get3A_592 = arith.constant 48 : index
      %get3A_593 = tpu.vector_load %arg6[%get3A_591, %get3A_592] {strides = array<i32>} : memref<1024x64xf32, #tpu.memory_space<vmem>>, vector<1x16xf32>,
      %get3A_594 = vector.shape_cast %get3A_593 : vector<1x16xf32> to vector<16xf32>
      %mul3A_595 = arith.constant 8.000000e+00 : f32
      %mul3A_596 = vector.broadcast %mul3A_595 : f32 to vector<16xf32>
      %mul3A_597 = arith.mulf %get3A_594, %mul3A_596 : vector<16xf32>
      %swap3A_598 = arith.index_cast %add3A_554 : i32 to index
      %swap3A_599 = arith.constant 48 : index
      %swap3A_600 = tpu.vector_load %arg6[%swap3A_598, %swap3A_599] {strides = array<i32>} : memref<1024x64xf32, #tpu.memory_space<vmem>>, vector<1x16xf32>,
      %swap3A_601 = vector.shape_cast %swap3A_600 : vector<1x16xf32> to vector<16xf32>
      %swap3A_602 = vector.shape_cast %mul3A_597 : vector<16xf32> to vector<1x16xf32>
      tpu.vector_store %arg6[%swap3A_598, %swap3A_599], %swap3A_602 {strides = array<i32>} : memref<1024x64xf32, #tpu.memory_space<vmem>>, vector<1x16xf32>,
      %mul3A_603 = arith.constant 4 : i32
      %mul3A_604 = arith.muli %scan3A_442, %mul3A_603 : i32
      %add3A_605 = arith.constant 512 : i32
      %add3A_606 = arith.addi %add3A_605, %mul3A_604 : i32
      %add3A_607 = arith.constant 3 : i32
      %add3A_608 = arith.addi %add3A_606, %add3A_607 : i32
      %get3A_609 = arith.index_cast %add3A_608 : i32 to index
      %get3A_610 = arith.constant 0 : index
      %get3A_611 = tpu.vector_load %arg6[%get3A_609, %get3A_610] {strides = array<i32>} : memref<1024x64xf32, #tpu.memory_space<vmem>>, vector<1x16xf32>,
      %get3A_612 = vector.shape_cast %get3A_611 : vector<1x16xf32> to vector<16xf32>
      %mul3A_613 = arith.constant 8.000000e+00 : f32
      %mul3A_614 = vector.broadcast %mul3A_613 : f32 to vector<16xf32>
      %mul3A_615 = arith.mulf %get3A_612, %mul3A_614 : vector<16xf32>
      %swap3A_616 = arith.index_cast %add3A_608 : i32 to index
      %swap3A_617 = arith.constant 0 : index
      %swap3A_618 = tpu.vector_load %arg6[%swap3A_616, %swap3A_617] {strides = array<i32>} : memref<1024x64xf32, #tpu.memory_space<vmem>>, vector<1x16xf32>,
      %swap3A_619 = vector.shape_cast %swap3A_618 : vector<1x16xf32> to vector<16xf32>
      %swap3A_620 = vector.shape_cast %mul3A_615 : vector<16xf32> to vector<1x16xf32>
      tpu.vector_store %arg6[%swap3A_616, %swap3A_617], %swap3A_620 {strides = array<i32>} : memref<1024x64xf32, #tpu.memory_space<vmem>>, vector<1x16xf32>,
      %get3A_621 = arith.index_cast %add3A_608 : i32 to index
      %get3A_622 = arith.constant 16 : index
      %get3A_623 = tpu.vector_load %arg6[%get3A_621, %get3A_622] {strides = array<i32>} : memref<1024x64xf32, #tpu.memory_space<vmem>>, vector<1x16xf32>,
      %get3A_624 = vector.shape_cast %get3A_623 : vector<1x16xf32> to vector<16xf32>
      %mul3A_625 = arith.constant 8.000000e+00 : f32
      %mul3A_626 = vector.broadcast %mul3A_625 : f32 to vector<16xf32>
      %mul3A_627 = arith.mulf %get3A_624, %mul3A_626 : vector<16xf32>
      %swap3A_628 = arith.index_cast %add3A_608 : i32 to index
      %swap3A_629 = arith.constant 16 : index
      %swap3A_630 = tpu.vector_load %arg6[%swap3A_628, %swap3A_629] {strides = array<i32>} : memref<1024x64xf32, #tpu.memory_space<vmem>>, vector<1x16xf32>,
      %swap3A_631 = vector.shape_cast %swap3A_630 : vector<1x16xf32> to vector<16xf32>
      %swap3A_632 = vector.shape_cast %mul3A_627 : vector<16xf32> to vector<1x16xf32>
      tpu.vector_store %arg6[%swap3A_628, %swap3A_629], %swap3A_632 {strides = array<i32>} : memref<1024x64xf32, #tpu.memory_space<vmem>>, vector<1x16xf32>,
      %get3A_633 = arith.index_cast %add3A_608 : i32 to index
      %get3A_634 = arith.constant 32 : index
      %get3A_635 = tpu.vector_load %arg6[%get3A_633, %get3A_634] {strides = array<i32>} : memref<1024x64xf32, #tpu.memory_space<vmem>>, vector<1x16xf32>,
      %get3A_636 = vector.shape_cast %get3A_635 : vector<1x16xf32> to vector<16xf32>
      %mul3A_637 = arith.constant 8.000000e+00 : f32
      %mul3A_638 = vector.broadcast %mul3A_637 : f32 to vector<16xf32>
      %mul3A_639 = arith.mulf %get3A_636, %mul3A_638 : vector<16xf32>
      %swap3A_640 = arith.index_cast %add3A_608 : i32 to index
      %swap3A_641 = arith.constant 32 : index
      %swap3A_642 = tpu.vector_load %arg6[%swap3A_640, %swap3A_641] {strides = array<i32>} : memref<1024x64xf32, #tpu.memory_space<vmem>>, vector<1x16xf32>,
      %swap3A_643 = vector.shape_cast %swap3A_642 : vector<1x16xf32> to vector<16xf32>
      %swap3A_644 = vector.shape_cast %mul3A_639 : vector<16xf32> to vector<1x16xf32>
      tpu.vector_store %arg6[%swap3A_640, %swap3A_641], %swap3A_644 {strides = array<i32>} : memref<1024x64xf32, #tpu.memory_space<vmem>>, vector<1x16xf32>,
      %get3A_645 = arith.index_cast %add3A_608 : i32 to index
      %get3A_646 = arith.constant 48 : index
      %get3A_647 = tpu.vector_load %arg6[%get3A_645, %get3A_646] {strides = array<i32>} : memref<1024x64xf32, #tpu.memory_space<vmem>>, vector<1x16xf32>,
      %get3A_648 = vector.shape_cast %get3A_647 : vector<1x16xf32> to vector<16xf32>
      %mul3A_649 = arith.constant 8.000000e+00 : f32
      %mul3A_650 = vector.broadcast %mul3A_649 : f32 to vector<16xf32>
      %mul3A_651 = arith.mulf %get3A_648, %mul3A_650 : vector<16xf32>
      %swap3A_652 = arith.index_cast %add3A_608 : i32 to index
      %swap3A_653 = arith.constant 48 : index
      %swap3A_654 = tpu.vector_load %arg6[%swap3A_652, %swap3A_653] {strides = array<i32>} : memref<1024x64xf32, #tpu.memory_space<vmem>>, vector<1x16xf32>,
      %swap3A_655 = vector.shape_cast %swap3A_654 : vector<1x16xf32> to vector<16xf32>
      %swap3A_656 = vector.shape_cast %mul3A_651 : vector<16xf32> to vector<1x16xf32>
      tpu.vector_store %arg6[%swap3A_652, %swap3A_653], %swap3A_656 {strides = array<i32>} : memref<1024x64xf32, #tpu.memory_space<vmem>>, vector<1x16xf32>,
    }
    %scan3A_405 = arith.constant 128 : i32
    %add3A_406 = arith.constant 101888 : i32
    %add3A_407 = arith.addi %mul3A_4, %add3A_406 : i32
    %dma_start3A_408 = arith.constant 512 : i32
    %dma_start3A_409 = arith.constant 0 : i32
    %dma_start3A_410 = tpu.memref_slice %arg6[%dma_start3A_408, %dma_start3A_409] : memref<1024x64xf32, #tpu.memory_space<vmem>> -> memref<512x64xf32, #tpu.memory_space<vmem>>
    %dma_start3A_411 = arith.constant 0 : i32
    %dma_start3A_412 = tpu.memref_slice %arg4[%add3A_407, %dma_start3A_411] : memref<3276800x64xf32, #tpu.memory_space<hbm>> -> memref<512x64xf32, #tpu.memory_space<hbm>>
    %dma_start3A_413 = arith.constant 0 : i32
    %dma_start3A_414 = tpu.memref_slice %arg4[%add3A_407, %dma_start3A_413] : memref<3276800x64xf32, #tpu.memory_space<hbm>> -> memref<512x64xf32, #tpu.memory_space<hbm>>
    %dma_start3A_415 = arith.constant 512 : i32
    %dma_start3A_416 = arith.constant 0 : i32
    %dma_start3A_417 = tpu.memref_slice %arg6[%dma_start3A_415, %dma_start3A_416] : memref<1024x64xf32, #tpu.memory_space<vmem>> -> memref<512x64xf32, #tpu.memory_space<vmem>>
    tpu.enqueue_dma source(%dma_start3A_417 : memref<512x64xf32, #tpu.memory_space<vmem>>) target(%dma_start3A_414 : memref<512x64xf32, #tpu.memory_space<hbm>>) target_semaphore(%arg10 : memref<!tpu.dma_semaphore, #tpu.memory_space<semaphore_mem>>)
    %dma_wait3A_418 = arith.constant 0 : i32
    %dma_wait3A_419 = arith.constant 0 : i32
    %dma_wait3A_420 = tpu.memref_slice %arg6[%dma_wait3A_418, %dma_wait3A_419] : memref<1024x64xf32, #tpu.memory_space<vmem>> -> memref<512x64xf32, #tpu.memory_space<vmem>>
    %dma_wait3A_421 = arith.constant 0 : i32
    %dma_wait3A_422 = arith.constant 0 : i32
    %dma_wait3A_423 = tpu.memref_slice %arg4[%dma_wait3A_421, %dma_wait3A_422] : memref<3276800x64xf32, #tpu.memory_space<hbm>> -> memref<512x64xf32, #tpu.memory_space<hbm>>
    %dma_wait3A_424 = arith.constant 0 : i32
    %dma_wait3A_425 = arith.constant 0 : i32
    %dma_wait3A_426 = tpu.memref_slice %arg4[%dma_wait3A_424, %dma_wait3A_425] : memref<3276800x64xf32, #tpu.memory_space<hbm>> -> memref<512x64xf32, #tpu.memory_space<hbm>>
    %dma_wait3A_427 = arith.constant 0 : i32
    %dma_wait3A_428 = arith.constant 0 : i32
    %dma_wait3A_429 = tpu.memref_slice %arg6[%dma_wait3A_427, %dma_wait3A_428] : memref<1024x64xf32, #tpu.memory_space<vmem>> -> memref<512x64xf32, #tpu.memory_space<vmem>>
    tpu.wait_dma2 semaphore(%arg9 : memref<!tpu.dma_semaphore, #tpu.memory_space<semaphore_mem>>) src(%dma_wait3A_429 : memref<512x64xf32, #tpu.memory_space<vmem>>) dst(%dma_wait3A_426 : memref<512x64xf32, #tpu.memory_space<hbm>>)
    %dma_wait3A_430 = arith.constant 512 : i32
    %dma_wait3A_431 = arith.constant 0 : i32
    %dma_wait3A_432 = tpu.memref_slice %arg6[%dma_wait3A_430, %dma_wait3A_431] : memref<1024x64xf32, #tpu.memory_space<vmem>> -> memref<512x64xf32, #tpu.memory_space<vmem>>
    %dma_wait3A_433 = arith.constant 0 : i32
    %dma_wait3A_434 = arith.constant 0 : i32
    %dma_wait3A_435 = tpu.memref_slice %arg4[%dma_wait3A_433, %dma_wait3A_434] : memref<3276800x64xf32, #tpu.memory_space<hbm>> -> memref<512x64xf32, #tpu.memory_space<hbm>>
    %dma_wait3A_436 = arith.constant 0 : i32
    %dma_wait3A_437 = arith.constant 0 : i32
    %dma_wait3A_438 = tpu.memref_slice %arg4[%dma_wait3A_436, %dma_wait3A_437] : memref<3276800x64xf32, #tpu.memory_space<hbm>> -> memref<512x64xf32, #tpu.memory_space<hbm>>
    %dma_wait3A_439 = arith.constant 512 : i32
    %dma_wait3A_440 = arith.constant 0 : i32
    %dma_wait3A_441 = tpu.memref_slice %arg6[%dma_wait3A_439, %dma_wait3A_440] : memref<1024x64xf32, #tpu.memory_space<vmem>> -> memref<512x64xf32, #tpu.memory_space<vmem>>
    tpu.wait_dma2 semaphore(%arg10 : memref<!tpu.dma_semaphore, #tpu.memory_space<semaphore_mem>>) src(%dma_wait3A_441 : memref<512x64xf32, #tpu.memory_space<vmem>>) dst(%dma_wait3A_438 : memref<512x64xf32, #tpu.memory_space<hbm>>)
    return
  }
}

</mosaic_0001>

<sc_bundles>
// kernel: kernel.3.cloned.1.call-start
scs
__scs_entry_jumppad:
0x0: {  	(pc) =	sbr.rel $0x88, $3  }
0x1: {  	(tag) =	ssettag $0x0;
	lr =	simm.s32 $0x1  }
0x2: {  	[smem:$0x3F9F] =	sst lr;
	_ =	strace $0xD0000000  }
0x3: {  	_ = 	snop  }
0x4: {  	_ = 	snop  }
0x5: {  	_ = 	snop  }
0x6: {  	_ = 	snop  }
0x7: {  	_ = 	snop  }
__scs_overlays_trampoline_lowered:
0x8: {  	[smem:$0x3FAE] =	sst s0  }
0x9: {  	[smem:$0x3FAF] =	sst s1  }
0xa: {  	[smem:$0x3FB0] =	sst s2  }
0xb: {  	[smem:$0x3FB1] =	sst s3  }
0xc: {  	[smem:$0x3FB2] =	sst s4  }
0xd: {  	[smem:$0x3FB3] =	sst s5  }
0xe: {  	[smem:$0x3FB4] =	sst s6  }
0xf: {  	[smem:$0x3FB5] =	sst s7  }
0x10: {  	[smem:$0x3FB6] =	sst s8  }
0x11: {  	[smem:$0x3FB7] =	sst s9;
	s0 =	simm.s32 @!p0 $0x0  }
0x12: {  	s1 =	sld [smem:$0x3F9D];
	s0 =	simm.s32 @p0 $0x1  }
0x13: {  	[smem:$0x3FB8] =	sst s0;
	s0 =	simm.s32 @!p1 $0x0  }
0x14: {  	s2 =	sld [smem:$0x3F9C];
	s0 =	simm.s32 @p1 $0x1  }
0x15: {  	[smem:$0x3FB9] =	sst s0;
	s0 =	simm.s32 @!p2 $0x0  }
0x16: {  	s3 =	sld [smem:$0x3FDB];
	s0 =	simm.s32 @p2 $0x1  }
0x17: {  	s4 =	simm.s32 $0x1BF5;
	[smem:$0x3FBB] =	sst s0  }
0x18: {  	s0 =	sld [smem:$0x3F9E];
	_ =	swait.ge [sflag:s4], $0x0  }
0x19: {  	s7 =	sld [smem:$0x3F9F]  }
0x1a: {  	s8 =	sadd.s32 $0xFFFFE003, lr  }
0x1b: {  	s9 =	sadd.s32 $0xFFFFFEF7, lr;
	s5 =	simm.s32 $0xFFFFFFFF;
	p2 =	slt.u32 s8, $0xFFFFF086  }
0x1c: {  	p1 =	slt.u32 s9, $0xF7A;
	s5 =	simm.s32 @!p2 $0x0  }
0x1d: {  	s5 =	simm.s32 @p1 $0x1;
	p0 =	seq.s32 s7, s2  }
0x1e: {  	s7 =	smul.u32 @!p0 $0xF7A, s2;
	p2 =	seq.s32 @!p0 s5, $0x0  }
0x1f: {  	s9 =	smul.u32 $0xF7A, s1;
	s8 =	simm.s32 @!p0 $0x1BF5;
	p2 =	por !p2, p0  }
0x20: {  	[sflag:s8] =	ssyncset.s32 @!p0 $0xFFFFF086;
	s6 =	sadd.s32 @!p0 s3, s7;
	s7 =	simm.s32 @!p0 $0x108  }
0x21: {  	s3 =	sadd.s32 s3, s9;
	s6 =	sadd.s32 @!p0 $0x88, s6;
	s7 =	simm.s32 @p2 $0x1082  }
0x22: {  	[simem:s7], [sflag:s8] =	dma.local @!p0 [hbm:s6], $0xF7A  }
0x23: {  	s9 =	sor.u32 $0xD0000000, s2;
	s6 =	simm.s32 $0x108;
	_ =	swait.ge @!p0 [sflag:s8], $0x0  }
0x24: {  	s3 =	sadd.s32 $0x88, s3;
	s6 =	simm.s32 @!p1 $0x1082;
	[sflag:s4] =	ssyncset.s32 $0xFFFFF086  }
0x25: {  	[simem:s6], [sflag:s4] =	dma.local [hbm:s3], $0xF7A  }
0x26: {  	[smem:$0x3F9F] =	sst s1;
	(tag) =	ssettag s2;
	_ =	strace s9  }
0x27: {  	s1 =	sld [smem:$0x3FAF]  }
0x28: {  	s2 =	sld [smem:$0x3FB0]  }
0x29: {  	s4 =	sld [smem:$0x3FB2]  }
0x2a: {  	p0 =	seq.s32 s5, $0x0;
	s5 =	sld [smem:$0x3FB3]  }
0x2b: {  	s6 =	sld [smem:$0x3FB4]  }
0x2c: {  	s7 =	sld [smem:$0x3FB5]  }
0x2d: {  	s3 =	simm.s32 $0x108;
	s8 =	sld [smem:$0x3FB6]  }
0x2e: {  	s3 =	simm.s32 @!p0 $0x1082;
	s9 =	sld [smem:$0x3FB7]  }
0x2f: {  	lr =	sadd.s32 s0, s3;
	s0 =	sld [smem:$0x3FAE]  }
0x30: {  	s3 =	sld [smem:$0x3FB1]  }
0x31: {  	[smem:$0x3FBA] =	sst s10  }
0x32: {  	s10 =	sld [smem:$0x3FB8];
	_ =	sdelay $0x3  }
0x33: {  	p0 =	seq.s32 s10, $0x1;
	s10 =	sld [smem:$0x3FBA];
	_ =	sdelay $0x3  }
0x34: {  	[smem:$0x3FBA] =	sst s10  }
0x35: {  	s10 =	sld [smem:$0x3FB9];
	_ =	sdelay $0x3  }
0x36: {  	p1 =	seq.s32 s10, $0x1;
	s10 =	sld [smem:$0x3FBA];
	_ =	sdelay $0x3  }
0x37: {  	[smem:$0x3FBA] =	sst s10  }
0x38: {  	s10 =	sld [smem:$0x3FBB]  }
0x39: {  	_ = 	snop;
	(pc) =	sbr.ind lr, $3  }
0x3a: {  	_ = 	snop  }
0x3b: {  	_ = 	snop  }
0x3c: {  	p2 =	seq.s32 s10, $0x1;
	s10 =	sld [smem:$0x3FBA]  }
0x3d: {  	_ =	shalt  }
0x3e: {  	_ =	shalt  }
0x3f: {  	_ =	shalt  }
0x40: {  	_ =	shalt  }
0x41: {  	_ =	shalt  }
0x42: {  	_ =	shalt  }
0x43: {  	_ =	shalt  }
0x44: {  	_ =	shalt  }
0x45: {  	_ =	shalt  }
0x46: {  	_ =	shalt  }
0x47: {  	_ =	shalt  }
0x48: {  	_ =	shalt  }
0x49: {  	_ =	shalt  }
0x4a: {  	_ =	shalt  }
0x4b: {  	_ =	shalt  }
0x4c: {  	_ =	shalt  }
0x4d: {  	_ =	shalt  }
0x4e: {  	_ =	shalt  }
0x4f: {  	_ =	shalt  }
0x50: {  	_ =	shalt  }
0x51: {  	_ =	shalt  }
0x52: {  	_ =	shalt  }
0x53: {  	_ =	shalt  }
0x54: {  	_ =	shalt  }
0x55: {  	_ =	shalt  }
0x56: {  	_ =	shalt  }
0x57: {  	_ =	shalt  }
0x58: {  	_ =	shalt  }
0x59: {  	_ =	shalt  }
0x5a: {  	_ =	shalt  }
0x5b: {  	_ =	shalt  }
0x5c: {  	_ =	shalt  }
0x5d: {  	_ =	shalt  }
0x5e: {  	_ =	shalt  }
0x5f: {  	_ =	shalt  }
0x60: {  	_ =	shalt  }
0x61: {  	_ =	shalt  }
0x62: {  	_ =	shalt  }
0x63: {  	_ =	shalt  }
0x64: {  	_ =	shalt  }
0x65: {  	_ =	shalt  }
0x66: {  	_ =	shalt  }
0x67: {  	_ =	shalt  }
0x68: {  	_ =	shalt  }
0x69: {  	_ =	shalt  }
0x6a: {  	_ =	shalt  }
0x6b: {  	_ =	shalt  }
0x6c: {  	_ =	shalt  }
0x6d: {  	_ =	shalt  }
0x6e: {  	_ =	shalt  }
0x6f: {  	_ =	shalt  }
0x70: {  	_ =	shalt  }
0x71: {  	_ =	shalt  }
0x72: {  	_ =	shalt  }
0x73: {  	_ =	shalt  }
0x74: {  	_ =	shalt  }
0x75: {  	_ =	shalt  }
0x76: {  	_ =	shalt  }
0x77: {  	_ =	shalt  }
0x78: {  	_ =	shalt  }
0x79: {  	_ =	shalt  }
0x7a: {  	_ =	shalt  }
0x7b: {  	_ =	shalt  }
0x7c: {  	_ =	shalt  }
0x7d: {  	_ =	shalt  }
0x7e: {  	_ =	shalt  }
0x7f: {  	_ =	shalt  }
0x80: {  	_ =	shalt  }
0x81: {  	_ =	shalt  }
0x82: {  	_ =	shalt  }
0x83: {  	_ =	shalt  }
0x84: {  	_ =	shalt  }
0x85: {  	_ =	shalt  }
0x86: {  	_ =	shalt  }
0x87: {  	_ =	shalt  }
.Lfunc_end0:
.L_simem_size_0:
called_computation.1_lowered:
.L_overlay_start_0:
0x88: {  	s2 =	sld [smem:$0x3FD9]  }
0x89: {  	s3 =	sld [smem:$0x3FFE];
	_ =	sdelay $0x1  }
0x8a: {  	s1 =	srdreg.scid  }
0x8b: {  	s0 =	sand.u32 $0x1, s1  }
0x8c: {  	s17 =	sshll.u32 s0, $0xA;
	s2 =	sadd.s32 s3, s2  }
0x8d: {  	s2 =	sadd.s32 s2, s17  }
0x8e: {  	[smem:$0x3FC6] =	sst s2  }
0x8f: {  	_ = 	snop  }
0x90: {  	s2 =	sld [smem:$0x3FD0];
	(tm) =	ssettm $0x1  }
0x91: {  	s18 =	sld [smem:$0x3FFB];
	_ =	sdelay $0x3  }
0x92: {  	_ =	strace s18  }
0x93: {  	s3 =	sld [smem:$0x3FFC];
	_ =	sdelay $0x3  }
0x94: {  	_ =	strace s3  }
0x95: {  	s3 =	sld [smem:$0x3FFD];
	_ =	sdelay $0x3  }
0x96: {  	_ =	strace s3  }
0x97: {  	_ =	strace $0x8FFFFFFF  }
0x98: {  	s19 =	sld [smem:$0x3FDB];
	_ =	sdelay $0x1  }
0x99: {  	s4 =	simm.s32 $_scs_section_size  }
0x9a: {  	s5 =	simm.s32 $_size__tile_overlayer_lowered;
	s6 =	simm.s32 $_tile_overlayer_lowered  }
0x9b: {  	s22 =	simm.s32 $0x1BFF;
	s21 =	sshll.u32 s6, $0x1;
	s3 =	sadd.s32 s4, s19  }
0x9c: {  	s7 =	simm.s32 $0x0;
	s20 =	sshll.u32 s5, $0x1;
	s5 =	sadd.s32 s21, s3  }
0x9d: {  	[timem:s7], [sflag:s22] =	dma.local [hbm:s5], s20  }
0x9e: {  	_ =	swait.ge [sflag:s22], s20  }
0x9f: {  	s4 =	ssub.s32 $0x0, s20;
	[sflag:s22] =	ssyncset.done $0x0  }
0xa0: {  	[sflag:s22] =	ssyncadd.s32 s4;
	_ =	sdelay $0x1  }
0xa1: {  	s23 =	simm.s32 $0x1B8B  }
0xa2: {  	_ =	swait.ge [sflag:s23], $0x1  }
0xa3: {  	[sflag:s23] =	ssyncset.done $0x0  }
0xa4: {  	s25 =	simm.s32 $0x1B8E;
	s24 =	sld [smem:$0x3FFE];
	[sflag:s23] =	ssyncadd.s32 $0xFFFFFFFF  }
0xa5: {  	s26 =	simm.s32 $execute0_lowered;
	[smem:$0x3FD2] =	sst s25  }
0xa6: {  	s5 =	sshll.u32 s26, $0x1;
	_ =	strace $0x80000046;
	[dreg:$0x1] =	wrdreg $0xFFFFFFFF  }
0xa7: {  	s28 =	simm.s32 $_size_execute0_lowered;
	s3 =	sadd.s32 s3, s5;
	[dreg:$0x0] =	wrdreg $0x0  }
0xa8: {  	s5 =	sshll.u32 s28, $0x1;
	[dreg:$0x2] =	wrdreg s3  }
0xa9: {  	[dreg:$0x3] =	wrdreg s5  }
0xaa: {  	[dreg:$0x4] =	wrdreg $0xC0  }
0xab: {  	_ =	task [dreg:s7], $0x5FFFF  }
0xac: {  	[dreg:$0x1] =	wrdreg $0xFFFFFFFF  }
0xad: {  	[dreg:$0x0] =	wrdreg $0x60  }
0xae: {  	[dreg:$0x2] =	wrdreg s24  }
0xaf: {  	[dreg:$0x3] =	wrdreg s2  }
0xb0: {  	[dreg:$0x4] =	wrdreg $0x9  }
0xb1: {  	_ =	task.clear_ibuf [dreg:s7], $0x5FFFF;
	_ =	strace $0x90000046  }
0xb2: {  	s29 =	simm.s32 $0x9;
	_ =	strace $0x80000048  }
0xb3: {  	_ =	swait.ge [sflag:s29], $0x1  }
0xb4: {  	[sflag:s29] =	ssyncadd.s32 $0xFFFFFFFF  }
0xb5: {  	_ =	strace $0x90000048  }
0xb6: {  	_ =	sfence  }
0xb7: {  	s30 =	sld [smem:$0x0];
	_ =	sdelay $0x2  }
0xb8: {  	s31 =	sshll.u32 s1, $0xD;
	s1 =	sshrl.u32 s1, $0x2  }
0xb9: {  	s3 =	sand.u32 $0x4000, s31;
	s1 =	sadd.s32 s1, s30  }
0xba: {  	s0 =	sor.u32 s3, s0;
	s1 =	sshll.u32 s1, $0x11  }
0xbb: {  	s0 =	sor.u32 s1, s0  }
0xbc: {  	s0 =	sadd.s32 $0x8F2B, s0  }
0xbd: {  	[sflag:s0] =	ssyncadd.remote.s32 $0x1  }
0xbe: {  	_ =	sfence.sel $0xFFFF  }
0xbf: {  	[dreg:$0x0] =	wrdreg $0xFFFFFFFF;
	(pc) =	sbr.abs _section_cstart, $3  }
0xc0: {  	[dreg:$0x1] =	wrdreg $0xFFFFFFFF  }
0xc1: {  	_ =	task.clear_ibuf [dreg:s7], $0x2FFFF;
	_ =	strace $0x9FFFFFFF  }
0xc2: {  	(tm) =	ssettm $0x7FFFFFFF  }
0xc3: {  	_ =	shalt  }
tec
execute0_lowered:
.L_overlay_start_1:
0x0: {  	(tag) =	ssettag $0x1  }
0x1: {  	s0 =	rddreg [dreg:$0x0]  }
0x2: {  	s9 =	rddreg [dreg:$0x1];
	s3 =	simm.s32 $0x0  }
0x3: {  	s1 =	srdreg.scid;
	s2 =	stileid.u32;
	s28 =	simm.s32 $0x1  }
0x4: {  	s29 =	simm.s32 $0x6;
	s30 =	simm.s32 $0x8400;
	s31 =	simm.s32 $0x280  }
0x5: {  	s11 =	simm.s32 $0xE400;
	s1 =	sand.u32 $0x1, s1;
	s2 =	sshll.u32 s2, $0x1  }
0x6: {  	s15 =	simm.s32 $0x2;
	s16 =	simm.s32 $0x3;
	s2 =	sor.u32 s1, s2  }
0x7: {  	s17 =	simm.s32 $0x5;
	s10 =	simm.s32 $0x4;
	s6 =	smul.u32 $0x3200, s2  }
0x8: {  	[smem:$0x7FF] =	sst s3;
	s4 =	sadd.s32 $0x800, s0;
	s8 =	smul.u32 $0xC8000, s2  }
0x9: {  	s5 =	sadd.s32 $0x64800, s0;
	s1 =	ssub.s32 $0x2, s1;
	s7 =	smul.u32 $0x640000, s2  }
0xa: {  	_ =	strace $0x80000047;
	s19 =	sshrl.u32 s1, $0x1;
	s20 =	smul.u32 $0x320, s2  }
0xb: {  	s0 =	ssub.s32 s1, s19;
	s19 =	simm.s32 $0x80;
	s1 =	simm.s32 $0x300  }
0xc: {  	s6 =	sadd.s32 s4, s6;
	s8 =	sadd.s32 s9, s8;
	s24 =	sshrl.u32 s7, $0x3  }
0xd: {  	s13 =	sor.u32 $0x8, s20;
	s14 =	sor.u32 $0xC, s20;
	s0 =	smax.u32 s0, $0x1  }
0xe: {  	s20 =	simm.s32 $0x400;
	s21 =	sadd.s32 $0x40, s6;
	[dreg:$0x3] =	wrdreg s6  }
0xf: {  	s22 =	sadd.s32 $0x80, s6;
	s23 =	sadd.s32 $0xC0, s6;
	[dreg:$0x6] =	wrdreg s8  }
0x10: {  	s12 =	sadd.s32 $0x1000, s8;
	s2 =	sadd.s32 s9, s24;
	[dreg:$0xa] =	wrdreg s0  }
0x11: {  	s24 =	simm.s32 $0x180;
	s0 =	simm.s32 $0xA400;
	[dreg:$0x4] =	wrdreg s21  }
0x12: {  	s8 =	simm.s32 $0xC400;
	s9 =	simm.s32 $0x380;
	[dreg:$0x5] =	wrdreg s22  }
0x13: {  	s6 =	simm.s32 $0x0;
	[dreg:$0x7] =	wrdreg s23;
	s25 =	sadd.s32 $0xC6000, s2  }
0x14: {  	s26 =	sadd.s32 $0xC7000, s2;
	s23 =	simm.s32 $0x4400;
	[dreg:$0x8] =	wrdreg s25  }
0x15: {  	[dreg:$0x9] =	wrdreg s26;
	s25 =	simm.s32 $0x6400;
	s26 =	simm.s32 $0x200  }
.LBB2_1:
0x16: {  	[dreg:$0xb] =	wrdreg s6  }
0x17: {  	s2 =	rddreg [dreg:$0x3];
	s22 =	simm.s32 $0x7  }
0x18: {  	[tilespmem:s3], [sflag:$0x7] =	stream.linear.gather [hbm4b:s2+s3], $0x200, $0x38;
	[tilespmem:$0x10400] =	vst v63  }
0x19: {  	_ =	swait.ge [sflag:s22], $0x200  }
0x1a: {  	[sflag:s22] =	ssyncset.done $0x0  }
0x1b: {  	[sflag:s22] =	ssyncadd.s32 $0xFFFFFE00  }
0x1c: {  	[tilespmem:s20], [sflag:$0x1] =	stream.indirect.gather [hbm4b:s5+s19], $0x40, s3, s19, $0xb8;
	[tilespmem:$0x10400] =	vst v63  }
0x1d: {  	s6 =	simm.s32 $0x2400  }
0x1e: {  	[tilespmem:s6], [sflag:$0x1] =	stream.indirect.gather [hbm4b:s5+s19], $0x40, s19, s19, $0xb8;
	[tilespmem:$0x10400] =	vst v63  }
0x1f: {  	s18 =	simm.s32 $0x100  }
0x20: {  	[tilespmem:s23], [sflag:$0x1] =	stream.indirect.gather [hbm4b:s5+s19], $0x40, s18, s19, $0xb8;
	[tilespmem:$0x10400] =	vst v63  }
0x21: {  	_ = 	snop  }
0x22: {  	[tilespmem:s25], [sflag:$0x1] =	stream.indirect.gather [hbm4b:s5+s19], $0x40, s24, s19, $0xb8;
	[tilespmem:$0x10400] =	vst v63  }
0x23: {  	s21 =	rddreg [dreg:$0x4]  }
0x24: {  	[tilespmem:s26], [sflag:$0x6] =	stream.linear.gather [hbm4b:s21+s3], $0x200, $0x38;
	[tilespmem:$0x10400] =	vst v63  }
0x25: {  	_ =	swait.ge [sflag:s28], $0x8000  }
0x26: {  	[sflag:s28] =	ssyncset.done $0x0  }
0x27: {  	s2 =	simm.s32 $0x0;
	s22 =	rddreg [dreg:$0x5];
	[sflag:s28] =	ssyncadd.s32 $0xFFFF8000  }
0x28: {  	[tilespmem:s3], [sflag:$0x5] =	stream.linear.gather [hbm4b:s22+s3], $0x200, $0x38;
	[tilespmem:$0x10400] =	vst v63  }
0x29: {  	v0 =	vld [tilespmem:s2+$0x400]  }
0x2a: {  	v1 =	vld [tilespmem:s2+$0x410]  }
0x2b: {  	v2 =	vld [tilespmem:s2+$0x420]  }
0x2c: {  	v3 =	vld [tilespmem:s2+$0x430]  }
0x2d: {  	v4 =	vld [tilespmem:s2+$0x440]  }
0x2e: {  	v5 =	vld [tilespmem:s2+$0x450];
	v0 =	vmul.f32 $8.000000000e+00, v0  }
0x2f: {  	v6 =	vld [tilespmem:s2+$0x460];
	v1 =	vmul.f32 $8.000000000e+00, v1  }
0x30: {  	v7 =	vld [tilespmem:s2+$0x470];
	[tilespmem:s2+$0x400] =	vst v0;
	v0 =	vmul.f32 $8.000000000e+00, v2  }
0x31: {  	v8 =	vld [tilespmem:s2+$0x480];
	[tilespmem:s2+$0x410] =	vst v1;
	v1 =	vmul.f32 $8.000000000e+00, v3  }
0x32: {  	v9 =	vld [tilespmem:s2+$0x490];
	[tilespmem:s2+$0x420] =	vst v0;
	v0 =	vmul.f32 $8.000000000e+00, v4  }
0x33: {  	v2 =	vmul.f32 $8.000000000e+00, v5;
	[tilespmem:s2+$0x430] =	vst v1;
	v1 =	vld [tilespmem:s2+$0x4A0]  }
0x34: {  	v3 =	vmul.f32 $8.000000000e+00, v6;
	[tilespmem:s2+$0x440] =	vst v0;
	v0 =	vld [tilespmem:s2+$0x4B0]  }
0x35: {  	[tilespmem:s2+$0x450] =	vst v2;
	v2 =	vld [tilespmem:s2+$0x4C0];
	v4 =	vmul.f32 $8.000000000e+00, v7  }
0x36: {  	v6 =	vmul.f32 $8.000000000e+00, v8;
	[tilespmem:s2+$0x460] =	vst v3;
	v3 =	vld [tilespmem:s2+$0x4D0]  }
0x37: {  	s6 =	simm.s32 $0x400;
	v5 =	vmul.f32 $8.000000000e+00, v9;
	[tilespmem:s2+$0x470] =	vst v4;
	v4 =	vld [tilespmem:s2+$0x4E0]  }
.LBB2_2:
0x38: {  	s18 =	sshra.s32 s6, $0x2;
	p0 =	sne.s32 s6, $0x1FC00;
	[tilespmem:s2+$0x480] =	vst v6;
	v1 =	vmul.f32 $8.000000000e+00, v1;
	v6 =	vld [tilespmem:s2+$0x4F0]  }
0x39: {  	v7 =	vld [tilespmem:s18+$0x400];
	[tilespmem:s2+$0x490] =	vst v5;
	v0 =	vmul.f32 $8.000000000e+00, v0  }
0x3a: {  	v5 =	vld [tilespmem:s18+$0x410];
	[tilespmem:s2+$0x4A0] =	vst v1;
	v1 =	vmul.f32 $8.000000000e+00, v2  }
0x3b: {  	v2 =	vld [tilespmem:s18+$0x420];
	[tilespmem:s2+$0x4B0] =	vst v0;
	v0 =	vmul.f32 $8.000000000e+00, v3  }
0x3c: {  	v3 =	vld [tilespmem:s18+$0x430];
	[tilespmem:s2+$0x4C0] =	vst v1;
	v1 =	vmul.f32 $8.000000000e+00, v4  }
0x3d: {  	v4 =	vld [tilespmem:s18+$0x440];
	[tilespmem:s2+$0x4D0] =	vst v0;
	v0 =	vmul.f32 $8.000000000e+00, v6  }
0x3e: {  	v6 =	vmul.f32 $8.000000000e+00, v7;
	v7 =	vld [tilespmem:s18+$0x450];
	[tilespmem:s2+$0x4E0] =	vst v1  }
0x3f: {  	v1 =	vmul.f32 $8.000000000e+00, v5;
	v5 =	vld [tilespmem:s18+$0x460];
	[tilespmem:s2+$0x4F0] =	vst v0;
	s2 =	smov.u32 s18  }
0x40: {  	[tilespmem:s2+$0x400] =	vst v6;
	v0 =	vmul.f32 $8.000000000e+00, v2;
	v2 =	vld [tilespmem:s2+$0x470]  }
0x41: {  	[tilespmem:s2+$0x410] =	vst v1;
	v1 =	vmul.f32 $8.000000000e+00, v3;
	v3 =	vld [tilespmem:s2+$0x480]  }
0x42: {  	[tilespmem:s2+$0x420] =	vst v0;
	v0 =	vmul.f32 $8.000000000e+00, v4;
	v4 =	vld [tilespmem:s2+$0x490]  }
.Ltmp0:
0x43: {  	[tilespmem:s2+$0x430] =	vst v1;
	v6 =	vmul.f32 $8.000000000e+00, v7;
	v1 =	vld [tilespmem:s2+$0x4A0];
	(pc) =	sbr.rel @p0 .LBB2_2-.Ltmp0, $4  }
0x44: {  	[tilespmem:s2+$0x440] =	vst v0;
	v5 =	vmul.f32 $8.000000000e+00, v5;
	v0 =	vld [tilespmem:s2+$0x4B0]  }
0x45: {  	[tilespmem:s2+$0x450] =	vst v6;
	v7 =	vmul.f32 $8.000000000e+00, v2;
	v2 =	vld [tilespmem:s2+$0x4C0]  }
0x46: {  	[tilespmem:s2+$0x460] =	vst v5;
	v6 =	vmul.f32 $8.000000000e+00, v3;
	v3 =	vld [tilespmem:s2+$0x4D0]  }
0x47: {  	s6 =	sadd.s32 $0x400, s6;
	[tilespmem:s2+$0x470] =	vst v7;
	v5 =	vmul.f32 $8.000000000e+00, v4;
	v4 =	vld [tilespmem:s2+$0x4E0]  }
0x48: {  	[tilespmem:s2+$0x480] =	vst v6;
	v1 =	vmul.f32 $8.000000000e+00, v1;
	v6 =	vld [tilespmem:s2+$0x4F0]  }
0x49: {  	[tilespmem:s2+$0x490] =	vst v5;
	v0 =	vmul.f32 $8.000000000e+00, v0  }
0x4a: {  	[tilespmem:s2+$0x4A0] =	vst v1;
	v1 =	vmul.f32 $8.000000000e+00, v2  }
0x4b: {  	[tilespmem:s2+$0x4B0] =	vst v0;
	v0 =	vmul.f32 $8.000000000e+00, v3  }
0x4c: {  	[tilespmem:s2+$0x4C0] =	vst v1;
	v1 =	vmul.f32 $8.000000000e+00, v4  }
0x4d: {  	[tilespmem:s2+$0x4D0] =	vst v0;
	v0 =	vmul.f32 $8.000000000e+00, v6  }
0x4e: {  	[tilespmem:s2+$0x4E0] =	vst v1  }
0x4f: {  	s21 =	simm.s32 $0x0;
	s6 =	rddreg [dreg:$0x6];
	[tilespmem:s2+$0x4F0] =	vst v0  }
0x50: {  	[hbm4b:s6+s21] =	stream.linear.scatter [tilespmem:s20], [sflag:$0x3], $0x8000, $0x38;
	[tilespmem:$0x10400] =	vst v63  }
0x51: {  	_ =	swait.ge [sflag:s29], $0x200  }
0x52: {  	[sflag:s29] =	ssyncset.done $0x0  }
0x53: {  	[sflag:s29] =	ssyncadd.s32 $0xFFFFFE00  }
0x54: {  	[tilespmem:s30], [sflag:$0x2] =	stream.indirect.gather [hbm4b:s5+s19], $0x40, s26, s19, $0xb8;
	[tilespmem:$0x10400] =	vst v63  }
0x55: {  	_ = 	snop  }
0x56: {  	[tilespmem:s0], [sflag:$0x2] =	stream.indirect.gather [hbm4b:s5+s19], $0x40, s31, s19, $0xb8;
	[tilespmem:$0x10400] =	vst v63  }
0x57: {  	_ = 	snop  }
0x58: {  	[tilespmem:s8], [sflag:$0x2] =	stream.indirect.gather [hbm4b:s5+s19], $0x40, s1, s19, $0xb8;
	[tilespmem:$0x10400] =	vst v63  }
0x59: {  	_ = 	snop  }
0x5a: {  	[tilespmem:s11], [sflag:$0x2] =	stream.indirect.gather [hbm4b:s5+s19], $0x40, s9, s19, $0xb8;
	[tilespmem:$0x10400] =	vst v63  }
0x5b: {  	_ =	swait.ge [sflag:s15], $0x8000  }
0x5c: {  	[sflag:s15] =	ssyncset.done $0x0  }
0x5d: {  	s2 =	simm.s32 $0x0;
	s22 =	rddreg [dreg:$0x7];
	[sflag:s15] =	ssyncadd.s32 $0xFFFF8000  }
0x5e: {  	[tilespmem:s26], [sflag:$0x6] =	stream.linear.gather [hbm4b:s22+s21], $0x200, $0x38;
	[tilespmem:$0x10400] =	vst v63  }
0x5f: {  	v0 =	vld [tilespmem:s2+$0x8400]  }
0x60: {  	v1 =	vld [tilespmem:s2+$0x8410]  }
0x61: {  	v2 =	vld [tilespmem:s2+$0x8420]  }
0x62: {  	v3 =	vld [tilespmem:s2+$0x8430]  }
0x63: {  	v4 =	vld [tilespmem:s2+$0x8440]  }
0x64: {  	v5 =	vld [tilespmem:s2+$0x8450];
	v0 =	vmul.f32 $8.000000000e+00, v0  }
0x65: {  	v6 =	vld [tilespmem:s2+$0x8460];
	v1 =	vmul.f32 $8.000000000e+00, v1  }
0x66: {  	v7 =	vld [tilespmem:s2+$0x8470];
	[tilespmem:s2+$0x8400] =	vst v0;
	v0 =	vmul.f32 $8.000000000e+00, v2  }
0x67: {  	v8 =	vld [tilespmem:s2+$0x8480];
	[tilespmem:s2+$0x8410] =	vst v1;
	v1 =	vmul.f32 $8.000000000e+00, v3  }
0x68: {  	v9 =	vld [tilespmem:s2+$0x8490];
	[tilespmem:s2+$0x8420] =	vst v0;
	v0 =	vmul.f32 $8.000000000e+00, v4  }
0x69: {  	v2 =	vmul.f32 $8.000000000e+00, v5;
	[tilespmem:s2+$0x8430] =	vst v1;
	v1 =	vld [tilespmem:s2+$0x84A0]  }
0x6a: {  	v3 =	vmul.f32 $8.000000000e+00, v6;
	[tilespmem:s2+$0x8440] =	vst v0;
	v0 =	vld [tilespmem:s2+$0x84B0]  }
0x6b: {  	[tilespmem:s2+$0x8450] =	vst v2;
	v2 =	vld [tilespmem:s2+$0x84C0];
	v4 =	vmul.f32 $8.000000000e+00, v7  }
0x6c: {  	v6 =	vmul.f32 $8.000000000e+00, v8;
	[tilespmem:s2+$0x8460] =	vst v3;
	v3 =	vld [tilespmem:s2+$0x84D0]  }
0x6d: {  	s6 =	simm.s32 $0x400;
	v5 =	vmul.f32 $8.000000000e+00, v9;
	[tilespmem:s2+$0x8470] =	vst v4;
	v4 =	vld [tilespmem:s2+$0x84E0]  }
.LBB2_4:
0x6e: {  	s18 =	sshra.s32 s6, $0x2;
	p0 =	sne.s32 s6, $0x1FC00;
	[tilespmem:s2+$0x8480] =	vst v6;
	v1 =	vmul.f32 $8.000000000e+00, v1;
	v6 =	vld [tilespmem:s2+$0x84F0]  }
0x6f: {  	v7 =	vld [tilespmem:s18+$0x8400];
	[tilespmem:s2+$0x8490] =	vst v5;
	v0 =	vmul.f32 $8.000000000e+00, v0  }
0x70: {  	v5 =	vld [tilespmem:s18+$0x8410];
	[tilespmem:s2+$0x84A0] =	vst v1;
	v1 =	vmul.f32 $8.000000000e+00, v2  }
0x71: {  	v2 =	vld [tilespmem:s18+$0x8420];
	[tilespmem:s2+$0x84B0] =	vst v0;
	v0 =	vmul.f32 $8.000000000e+00, v3  }
0x72: {  	v3 =	vld [tilespmem:s18+$0x8430];
	[tilespmem:s2+$0x84C0] =	vst v1;
	v1 =	vmul.f32 $8.000000000e+00, v4  }
0x73: {  	v4 =	vld [tilespmem:s18+$0x8440];
	[tilespmem:s2+$0x84D0] =	vst v0;
	v0 =	vmul.f32 $8.000000000e+00, v6  }
0x74: {  	v6 =	vmul.f32 $8.000000000e+00, v7;
	v7 =	vld [tilespmem:s18+$0x8450];
	[tilespmem:s2+$0x84E0] =	vst v1  }
0x75: {  	v1 =	vmul.f32 $8.000000000e+00, v5;
	v5 =	vld [tilespmem:s18+$0x8460];
	[tilespmem:s2+$0x84F0] =	vst v0;
	s2 =	smov.u32 s18  }
0x76: {  	[tilespmem:s2+$0x8400] =	vst v6;
	v0 =	vmul.f32 $8.000000000e+00, v2;
	v2 =	vld [tilespmem:s2+$0x8470]  }
0x77: {  	[tilespmem:s2+$0x8410] =	vst v1;
	v1 =	vmul.f32 $8.000000000e+00, v3;
	v3 =	vld [tilespmem:s2+$0x8480]  }
0x78: {  	[tilespmem:s2+$0x8420] =	vst v0;
	v0 =	vmul.f32 $8.000000000e+00, v4;
	v4 =	vld [tilespmem:s2+$0x8490]  }
.Ltmp1:
0x79: {  	[tilespmem:s2+$0x8430] =	vst v1;
	v6 =	vmul.f32 $8.000000000e+00, v7;
	v1 =	vld [tilespmem:s2+$0x84A0];
	(pc) =	sbr.rel @p0 .LBB2_4-.Ltmp1, $4  }
0x7a: {  	[tilespmem:s2+$0x8440] =	vst v0;
	v5 =	vmul.f32 $8.000000000e+00, v5;
	v0 =	vld [tilespmem:s2+$0x84B0]  }
0x7b: {  	[tilespmem:s2+$0x8450] =	vst v6;
	v7 =	vmul.f32 $8.000000000e+00, v2;
	v2 =	vld [tilespmem:s2+$0x84C0]  }
0x7c: {  	[tilespmem:s2+$0x8460] =	vst v5;
	v6 =	vmul.f32 $8.000000000e+00, v3;
	v3 =	vld [tilespmem:s2+$0x84D0]  }
0x7d: {  	s6 =	sadd.s32 $0x400, s6;
	[tilespmem:s2+$0x8470] =	vst v7;
	v5 =	vmul.f32 $8.000000000e+00, v4;
	v4 =	vld [tilespmem:s2+$0x84E0]  }
0x7e: {  	[tilespmem:s2+$0x8480] =	vst v6;
	v1 =	vmul.f32 $8.000000000e+00, v1;
	v59 =	vld [tilespmem:s2+$0x84F0]  }
0x7f: {  	[tilespmem:s2+$0x8490] =	vst v5;
	v0 =	vmul.f32 $8.000000000e+00, v0  }
0x80: {  	[tilespmem:s2+$0x84A0] =	vst v1;
	v60 =	vmul.f32 $8.000000000e+00, v2  }
0x81: {  	[tilespmem:s2+$0x84B0] =	vst v0;
	v61 =	vmul.f32 $8.000000000e+00, v3  }
0x82: {  	[tilespmem:s2+$0x84C0] =	vst v60;
	v62 =	vmul.f32 $8.000000000e+00, v4  }
0x83: {  	[tilespmem:s2+$0x84D0] =	vst v61;
	v63 =	vmul.f32 $8.000000000e+00, v59  }
0x84: {  	[tilespmem:s2+$0x84E0] =	vst v62  }
0x85: {  	[tilespmem:s2+$0x84F0] =	vst v63  }
0x86: {  	[hbm4b:s12+s3] =	stream.linear.scatter [tilespmem:s30], [sflag:$0x4], $0x8000, $0x38;
	[tilespmem:$0x10400] =	vst v63  }
0x87: {  	_ =	swait.ge [sflag:s16], $0x8000  }
0x88: {  	[sflag:s16] =	ssyncset.done $0x0  }
0x89: {  	[sflag:s16] =	ssyncadd.s32 $0xFFFF8000  }
0x8a: {  	_ =	swait.ge [sflag:s17], $0x200  }
0x8b: {  	[sflag:s17] =	ssyncset.done $0x0  }
0x8c: {  	[sflag:s17] =	ssyncadd.s32 $0xFFFFFE00  }
0x8d: {  	[tilespmem:s20], [sflag:$0x1] =	stream.indirect.gather [hbm4b:s5+s19], $0x40, s3, s19, $0xb8;
	[tilespmem:$0x10400] =	vst v63  }
0x8e: {  	s21 =	simm.s32 $0x2400  }
0x8f: {  	[tilespmem:s21], [sflag:$0x1] =	stream.indirect.gather [hbm4b:s5+s19], $0x40, s19, s19, $0xb8;
	[tilespmem:$0x10400] =	vst v63  }
0x90: {  	s22 =	simm.s32 $0x100  }
0x91: {  	[tilespmem:s23], [sflag:$0x1] =	stream.indirect.gather [hbm4b:s5+s19], $0x40, s22, s19, $0xb8;
	[tilespmem:$0x10400] =	vst v63  }
0x92: {  	s18 =	simm.s32 $0x1  }
0x93: {  	[tilespmem:s25], [sflag:$0x1] =	stream.indirect.gather [hbm4b:s5+s19], $0x40, s24, s19, $0xb8;
	[tilespmem:$0x10400] =	vst v63  }
.LBB2_6:
0x94: {  	s6 =	sshll.u32 s18, $0x3  }
0x95: {  	s2 =	sadd.s32 s6, s13  }
0x96: {  	_ =	swait.ge [sflag:s28], $0x8000;
	s2 =	sshll.u32 s2, $0x4  }
0x97: {  	[sflag:s28] =	ssyncset.done $0x0;
	s2 =	sand.u32 $0x1FFFFF80, s2  }
0x98: {  	s21 =	simm.s32 $0x0;
	[sflag:s28] =	ssyncadd.s32 $0xFFFF8000;
	s2 =	sadd.s32 s4, s2  }
0x99: {  	[tilespmem:s21], [sflag:$0x5] =	stream.linear.gather [hbm4b:s2+s21], $0x200, $0x38;
	[tilespmem:$0x10400] =	vst v63  }
0x9a: {  	s2 =	simm.s32 $0x0  }
0x9b: {  	v0 =	vld [tilespmem:s2+$0x400]  }
0x9c: {  	v1 =	vld [tilespmem:s2+$0x410]  }
0x9d: {  	v2 =	vld [tilespmem:s2+$0x420]  }
0x9e: {  	v3 =	vld [tilespmem:s2+$0x430]  }
0x9f: {  	v4 =	vld [tilespmem:s2+$0x440]  }
0xa0: {  	v5 =	vld [tilespmem:s2+$0x450];
	v0 =	vmul.f32 $8.000000000e+00, v0  }
0xa1: {  	v6 =	vld [tilespmem:s2+$0x460];
	v1 =	vmul.f32 $8.000000000e+00, v1  }
0xa2: {  	v7 =	vld [tilespmem:s2+$0x470];
	[tilespmem:s2+$0x400] =	vst v0;
	v0 =	vmul.f32 $8.000000000e+00, v2  }
0xa3: {  	v8 =	vld [tilespmem:s2+$0x480];
	[tilespmem:s2+$0x410] =	vst v1;
	v1 =	vmul.f32 $8.000000000e+00, v3  }
0xa4: {  	v9 =	vld [tilespmem:s2+$0x490];
	[tilespmem:s2+$0x420] =	vst v0;
	v0 =	vmul.f32 $8.000000000e+00, v4  }
0xa5: {  	v2 =	vmul.f32 $8.000000000e+00, v5;
	[tilespmem:s2+$0x430] =	vst v1;
	v1 =	vld [tilespmem:s2+$0x4A0]  }
0xa6: {  	v3 =	vmul.f32 $8.000000000e+00, v6;
	[tilespmem:s2+$0x440] =	vst v0;
	v0 =	vld [tilespmem:s2+$0x4B0]  }
0xa7: {  	[tilespmem:s2+$0x450] =	vst v2;
	v2 =	vld [tilespmem:s2+$0x4C0];
	v4 =	vmul.f32 $8.000000000e+00, v7  }
0xa8: {  	v6 =	vmul.f32 $8.000000000e+00, v8;
	[tilespmem:s2+$0x460] =	vst v3;
	v3 =	vld [tilespmem:s2+$0x4D0]  }
0xa9: {  	s21 =	simm.s32 $0x400;
	v5 =	vmul.f32 $8.000000000e+00, v9;
	[tilespmem:s2+$0x470] =	vst v4;
	v4 =	vld [tilespmem:s2+$0x4E0]  }
.LBB2_7:
0xaa: {  	s22 =	sshra.s32 s21, $0x2;
	p0 =	sne.s32 s21, $0x1FC00;
	[tilespmem:s2+$0x480] =	vst v6;
	v1 =	vmul.f32 $8.000000000e+00, v1;
	v6 =	vld [tilespmem:s2+$0x4F0]  }
0xab: {  	v7 =	vld [tilespmem:s22+$0x400];
	[tilespmem:s2+$0x490] =	vst v5;
	v0 =	vmul.f32 $8.000000000e+00, v0  }
0xac: {  	v5 =	vld [tilespmem:s22+$0x410];
	[tilespmem:s2+$0x4A0] =	vst v1;
	v1 =	vmul.f32 $8.000000000e+00, v2  }
0xad: {  	v2 =	vld [tilespmem:s22+$0x420];
	[tilespmem:s2+$0x4B0] =	vst v0;
	v0 =	vmul.f32 $8.000000000e+00, v3  }
0xae: {  	v3 =	vld [tilespmem:s22+$0x430];
	[tilespmem:s2+$0x4C0] =	vst v1;
	v1 =	vmul.f32 $8.000000000e+00, v4  }
0xaf: {  	v4 =	vld [tilespmem:s22+$0x440];
	[tilespmem:s2+$0x4D0] =	vst v0;
	v0 =	vmul.f32 $8.000000000e+00, v6  }
0xb0: {  	v6 =	vmul.f32 $8.000000000e+00, v7;
	v7 =	vld [tilespmem:s22+$0x450];
	[tilespmem:s2+$0x4E0] =	vst v1  }
0xb1: {  	v1 =	vmul.f32 $8.000000000e+00, v5;
	v5 =	vld [tilespmem:s22+$0x460];
	[tilespmem:s2+$0x4F0] =	vst v0;
	s2 =	smov.u32 s22  }
0xb2: {  	[tilespmem:s2+$0x400] =	vst v6;
	v0 =	vmul.f32 $8.000000000e+00, v2;
	v2 =	vld [tilespmem:s2+$0x470]  }
0xb3: {  	[tilespmem:s2+$0x410] =	vst v1;
	v1 =	vmul.f32 $8.000000000e+00, v3;
	v3 =	vld [tilespmem:s2+$0x480]  }
0xb4: {  	[tilespmem:s2+$0x420] =	vst v0;
	v0 =	vmul.f32 $8.000000000e+00, v4;
	v4 =	vld [tilespmem:s2+$0x490]  }
.Ltmp2:
0xb5: {  	[tilespmem:s2+$0x430] =	vst v1;
	v6 =	vmul.f32 $8.000000000e+00, v7;
	v1 =	vld [tilespmem:s2+$0x4A0];
	(pc) =	sbr.rel @p0 .LBB2_7-.Ltmp2, $4  }
0xb6: {  	[tilespmem:s2+$0x440] =	vst v0;
	v5 =	vmul.f32 $8.000000000e+00, v5;
	v0 =	vld [tilespmem:s2+$0x4B0]  }
0xb7: {  	[tilespmem:s2+$0x450] =	vst v6;
	v7 =	vmul.f32 $8.000000000e+00, v2;
	v2 =	vld [tilespmem:s2+$0x4C0]  }
0xb8: {  	[tilespmem:s2+$0x460] =	vst v5;
	v6 =	vmul.f32 $8.000000000e+00, v3;
	v3 =	vld [tilespmem:s2+$0x4D0]  }
0xb9: {  	s21 =	sadd.s32 $0x400, s21;
	[tilespmem:s2+$0x470] =	vst v7;
	v5 =	vmul.f32 $8.000000000e+00, v4;
	v4 =	vld [tilespmem:s2+$0x4E0]  }
0xba: {  	[tilespmem:s2+$0x480] =	vst v6;
	v1 =	vmul.f32 $8.000000000e+00, v1;
	v6 =	vld [tilespmem:s2+$0x4F0]  }
0xbb: {  	[tilespmem:s2+$0x490] =	vst v5;
	v0 =	vmul.f32 $8.000000000e+00, v0  }
0xbc: {  	[tilespmem:s2+$0x4A0] =	vst v1;
	v1 =	vmul.f32 $8.000000000e+00, v2  }
0xbd: {  	[tilespmem:s2+$0x4B0] =	vst v0;
	v0 =	vmul.f32 $8.000000000e+00, v3  }
0xbe: {  	s21 =	sshll.u32 s18, $0x10;
	[tilespmem:s2+$0x4C0] =	vst v1;
	v1 =	vmul.f32 $8.000000000e+00, v4  }
0xbf: {  	s21 =	sadd.s32 s7, s21;
	[tilespmem:s2+$0x4D0] =	vst v0;
	v0 =	vmul.f32 $8.000000000e+00, v6  }
0xc0: {  	s22 =	rddreg [dreg:$0x1];
	s21 =	sshrl.u32 s21, $0x3;
	[tilespmem:s2+$0x4E0] =	vst v1  }
0xc1: {  	[tilespmem:s2+$0x4F0] =	vst v0;
	s2 =	sadd.s32 s22, s21;
	s21 =	simm.s32 $0x0  }
0xc2: {  	[hbm4b:s2+s21] =	stream.linear.scatter [tilespmem:s20], [sflag:$0x3], $0x8000, $0x38;
	[tilespmem:$0x10400] =	vst v63  }
0xc3: {  	_ =	swait.ge [sflag:s10], $0x8000  }
0xc4: {  	[sflag:s10] =	ssyncset.done $0x0  }
0xc5: {  	[sflag:s10] =	ssyncadd.s32 $0xFFFF8000  }
0xc6: {  	_ =	swait.ge [sflag:s29], $0x200  }
0xc7: {  	[sflag:s29] =	ssyncset.done $0x0  }
0xc8: {  	[sflag:s29] =	ssyncadd.s32 $0xFFFFFE00  }
0xc9: {  	[tilespmem:s30], [sflag:$0x2] =	stream.indirect.gather [hbm4b:s5+s19], $0x40, s26, s19, $0xb8;
	[tilespmem:$0x10400] =	vst v63  }
0xca: {  	_ = 	snop  }
0xcb: {  	[tilespmem:s0], [sflag:$0x2] =	stream.indirect.gather [hbm4b:s5+s19], $0x40, s31, s19, $0xb8;
	[tilespmem:$0x10400] =	vst v63  }
0xcc: {  	_ = 	snop  }
0xcd: {  	[tilespmem:s8], [sflag:$0x2] =	stream.indirect.gather [hbm4b:s5+s19], $0x40, s1, s19, $0xb8;
	[tilespmem:$0x10400] =	vst v63  }
0xce: {  	s22 =	sadd.s32 s6, s14  }
0xcf: {  	[tilespmem:s11], [sflag:$0x2] =	stream.indirect.gather [hbm4b:s5+s19], $0x40, s9, s19, $0xb8;
	[tilespmem:$0x10400] =	vst v63  }
0xd0: {  	s2 =	sshll.u32 s22, $0x4;
	_ =	swait.ge [sflag:s15], $0x8000  }
0xd1: {  	s2 =	sand.u32 $0x1FFFFFC0, s2;
	[sflag:s15] =	ssyncset.done $0x0  }
0xd2: {  	s2 =	sadd.s32 s4, s2;
	[sflag:s15] =	ssyncadd.s32 $0xFFFF8000  }
0xd3: {  	[tilespmem:s26], [sflag:$0x6] =	stream.linear.gather [hbm4b:s2+s21], $0x200, $0x38;
	[tilespmem:$0x10400] =	vst v63  }
0xd4: {  	s2 =	simm.s32 $0x0  }
0xd5: {  	v0 =	vld [tilespmem:s2+$0x8400]  }
0xd6: {  	v1 =	vld [tilespmem:s2+$0x8410]  }
0xd7: {  	v2 =	vld [tilespmem:s2+$0x8420]  }
0xd8: {  	v3 =	vld [tilespmem:s2+$0x8430]  }
0xd9: {  	v4 =	vld [tilespmem:s2+$0x8440]  }
0xda: {  	v5 =	vld [tilespmem:s2+$0x8450];
	v0 =	vmul.f32 $8.000000000e+00, v0  }
0xdb: {  	v6 =	vld [tilespmem:s2+$0x8460];
	v1 =	vmul.f32 $8.000000000e+00, v1  }
0xdc: {  	v7 =	vld [tilespmem:s2+$0x8470];
	[tilespmem:s2+$0x8400] =	vst v0;
	v0 =	vmul.f32 $8.000000000e+00, v2  }
0xdd: {  	v8 =	vld [tilespmem:s2+$0x8480];
	[tilespmem:s2+$0x8410] =	vst v1;
	v1 =	vmul.f32 $8.000000000e+00, v3  }
0xde: {  	v9 =	vld [tilespmem:s2+$0x8490];
	[tilespmem:s2+$0x8420] =	vst v0;
	v0 =	vmul.f32 $8.000000000e+00, v4  }
0xdf: {  	v2 =	vmul.f32 $8.000000000e+00, v5;
	[tilespmem:s2+$0x8430] =	vst v1;
	v1 =	vld [tilespmem:s2+$0x84A0]  }
0xe0: {  	v3 =	vmul.f32 $8.000000000e+00, v6;
	[tilespmem:s2+$0x8440] =	vst v0;
	v0 =	vld [tilespmem:s2+$0x84B0]  }
0xe1: {  	[tilespmem:s2+$0x8450] =	vst v2;
	v2 =	vld [tilespmem:s2+$0x84C0];
	v4 =	vmul.f32 $8.000000000e+00, v7  }
0xe2: {  	v6 =	vmul.f32 $8.000000000e+00, v8;
	[tilespmem:s2+$0x8460] =	vst v3;
	v3 =	vld [tilespmem:s2+$0x84D0]  }
0xe3: {  	s6 =	simm.s32 $0x400;
	v5 =	vmul.f32 $8.000000000e+00, v9;
	[tilespmem:s2+$0x8470] =	vst v4;
	v4 =	vld [tilespmem:s2+$0x84E0]  }
.LBB2_9:
0xe4: {  	s21 =	sshra.s32 s6, $0x2;
	p0 =	sne.s32 s6, $0x1FC00;
	[tilespmem:s2+$0x8480] =	vst v6;
	v1 =	vmul.f32 $8.000000000e+00, v1;
	v6 =	vld [tilespmem:s2+$0x84F0]  }
0xe5: {  	v7 =	vld [tilespmem:s21+$0x8400];
	[tilespmem:s2+$0x8490] =	vst v5;
	v0 =	vmul.f32 $8.000000000e+00, v0  }
0xe6: {  	v5 =	vld [tilespmem:s21+$0x8410];
	[tilespmem:s2+$0x84A0] =	vst v1;
	v1 =	vmul.f32 $8.000000000e+00, v2  }
0xe7: {  	v2 =	vld [tilespmem:s21+$0x8420];
	[tilespmem:s2+$0x84B0] =	vst v0;
	v0 =	vmul.f32 $8.000000000e+00, v3  }
0xe8: {  	v3 =	vld [tilespmem:s21+$0x8430];
	[tilespmem:s2+$0x84C0] =	vst v1;
	v1 =	vmul.f32 $8.000000000e+00, v4  }
0xe9: {  	v4 =	vld [tilespmem:s21+$0x8440];
	[tilespmem:s2+$0x84D0] =	vst v0;
	v0 =	vmul.f32 $8.000000000e+00, v6  }
0xea: {  	v6 =	vmul.f32 $8.000000000e+00, v7;
	v7 =	vld [tilespmem:s21+$0x8450];
	[tilespmem:s2+$0x84E0] =	vst v1  }
0xeb: {  	v1 =	vmul.f32 $8.000000000e+00, v5;
	v5 =	vld [tilespmem:s21+$0x8460];
	[tilespmem:s2+$0x84F0] =	vst v0;
	s2 =	smov.u32 s21  }
0xec: {  	[tilespmem:s2+$0x8400] =	vst v6;
	v0 =	vmul.f32 $8.000000000e+00, v2;
	v2 =	vld [tilespmem:s2+$0x8470]  }
0xed: {  	[tilespmem:s2+$0x8410] =	vst v1;
	v1 =	vmul.f32 $8.000000000e+00, v3;
	v3 =	vld [tilespmem:s2+$0x8480]  }
0xee: {  	[tilespmem:s2+$0x8420] =	vst v0;
	v0 =	vmul.f32 $8.000000000e+00, v4;
	v4 =	vld [tilespmem:s2+$0x8490]  }
.Ltmp3:
0xef: {  	[tilespmem:s2+$0x8430] =	vst v1;
	v6 =	vmul.f32 $8.000000000e+00, v7;
	v1 =	vld [tilespmem:s2+$0x84A0];
	(pc) =	sbr.rel @p0 .LBB2_9-.Ltmp3, $4  }
0xf0: {  	[tilespmem:s2+$0x8440] =	vst v0;
	v5 =	vmul.f32 $8.000000000e+00, v5;
	v0 =	vld [tilespmem:s2+$0x84B0]  }
0xf1: {  	[tilespmem:s2+$0x8450] =	vst v6;
	v7 =	vmul.f32 $8.000000000e+00, v2;
	v2 =	vld [tilespmem:s2+$0x84C0]  }
0xf2: {  	[tilespmem:s2+$0x8460] =	vst v5;
	v6 =	vmul.f32 $8.000000000e+00, v3;
	v3 =	vld [tilespmem:s2+$0x84D0]  }
0xf3: {  	s6 =	sadd.s32 $0x400, s6;
	[tilespmem:s2+$0x8470] =	vst v7;
	v5 =	vmul.f32 $8.000000000e+00, v4;
	v4 =	vld [tilespmem:s2+$0x84E0]  }
0xf4: {  	[tilespmem:s2+$0x8480] =	vst v6;
	v1 =	vmul.f32 $8.000000000e+00, v1;
	v59 =	vld [tilespmem:s2+$0x84F0]  }
0xf5: {  	[tilespmem:s2+$0x8490] =	vst v5;
	v0 =	vmul.f32 $8.000000000e+00, v0  }
0xf6: {  	[tilespmem:s2+$0x84A0] =	vst v1;
	v60 =	vmul.f32 $8.000000000e+00, v2  }
0xf7: {  	[tilespmem:s2+$0x84B0] =	vst v0;
	v61 =	vmul.f32 $8.000000000e+00, v3  }
0xf8: {  	[tilespmem:s2+$0x84C0] =	vst v60;
	v62 =	vmul.f32 $8.000000000e+00, v4  }
0xf9: {  	[tilespmem:s2+$0x84D0] =	vst v61;
	v63 =	vmul.f32 $8.000000000e+00, v59  }
0xfa: {  	s6 =	sshll.u32 s18, $0xD;
	[tilespmem:s2+$0x84E0] =	vst v62  }
0xfb: {  	s6 =	sadd.s32 s12, s6;
	[tilespmem:s2+$0x84F0] =	vst v63  }
0xfc: {  	[hbm4b:s6+s3] =	stream.linear.scatter [tilespmem:s30], [sflag:$0x4], $0x8000, $0x38;
	[tilespmem:$0x10400] =	vst v63  }
0xfd: {  	_ =	swait.ge [sflag:s16], $0x8000  }
0xfe: {  	[sflag:s16] =	ssyncset.done $0x0  }
0xff: {  	[sflag:s16] =	ssyncadd.s32 $0xFFFF8000  }
0x100: {  	_ =	swait.ge [sflag:s17], $0x200  }
0x101: {  	[sflag:s17] =	ssyncset.done $0x0  }
0x102: {  	s18 =	sadd.s32 $0x1, s18;
	[sflag:s17] =	ssyncadd.s32 $0xFFFFFE00  }
0x103: {  	[tilespmem:s20], [sflag:$0x1] =	stream.indirect.gather [hbm4b:s5+s19], $0x40, s3, s19, $0xb8;
	[tilespmem:$0x10400] =	vst v63  }
0x104: {  	s21 =	simm.s32 $0x2400;
	p0 =	sne.s32 s18, $0x63  }
0x105: {  	[tilespmem:s21], [sflag:$0x1] =	stream.indirect.gather [hbm4b:s5+s19], $0x40, s19, s19, $0xb8;
	[tilespmem:$0x10400] =	vst v63  }
.Ltmp4:
0x106: {  	_ = 	snop;
	(pc) =	sbr.rel @p0 .LBB2_6-.Ltmp4, $4  }
0x107: {  	s22 =	simm.s32 $0x100  }
0x108: {  	[tilespmem:s23], [sflag:$0x1] =	stream.indirect.gather [hbm4b:s5+s19], $0x40, s22, s19, $0xb8;
	[tilespmem:$0x10400] =	vst v63  }
0x109: {  	_ = 	snop  }
0x10a: {  	[tilespmem:s25], [sflag:$0x1] =	stream.indirect.gather [hbm4b:s5+s19], $0x40, s24, s19, $0xb8;
	[tilespmem:$0x10400] =	vst v63  }
0x10b: {  	_ =	swait.ge [sflag:s28], $0x8000  }
0x10c: {  	[sflag:s28] =	ssyncset.done $0x0  }
0x10d: {  	s2 =	simm.s32 $0x0;
	[sflag:s28] =	ssyncadd.s32 $0xFFFF8000  }
0x10e: {  	v0 =	vld [tilespmem:s2+$0x400]  }
0x10f: {  	v1 =	vld [tilespmem:s2+$0x410]  }
0x110: {  	v2 =	vld [tilespmem:s2+$0x420]  }
0x111: {  	v3 =	vld [tilespmem:s2+$0x430]  }
0x112: {  	v4 =	vld [tilespmem:s2+$0x440]  }
0x113: {  	v5 =	vld [tilespmem:s2+$0x450];
	v0 =	vmul.f32 $8.000000000e+00, v0  }
0x114: {  	v6 =	vld [tilespmem:s2+$0x460];
	v1 =	vmul.f32 $8.000000000e+00, v1  }
0x115: {  	v7 =	vld [tilespmem:s2+$0x470];
	[tilespmem:s2+$0x400] =	vst v0;
	v0 =	vmul.f32 $8.000000000e+00, v2  }
0x116: {  	v8 =	vld [tilespmem:s2+$0x480];
	[tilespmem:s2+$0x410] =	vst v1;
	v1 =	vmul.f32 $8.000000000e+00, v3  }
0x117: {  	v9 =	vld [tilespmem:s2+$0x490];
	[tilespmem:s2+$0x420] =	vst v0;
	v0 =	vmul.f32 $8.000000000e+00, v4  }
0x118: {  	v2 =	vmul.f32 $8.000000000e+00, v5;
	[tilespmem:s2+$0x430] =	vst v1;
	v1 =	vld [tilespmem:s2+$0x4A0]  }
0x119: {  	v3 =	vmul.f32 $8.000000000e+00, v6;
	[tilespmem:s2+$0x440] =	vst v0;
	v0 =	vld [tilespmem:s2+$0x4B0]  }
0x11a: {  	[tilespmem:s2+$0x450] =	vst v2;
	v2 =	vld [tilespmem:s2+$0x4C0];
	v4 =	vmul.f32 $8.000000000e+00, v7  }
0x11b: {  	v6 =	vmul.f32 $8.000000000e+00, v8;
	[tilespmem:s2+$0x460] =	vst v3;
	v3 =	vld [tilespmem:s2+$0x4D0]  }
0x11c: {  	s6 =	simm.s32 $0x400;
	v5 =	vmul.f32 $8.000000000e+00, v9;
	[tilespmem:s2+$0x470] =	vst v4;
	v4 =	vld [tilespmem:s2+$0x4E0]  }
.LBB2_12:
0x11d: {  	s18 =	sshra.s32 s6, $0x2;
	p0 =	sne.s32 s6, $0x1FC00;
	[tilespmem:s2+$0x480] =	vst v6;
	v1 =	vmul.f32 $8.000000000e+00, v1;
	v6 =	vld [tilespmem:s2+$0x4F0]  }
0x11e: {  	v7 =	vld [tilespmem:s18+$0x400];
	[tilespmem:s2+$0x490] =	vst v5;
	v0 =	vmul.f32 $8.000000000e+00, v0  }
0x11f: {  	v5 =	vld [tilespmem:s18+$0x410];
	[tilespmem:s2+$0x4A0] =	vst v1;
	v1 =	vmul.f32 $8.000000000e+00, v2  }
0x120: {  	v2 =	vld [tilespmem:s18+$0x420];
	[tilespmem:s2+$0x4B0] =	vst v0;
	v0 =	vmul.f32 $8.000000000e+00, v3  }
0x121: {  	v3 =	vld [tilespmem:s18+$0x430];
	[tilespmem:s2+$0x4C0] =	vst v1;
	v1 =	vmul.f32 $8.000000000e+00, v4  }
0x122: {  	v4 =	vld [tilespmem:s18+$0x440];
	[tilespmem:s2+$0x4D0] =	vst v0;
	v0 =	vmul.f32 $8.000000000e+00, v6  }
0x123: {  	v6 =	vmul.f32 $8.000000000e+00, v7;
	v7 =	vld [tilespmem:s18+$0x450];
	[tilespmem:s2+$0x4E0] =	vst v1  }
0x124: {  	v1 =	vmul.f32 $8.000000000e+00, v5;
	v5 =	vld [tilespmem:s18+$0x460];
	[tilespmem:s2+$0x4F0] =	vst v0;
	s2 =	smov.u32 s18  }
0x125: {  	[tilespmem:s2+$0x400] =	vst v6;
	v0 =	vmul.f32 $8.000000000e+00, v2;
	v2 =	vld [tilespmem:s2+$0x470]  }
0x126: {  	[tilespmem:s2+$0x410] =	vst v1;
	v1 =	vmul.f32 $8.000000000e+00, v3;
	v3 =	vld [tilespmem:s2+$0x480]  }
0x127: {  	[tilespmem:s2+$0x420] =	vst v0;
	v0 =	vmul.f32 $8.000000000e+00, v4;
	v4 =	vld [tilespmem:s2+$0x490]  }
.Ltmp5:
0x128: {  	[tilespmem:s2+$0x430] =	vst v1;
	v6 =	vmul.f32 $8.000000000e+00, v7;
	v1 =	vld [tilespmem:s2+$0x4A0];
	(pc) =	sbr.rel @p0 .LBB2_12-.Ltmp5, $4  }
0x129: {  	[tilespmem:s2+$0x440] =	vst v0;
	v5 =	vmul.f32 $8.000000000e+00, v5;
	v0 =	vld [tilespmem:s2+$0x4B0]  }
0x12a: {  	[tilespmem:s2+$0x450] =	vst v6;
	v7 =	vmul.f32 $8.000000000e+00, v2;
	v2 =	vld [tilespmem:s2+$0x4C0]  }
0x12b: {  	[tilespmem:s2+$0x460] =	vst v5;
	v6 =	vmul.f32 $8.000000000e+00, v3;
	v3 =	vld [tilespmem:s2+$0x4D0]  }
0x12c: {  	s6 =	sadd.s32 $0x400, s6;
	[tilespmem:s2+$0x470] =	vst v7;
	v5 =	vmul.f32 $8.000000000e+00, v4;
	v4 =	vld [tilespmem:s2+$0x4E0]  }
0x12d: {  	[tilespmem:s2+$0x480] =	vst v6;
	v1 =	vmul.f32 $8.000000000e+00, v1;
	v6 =	vld [tilespmem:s2+$0x4F0]  }
0x12e: {  	[tilespmem:s2+$0x490] =	vst v5;
	v0 =	vmul.f32 $8.000000000e+00, v0  }
0x12f: {  	[tilespmem:s2+$0x4A0] =	vst v1;
	v1 =	vmul.f32 $8.000000000e+00, v2  }
0x130: {  	[tilespmem:s2+$0x4B0] =	vst v0;
	v0 =	vmul.f32 $8.000000000e+00, v3  }
0x131: {  	[tilespmem:s2+$0x4C0] =	vst v1;
	v1 =	vmul.f32 $8.000000000e+00, v4  }
0x132: {  	[tilespmem:s2+$0x4D0] =	vst v0;
	v0 =	vmul.f32 $8.000000000e+00, v6  }
0x133: {  	[tilespmem:s2+$0x4E0] =	vst v1  }
0x134: {  	s22 =	simm.s32 $0x0;
	s6 =	rddreg [dreg:$0x8];
	[tilespmem:s2+$0x4F0] =	vst v0  }
0x135: {  	[hbm4b:s6+s22] =	stream.linear.scatter [tilespmem:s20], [sflag:$0x3], $0x8000, $0x38;
	[tilespmem:$0x10400] =	vst v63  }
0x136: {  	_ =	swait.ge [sflag:s10], $0x8000  }
0x137: {  	[sflag:s10] =	ssyncset.done $0x0  }
0x138: {  	[sflag:s10] =	ssyncadd.s32 $0xFFFF8000  }
0x139: {  	_ =	swait.ge [sflag:s29], $0x200  }
0x13a: {  	[sflag:s29] =	ssyncset.done $0x0  }
0x13b: {  	[sflag:s29] =	ssyncadd.s32 $0xFFFFFE00  }
0x13c: {  	[tilespmem:s30], [sflag:$0x2] =	stream.indirect.gather [hbm4b:s5+s19], $0x40, s26, s19, $0xb8;
	[tilespmem:$0x10400] =	vst v63  }
0x13d: {  	_ = 	snop  }
0x13e: {  	[tilespmem:s0], [sflag:$0x2] =	stream.indirect.gather [hbm4b:s5+s19], $0x40, s31, s19, $0xb8;
	[tilespmem:$0x10400] =	vst v63  }
0x13f: {  	_ = 	snop  }
0x140: {  	[tilespmem:s8], [sflag:$0x2] =	stream.indirect.gather [hbm4b:s5+s19], $0x40, s1, s19, $0xb8;
	[tilespmem:$0x10400] =	vst v63  }
0x141: {  	_ = 	snop  }
0x142: {  	[tilespmem:s11], [sflag:$0x2] =	stream.indirect.gather [hbm4b:s5+s19], $0x40, s9, s19, $0xb8;
	[tilespmem:$0x10400] =	vst v63  }
0x143: {  	_ =	swait.ge [sflag:s15], $0x8000  }
0x144: {  	[sflag:s15] =	ssyncset.done $0x0  }
0x145: {  	s2 =	simm.s32 $0x0;
	[sflag:s15] =	ssyncadd.s32 $0xFFFF8000  }
0x146: {  	v0 =	vld [tilespmem:s2+$0x8400]  }
0x147: {  	v1 =	vld [tilespmem:s2+$0x8410]  }
0x148: {  	v2 =	vld [tilespmem:s2+$0x8420]  }
0x149: {  	v3 =	vld [tilespmem:s2+$0x8430]  }
0x14a: {  	v4 =	vld [tilespmem:s2+$0x8440]  }
0x14b: {  	v5 =	vld [tilespmem:s2+$0x8450];
	v0 =	vmul.f32 $8.000000000e+00, v0  }
0x14c: {  	v6 =	vld [tilespmem:s2+$0x8460];
	v1 =	vmul.f32 $8.000000000e+00, v1  }
0x14d: {  	v7 =	vld [tilespmem:s2+$0x8470];
	[tilespmem:s2+$0x8400] =	vst v0;
	v0 =	vmul.f32 $8.000000000e+00, v2  }
0x14e: {  	v8 =	vld [tilespmem:s2+$0x8480];
	[tilespmem:s2+$0x8410] =	vst v1;
	v1 =	vmul.f32 $8.000000000e+00, v3  }
0x14f: {  	v9 =	vld [tilespmem:s2+$0x8490];
	[tilespmem:s2+$0x8420] =	vst v0;
	v0 =	vmul.f32 $8.000000000e+00, v4  }
0x150: {  	v2 =	vmul.f32 $8.000000000e+00, v5;
	[tilespmem:s2+$0x8430] =	vst v1;
	v1 =	vld [tilespmem:s2+$0x84A0]  }
0x151: {  	v3 =	vmul.f32 $8.000000000e+00, v6;
	[tilespmem:s2+$0x8440] =	vst v0;
	v0 =	vld [tilespmem:s2+$0x84B0]  }
0x152: {  	[tilespmem:s2+$0x8450] =	vst v2;
	v2 =	vld [tilespmem:s2+$0x84C0];
	v4 =	vmul.f32 $8.000000000e+00, v7  }
0x153: {  	v6 =	vmul.f32 $8.000000000e+00, v8;
	[tilespmem:s2+$0x8460] =	vst v3;
	v3 =	vld [tilespmem:s2+$0x84D0]  }
0x154: {  	s6 =	simm.s32 $0x400;
	v5 =	vmul.f32 $8.000000000e+00, v9;
	[tilespmem:s2+$0x8470] =	vst v4;
	v4 =	vld [tilespmem:s2+$0x84E0]  }
.LBB2_14:
0x155: {  	s18 =	sshra.s32 s6, $0x2;
	p0 =	sne.s32 s6, $0x1FC00;
	[tilespmem:s2+$0x8480] =	vst v6;
	v1 =	vmul.f32 $8.000000000e+00, v1;
	v6 =	vld [tilespmem:s2+$0x84F0]  }
0x156: {  	v7 =	vld [tilespmem:s18+$0x8400];
	[tilespmem:s2+$0x8490] =	vst v5;
	v0 =	vmul.f32 $8.000000000e+00, v0  }
0x157: {  	v5 =	vld [tilespmem:s18+$0x8410];
	[tilespmem:s2+$0x84A0] =	vst v1;
	v1 =	vmul.f32 $8.000000000e+00, v2  }
0x158: {  	v2 =	vld [tilespmem:s18+$0x8420];
	[tilespmem:s2+$0x84B0] =	vst v0;
	v0 =	vmul.f32 $8.000000000e+00, v3  }
0x159: {  	v3 =	vld [tilespmem:s18+$0x8430];
	[tilespmem:s2+$0x84C0] =	vst v1;
	v1 =	vmul.f32 $8.000000000e+00, v4  }
0x15a: {  	v4 =	vld [tilespmem:s18+$0x8440];
	[tilespmem:s2+$0x84D0] =	vst v0;
	v0 =	vmul.f32 $8.000000000e+00, v6  }
0x15b: {  	v6 =	vmul.f32 $8.000000000e+00, v7;
	v7 =	vld [tilespmem:s18+$0x8450];
	[tilespmem:s2+$0x84E0] =	vst v1  }
0x15c: {  	v1 =	vmul.f32 $8.000000000e+00, v5;
	v5 =	vld [tilespmem:s18+$0x8460];
	[tilespmem:s2+$0x84F0] =	vst v0;
	s2 =	smov.u32 s18  }
0x15d: {  	[tilespmem:s2+$0x8400] =	vst v6;
	v0 =	vmul.f32 $8.000000000e+00, v2;
	v2 =	vld [tilespmem:s2+$0x8470]  }
0x15e: {  	[tilespmem:s2+$0x8410] =	vst v1;
	v1 =	vmul.f32 $8.000000000e+00, v3;
	v3 =	vld [tilespmem:s2+$0x8480]  }
0x15f: {  	[tilespmem:s2+$0x8420] =	vst v0;
	v0 =	vmul.f32 $8.000000000e+00, v4;
	v4 =	vld [tilespmem:s2+$0x8490]  }
.Ltmp6:
0x160: {  	[tilespmem:s2+$0x8430] =	vst v1;
	v6 =	vmul.f32 $8.000000000e+00, v7;
	v1 =	vld [tilespmem:s2+$0x84A0];
	(pc) =	sbr.rel @p0 .LBB2_14-.Ltmp6, $4  }
0x161: {  	[tilespmem:s2+$0x8440] =	vst v0;
	v5 =	vmul.f32 $8.000000000e+00, v5;
	v0 =	vld [tilespmem:s2+$0x84B0]  }
0x162: {  	[tilespmem:s2+$0x8450] =	vst v6;
	v7 =	vmul.f32 $8.000000000e+00, v2;
	v2 =	vld [tilespmem:s2+$0x84C0]  }
0x163: {  	[tilespmem:s2+$0x8460] =	vst v5;
	v6 =	vmul.f32 $8.000000000e+00, v3;
	v3 =	vld [tilespmem:s2+$0x84D0]  }
0x164: {  	s6 =	sadd.s32 $0x400, s6;
	[tilespmem:s2+$0x8470] =	vst v7;
	v5 =	vmul.f32 $8.000000000e+00, v4;
	v4 =	vld [tilespmem:s2+$0x84E0]  }
0x165: {  	[tilespmem:s2+$0x8480] =	vst v6;
	v1 =	vmul.f32 $8.000000000e+00, v1;
	v59 =	vld [tilespmem:s2+$0x84F0]  }
0x166: {  	[tilespmem:s2+$0x8490] =	vst v5;
	v0 =	vmul.f32 $8.000000000e+00, v0  }
0x167: {  	[tilespmem:s2+$0x84A0] =	vst v1;
	v60 =	vmul.f32 $8.000000000e+00, v2  }
0x168: {  	[tilespmem:s2+$0x84B0] =	vst v0;
	v61 =	vmul.f32 $8.000000000e+00, v3  }
0x169: {  	[tilespmem:s2+$0x84C0] =	vst v60;
	v62 =	vmul.f32 $8.000000000e+00, v4  }
0x16a: {  	[tilespmem:s2+$0x84D0] =	vst v61;
	v63 =	vmul.f32 $8.000000000e+00, v59  }
0x16b: {  	[tilespmem:s2+$0x84E0] =	vst v62  }
0x16c: {  	s21 =	rddreg [dreg:$0x9];
	[tilespmem:s2+$0x84F0] =	vst v63  }
0x16d: {  	[hbm4b:s21+s3] =	stream.linear.scatter [tilespmem:s30], [sflag:$0x4], $0x8000, $0x38;
	[tilespmem:$0x10400] =	vst v63  }
0x16e: {  	_ =	swait.ge [sflag:s16], $0x8000  }
0x16f: {  	[sflag:s16] =	ssyncset.done $0x0  }
0x170: {  	[sflag:s16] =	ssyncadd.s32 $0xFFFF8000  }
0x171: {  	_ =	swait.ge [sflag:s10], $0x8000  }
0x172: {  	s6 =	rddreg [dreg:$0xb]  }
0x173: {  	s22 =	rddreg [dreg:$0xa];
	s6 =	sadd.s32 $0x1, s6  }
0x174: {  	p0 =	sne.s32 s6, s22  }
.Ltmp7:
0x175: {  	_ = 	snop;
	(pc) =	sbr.rel @p0 .LBB2_1-.Ltmp7, $3  }
0x176: {  	_ =	sdelay $0x1  }
0x177: {  	[sflag:s10] =	ssyncset.done $0x0  }
0x178: {  	[sflag:s10] =	ssyncadd.s32 $0xFFFF8000  }
0x179: {  	_ =	sfence.sel $0x180000  }
0x17a: {  	[bflag:$0x0] =	sbarrier.arrive $0xFFFF  }
0x17b: {  	_ =	strace $0x90000047  }
0x17c: {  	s0 =	stileid.u32;
	[bflag:$0x2] =	sbarrier.arrive $0xFFFF  }
0x17d: {  	p0 =	sne.s32 s0, $0x0;
	s0 =	rddreg [dreg:$0x2]  }
0x17e: {  	s0 =	sadd.s32 @!p0 $0x100000, s0  }
0x17f: {  	[sflag:s0] =	ssyncadd.tile.s32 @!p0 $0x1;
	_ =	shalt  }
.Lfunc_end2:
_tile_overlayer_lowered:
.L_overlay_start_2:
0x180: {  	(tag) =	ssettag $0x2  }
0x181: {  	s0 =	rddreg [dreg:$0x0];
	s2 =	stileid.u32  }
0x182: {  	s1 =	rddreg [dreg:$0x1];
	p0 =	sne.s32 s2, $0x0  }
0x183: {  	s3 =	rddreg [dreg:$0x2];
	[bflag:$0x3] =	sbarrier.arrive $0xFFFF;
	s2 =	simm.s32 @!p0 $0x1C07  }
0x184: {  	[timem:s3], [sflag:s2] =	dma.local @!p0 [hbm:s0], s1  }
0x185: {  	s0 =	simm.s32 @!p0 $0x7  }
0x186: {  	_ =	swait.ge @!p0 [sflag:s0], s1  }
0x187: {  	s1 =	ssub.s32 @!p0 $0x0, s1;
	[sflag:s0] =	ssyncset.done @!p0 $0x0  }
0x188: {  	[sflag:s0] =	ssyncadd.s32 @!p0 s1  }
0x189: {  	[bflag:$0x3] =	sbarrier.arrive $0xFFFF  }
0x18a: {  	_ =	shalt  }

// kernel: sparse-core-data-format-call.cloned.1.call-start
scs
called_computation_lowered:
.L_overlay_start_0:
0x0: {  	s2 =	sld [smem:$0x3FD9]  }
0x1: {  	s3 =	sld [smem:$0x3FFE];
	_ =	sdelay $0x1  }
0x2: {  	s1 =	srdreg.scid  }
0x3: {  	s0 =	sand.u32 $0x1, s1  }
0x4: {  	s18 =	sshll.u32 s0, $0xA;
	s2 =	sadd.s32 s3, s2  }
0x5: {  	s2 =	sadd.s32 s2, s18  }
0x6: {  	[smem:$0x3FC6] =	sst s2  }
0x7: {  	_ = 	snop  }
0x8: {  	s2 =	sld [smem:$0x3FD0];
	(tm) =	ssettm $0x1  }
0x9: {  	s19 =	sld [smem:$0x3FFB];
	_ =	sdelay $0x3  }
0xa: {  	_ =	strace s19  }
0xb: {  	s3 =	sld [smem:$0x3FFC];
	_ =	sdelay $0x3  }
0xc: {  	_ =	strace s3  }
0xd: {  	s3 =	sld [smem:$0x3FFD];
	_ =	sdelay $0x3  }
0xe: {  	_ =	strace s3  }
0xf: {  	_ =	strace $0x8FFFFFFF  }
0x10: {  	s20 =	sld [smem:$0x3FDB];
	_ =	sdelay $0x1  }
0x11: {  	s4 =	simm.s32 $_scs_section_size  }
0x12: {  	s5 =	simm.s32 $_size__tile_overlayer_lowered;
	s6 =	simm.s32 $_tile_overlayer_lowered  }
0x13: {  	s23 =	simm.s32 $0x1BFF;
	s22 =	sshll.u32 s6, $0x1;
	s3 =	sadd.s32 s4, s20  }
0x14: {  	s7 =	simm.s32 $0x0;
	s21 =	sshll.u32 s5, $0x1;
	s5 =	sadd.s32 s22, s3  }
0x15: {  	[timem:s7], [sflag:s23] =	dma.local [hbm:s5], s21  }
0x16: {  	_ =	swait.ge [sflag:s23], s21  }
0x17: {  	s4 =	ssub.s32 $0x0, s21;
	[sflag:s23] =	ssyncset.done $0x0  }
0x18: {  	[sflag:s23] =	ssyncadd.s32 s4;
	_ =	sdelay $0x1  }
0x19: {  	s24 =	simm.s32 $0x1B8B  }
0x1a: {  	_ =	swait.ge [sflag:s24], $0x1  }
0x1b: {  	[sflag:s24] =	ssyncset.done $0x0  }
0x1c: {  	s26 =	simm.s32 $0x1B8E;
	s25 =	sld [smem:$0x3FFE];
	[sflag:s24] =	ssyncadd.s32 $0xFFFFFFFF  }
0x1d: {  	s27 =	simm.s32 $execute0_lowered;
	[smem:$0x3FD2] =	sst s26  }
0x1e: {  	s5 =	sshll.u32 s27, $0x1;
	_ =	strace $0x80000049;
	[dreg:$0x1] =	wrdreg $0xFFFFFFFF  }
0x1f: {  	s28 =	simm.s32 $_size_execute0_lowered;
	s3 =	sadd.s32 s3, s5;
	[dreg:$0x0] =	wrdreg $0x0  }
0x20: {  	s5 =	sshll.u32 s28, $0x1;
	[dreg:$0x2] =	wrdreg s3  }
0x21: {  	[dreg:$0x3] =	wrdreg s5  }
0x22: {  	[dreg:$0x4] =	wrdreg $0xC0  }
0x23: {  	_ =	task [dreg:s7], $0x5FFFF  }
0x24: {  	[dreg:$0x1] =	wrdreg $0xFFFFFFFF  }
0x25: {  	[dreg:$0x0] =	wrdreg $0x60  }
0x26: {  	[dreg:$0x2] =	wrdreg s25  }
0x27: {  	[dreg:$0x3] =	wrdreg s2  }
0x28: {  	[dreg:$0x4] =	wrdreg $0x9  }
0x29: {  	_ =	task.clear_ibuf [dreg:s7], $0x5FFFF;
	_ =	strace $0x90000049  }
0x2a: {  	s29 =	simm.s32 $0x9;
	_ =	strace $0x8000004B  }
0x2b: {  	_ =	swait.ge [sflag:s29], $0x1  }
0x2c: {  	[sflag:s29] =	ssyncadd.s32 $0xFFFFFFFF  }
0x2d: {  	_ =	strace $0x9000004B  }
0x2e: {  	_ =	sfence  }
0x2f: {  	s30 =	sld [smem:$0x0];
	_ =	sdelay $0x2  }
0x30: {  	s31 =	sshll.u32 s1, $0xD;
	s1 =	sshrl.u32 s1, $0x2  }
0x31: {  	s3 =	sand.u32 $0x4000, s31;
	s1 =	sadd.s32 s1, s30  }
0x32: {  	s0 =	sor.u32 s3, s0;
	s1 =	sshll.u32 s1, $0x11  }
0x33: {  	s0 =	sor.u32 s1, s0  }
0x34: {  	s0 =	sadd.s32 $0x8F2B, s0  }
0x35: {  	[sflag:s0] =	ssyncadd.remote.s32 $0x1  }
0x36: {  	_ =	sfence.sel $0xFFFF  }
0x37: {  	[dreg:$0x0] =	wrdreg $0xFFFFFFFF;
	(pc) =	sbr.abs _section_cstart, $3  }
0x38: {  	[dreg:$0x1] =	wrdreg $0xFFFFFFFF  }
0x39: {  	_ =	task.clear_ibuf [dreg:s7], $0x2FFFF;
	_ =	strace $0x9FFFFFFF  }
0x3a: {  	(tm) =	ssettm $0x7FFFFFFF  }
0x3b: {  	_ =	shalt  }
tec
execute0_lowered:
.L_overlay_start_1:
0x0: {  	(tag) =	ssettag $0x1  }
0x1: {  	s0 =	srdreg.scid  }
0x2: {  	s1 =	sshll.u32 s0, $0x4  }
0x3: {  	s0 =	stileid.u32;
	s1 =	sand.u32 $0x10, s1  }
0x4: {  	s1 =	sor.u32 s0, s1  }
0x5: {  	s6 =	rddreg [dreg:$0x0];
	s4 =	simm.s32 $0x1;
	s2 =	sshll.u32 s1, $0x7  }
0x6: {  	s7 =	simm.s32 $0x2;
	s12 =	simm.s32 $0x0;
	s1 =	ssub.s32 $0x4000, s2  }
0x7: {  	s8 =	simm.s32 $0x20000;
	s13 =	simm.s32 $0x0;
	s3 =	sand.u32 $0xF80, s1  }
0x8: {  	s9 =	simm.s32 $0x0;
	s5 =	sshrl.u32 s1, $0xC;
	p0 =	sne.s32 s3, $0x0  }
.Ltmp0:
0x9: {  	s1 =	rddreg [dreg:$0x2];
	s4 =	simm.s32 @!p0 $0x0;
	(pc) =	sbr.rel .LBB1_1-.Ltmp0, $4  }
0xa: {  	s11 =	simm.s32 $0x0;
	s3 =	rddreg [dreg:$0x1];
	s5 =	sadd.s32 s4, s5  }
0xb: {  	_ =	strace $0x8000004A;
	s4 =	simm.s32 $0x1;
	s5 =	smul.u32 $0xC8, s5  }
0xc: {  	s6 =	sadd.s32 $0x800, s6;
	s10 =	smov.u32 s2;
	[sflag:s4] =	ssyncpa.u1 $0x0  }
0xd: {  	p0 =	por $0x0, $0x0;
	[sflag:s7] =	ssyncpa.u1 $0x0;
	s7 =	sor.u32 $0x1, s5  }
.LBB1_4:
0xe: {  	s16 =	sshll.u32 s13, $0x3;
	s17 =	sand.u32 $0x78, s13  }
0xf: {  	s30 =	sand.u32 $0x1F800, s13;
	s12 =	sshll.u32 s12, $0x11;
	s16 =	sand.u32 $0x3C00, s16  }
0x10: {  	[tilespmem:s15+$0x810 ss:$0x81] =	vst.msk $0xffff, v2;
	s31 =	sand.u32 $0x7, s13;
	s16 =	sor.u32 s17, s16;
	s17 =	sadd.s32 s3, s30  }
0x11: {  	[tilespmem:s15+$0x1020 ss:$0x81] =	vst.msk $0xffff, v0;
	s13 =	sshll.u32 s31, $0x12;
	s12 =	sadd.s32 s12, s17;
	s16 =	sshrl.u32 s16, $0x3  }
0x12: {  	[tilespmem:s15+$0x0 ss:$0x81] =	vst.msk $0xffff, v1;
	s13 =	sor.u32 $0x400, s13;
	s12 =	sadd.s32 s16, s12  }
0x13: {  	[hbm4b:s12+s13] =	stream.strided.scatter [tilespmem:s14], [sflag:$0x2], $0x2000, s8, s13, $0x20;
	[tilespmem:$0x8080] =	vst v63  }
.LBB1_5:
0x14: {  	s14 =	sadd.s32 $0x1, s9  }
0x15: {  	s12 =	sadd.s32 $0x1000, s10;
	s16 =	smov.u32 s10;
	p2 =	sgt.s32 s14, $0xC7  }
0x16: {  	s16 =	smov.u32 @p2 s12  }
0x17: {  	s14 =	simm.s32 @p2 $0x0;
	p2 =	sgt.s32 s16, $0x3FFF  }
0x18: {  	s16 =	smov.u32 @p2 s2;
	p2 =	sne.s32 s11, s7  }
.Ltmp1:
0x19: {  	p1 =	slt.u32 s11, $0x2;
	(pc) =	sbr.rel @!p2 .LBB1_6-.Ltmp1, $4  }
0x1a: {  	s15 =	simm.s32 @!p1 $0x2  }
0x1b: {  	s13 =	smov.u32 s10;
	p0 =	por !p0, !p0;
	_ =	swait.ge @!p1 [sflag:s15], $0x2000  }
0x1c: {  	s12 =	smov.u32 s9;
	[sflag:s15] =	ssyncset.done @!p1 $0x0;
	s9 =	smov.u32 s14  }
0x1d: {  	s11 =	sadd.s32 $0x1, s11;
	[sflag:s15] =	ssyncadd.s32 @!p1 $0xFFFFE000;
	s10 =	smov.u32 s16  }
.LBB1_1:
0x1e: {  	p1 =	sge.u32 s11, s5  }
0x1f: {  	s14 =	sand.u32 @!p1 $0x1FFFFFF, s9  }
0x20: {  	s15 =	smulhi.u32 @!p1 $0x147AE15, s14;
	_ =	sdelay $0x1  }
0x21: {  	s15 =	smul.u32 @!p1 $0xC8, s15  }
0x22: {  	s16 =	sxor.u32 @!p1 $0xFFFFFFFF, s11;
	s17 =	smul.u32 @!p1 $0xC80, s10  }
0x23: {  	s31 =	sadd.s32 $0xFFFFFFFF, s11;
	s16 =	sshll.u32 @!p1 s16, $0xD;
	s14 =	ssub.s32 @!p1 s14, s15  }
0x24: {  	s15 =	sand.u32 @!p1 $0x2000, s16;
	s16 =	sadd.s32 @!p1 s6, s17;
	s14 =	sshll.u32 @!p1 s14, $0x4  }
0x25: {  	s17 =	simm.s32 @!p1 $0x6400;
	s14 =	sadd.s32 @!p1 s14, s16;
	s16 =	simm.s32 @!p1 $0x40  }
0x26: {  	[tilespmem:s15], [sflag:$0x1] =	stream.strided.gather @!p1 [hbm4b:s14+s16], $0x2000, s17, s16, $0x38;
	[tilespmem:$0x8080] =	vst v63  }
0x27: {  	p1 =	sge.u32 s31, s5  }
.Ltmp2:
0x28: {  	_ = 	snop;
	(pc) =	sbr.rel @p1 .LBB1_5-.Ltmp2, $1  }
0x29: {  	_ =	sdelay $0x3  }
0x2a: {  	s14 =	simm.s32 $0x1  }
0x2b: {  	_ =	swait.ge [sflag:s4], $0x2000;
	s14 =	simm.s32 @!p0 $0x0  }
0x2c: {  	[sflag:s4] =	ssyncset.done $0x0;
	s15 =	sshll.u32 s14, $0xD  }
0x2d: {  	[sflag:s4] =	ssyncadd.s32 $0xFFFFE000;
	s18 =	sor.u32 $0x20, s15  }
0x2e: {  	s14 =	smul.u32 $0x8100, s14;
	v3 =	vld [tilespmem:s18+$0x10]  }
0x2f: {  	s30 =	sand.u32 $0x1, s11;
	v2 =	vld [tilespmem:s18+$0xFFFFFFF0]  }
0x30: {  	s15 =	smul.u32 $0x8100, s30;
	s14 =	sshrl.u32 s14, $0x2;
	v0 =	vld [tilespmem:s18+$0x0]  }
0x31: {  	v1 =	vld [tilespmem:s18+$0xFFFFFFE0];
	s16 =	sor.u32 $0x4000, s14  }
0x32: {  	s31 =	sshrl.u32 s15, $0x2;
	s15 =	sadd.s32 $0x0, s16  }
0x33: {  	s17 =	simm.s32 $0x4;
	s18 =	sadd.s32 $0x40, s18;
	s14 =	sor.u32 $0x4000, s31;
	[tilespmem:s15+$0x1830 ss:$0x81] =	vst.msk $0xffff, v3  }
.LBB1_3:
0x34: {  	v3 =	vld [tilespmem:s18+$0x10];
	p1 =	sne.s32 s17, $0x1FC;
	[tilespmem:s15+$0x810 ss:$0x81] =	vst.msk $0xffff, v2;
	s19 =	smov.u32 s17;
	s17 =	sadd.s32 $0x4, s17  }
.Ltmp3:
0x35: {  	v2 =	vld [tilespmem:s18+$0xFFFFFFF0];
	[tilespmem:s15+$0x1020 ss:$0x81] =	vst.msk $0xffff, v0;
	(pc) =	sbr.rel @p1 .LBB1_3-.Ltmp3, $4  }
0x36: {  	v0 =	vld [tilespmem:s18+$0x0];
	[tilespmem:s15+$0x0 ss:$0x81] =	vst.msk $0xffff, v1  }
0x37: {  	s15 =	sshra.s32 s19, $0x2;
	v1 =	vld [tilespmem:s18+$0xFFFFFFE0]  }
0x38: {  	s15 =	sadd.s32 s15, s16  }
0x39: {  	s18 =	sadd.s32 $0x40, s18;
	[tilespmem:s15+$0x1830 ss:$0x81] =	vst.msk $0xffff, v3  }
.Ltmp4:
0x3a: {  	_ = 	snop;
	(pc) =	sbr.rel .LBB1_4-.Ltmp4, $1  }
0x3b: {  	_ =	sdelay $0x3  }
.LBB1_6:
0x3c: {  	_ =	sfence.sel $0x180000  }
0x3d: {  	s2 =	simm.s32 $0x1;
	[bflag:$0x0] =	sbarrier.arrive $0xFFFF  }
0x3e: {  	s31 =	simm.s32 $0x2;
	[sflag:s2] =	ssyncpa.u1 $0x1  }
0x3f: {  	[sflag:s31] =	ssyncpa.u1 $0x1  }
0x40: {  	p0 =	sne.s32 s0, $0x0;
	_ =	strace $0x9000004A  }
0x41: {  	s0 =	sadd.s32 @!p0 $0x100000, s1;
	[bflag:$0x2] =	sbarrier.arrive $0xFFFF  }
0x42: {  	[sflag:s0] =	ssyncadd.tile.s32 @!p0 $0x1;
	_ =	shalt  }
.Lfunc_end1:
_tile_overlayer_lowered:
.L_overlay_start_2:
0x43: {  	(tag) =	ssettag $0x2  }
0x44: {  	s0 =	rddreg [dreg:$0x0];
	s2 =	stileid.u32  }
0x45: {  	s1 =	rddreg [dreg:$0x1];
	p0 =	sne.s32 s2, $0x0  }
0x46: {  	s3 =	rddreg [dreg:$0x2];
	[bflag:$0x3] =	sbarrier.arrive $0xFFFF;
	s2 =	simm.s32 @!p0 $0x1C01  }
0x47: {  	[timem:s3], [sflag:s2] =	dma.local @!p0 [hbm:s0], s1  }
0x48: {  	s0 =	simm.s32 @!p0 $0x1  }
0x49: {  	_ =	swait.ge @!p0 [sflag:s0], s1  }
0x4a: {  	s1 =	ssub.s32 @!p0 $0x0, s1;
	[sflag:s0] =	ssyncset.done @!p0 $0x0  }
0x4b: {  	[sflag:s0] =	ssyncadd.s32 @!p0 s1  }
0x4c: {  	[bflag:$0x3] =	sbarrier.arrive $0xFFFF  }
0x4d: {  	_ =	shalt  }

</sc_bundles>
